<compile_context>
chip_gen: v7x
topology: tpu7x:2x2x1
jax: 0.10.2.dev20260603
libtpu: 0.0.44.dev20260713+nightly
codegen_flags: <defaults>
</compile_context>

<pallas_src>
import functools

import jax
import jax.numpy as jnp
from jax import lax
from jax.experimental import pallas as pl
from jax.experimental.pallas import tpu as pltpu
from jax.experimental.pallas import tpu_sc as plsc

N_NODES = 10000
N_EDGES = 160000
D = 256
NQ = 4
FW = D // NQ

NPAD = 10240
ROWS_PER_SUB = NPAD // 16
EPAD = 163840
CW = 128
K = EPAD // CW // 32
NBUF = 4

_mesh = plsc.VectorSubcoreMesh(core_axis_name="c", subcore_axis_name="s")


@functools.partial(
    pl.kernel,
    mesh=_mesh,
    compiler_params=pltpu.CompilerParams(use_tc_tiling_on_sc=False),
    out_type=[
        jax.ShapeDtypeStruct((2, NQ, NPAD, FW), jnp.float32),
        jax.ShapeDtypeStruct((2, NPAD, 16), jnp.float32),
    ],
    scratch_types=[
        pltpu.VMEM((K, CW), jnp.int32),
        pltpu.VMEM((K, CW), jnp.int32),
        pltpu.VMEM((K, CW), jnp.int32),
        [pltpu.VMEM((CW, FW), jnp.float32) for _ in range(NBUF)],
        pltpu.VMEM((CW, FW), jnp.float32),
        pltpu.VMEM((CW, 16), jnp.float32),
        pltpu.VMEM((ROWS_PER_SUB, 16), jnp.float32),
        pltpu.VMEM_SHARED((NPAD, FW), jnp.float32),
        pltpu.VMEM_SHARED((NPAD, 16), jnp.float32),
        [pltpu.SemaphoreType.DMA for _ in range(NBUF)],
        [pltpu.SemaphoreType.DMA for _ in range(NBUF)],
        [pltpu.SemaphoreType.DMA for _ in range(NBUF)],
        pltpu.SemaphoreType.DMA,
    ],
)
def _sc_aggregate(tbl, src_a, dst_a, psum, pdeg,
                  idx_r, idx_s, idx_d, rows, zrows, ones_v, dbuf,
                  acc_sh, deg_sh, sg, ss, sd, swb):
    c = lax.axis_index("c")
    s = lax.axis_index("s")
    base = s * ROWS_PER_SUB
    wid = c * 16 + s

    def _fill_const(i, _):
        for l in range(FW // 16):
            zrows[i, pl.ds(l * 16, 16)] = jnp.zeros((16,), jnp.float32)
        ones_v[i, :] = jnp.ones((16,), jnp.float32)
        return 0

    lax.fori_loop(0, CW, _fill_const, 0, unroll=False)

    def _fill_dbuf(i, _):
        dbuf[i, :] = jnp.zeros((16,), jnp.float32)
        return 0

    lax.fori_loop(0, ROWS_PER_SUB, _fill_dbuf, 0, unroll=False)

    def _zero_stripe():
        def _z(t, _):
            pltpu.sync_copy(zrows, acc_sh.at[pl.ds(base + t * CW, CW)])
            return 0
        lax.fori_loop(0, ROWS_PER_SUB // CW, _z, 0, unroll=False)

    def _writeback(p):
        for t in range(ROWS_PER_SUB // CW):
            b = t % 2
            if t >= 2:
                pltpu.make_async_copy(
                    rows[b], psum.at[c, p, pl.ds(base, CW)], swb).wait()
            pltpu.sync_copy(acc_sh.at[pl.ds(base + t * CW, CW)], rows[b])
            pltpu.async_copy(
                rows[b], psum.at[c, p, pl.ds(base + t * CW, CW)], swb)
        for t in range(2):
            pltpu.make_async_copy(
                rows[t], psum.at[c, p, pl.ds(base, CW)], swb).wait()

    def _mkidx(q):
        def _m(i, __):
            for l in range(CW // 16):
                idx_s[i, pl.ds(l * 16, 16)] = (
                    idx_r[i, pl.ds(l * 16, 16)] * NQ + q)
            return 0
        lax.fori_loop(0, K, _m, 0, unroll=False)

    def _ring(with_deg):
        for b in range(NBUF):
            pltpu.async_copy(tbl.at[idx_s.at[b]], rows[b], sg[b])

        def _ring_block(t, __):
            for b in range(NBUF):
                j = t * NBUF + b
                pltpu.make_async_copy(
                    tbl.at[idx_s.at[0]], rows[b], sg[b]).wait()
                pltpu.async_copy(
                    rows[b], acc_sh.at[idx_d.at[j]], ss[b], add=True)
                if with_deg:
                    pltpu.async_copy(
                        ones_v, deg_sh.at[idx_d.at[j]], sd[b], add=True)
                pltpu.make_async_copy(
                    rows[b], acc_sh.at[idx_d.at[0]], ss[b]).wait()
                if with_deg:
                    pltpu.make_async_copy(
                        ones_v, deg_sh.at[idx_d.at[0]], sd[b]).wait()

                @pl.when(t < K // NBUF - 1)
                def _():
                    pltpu.async_copy(
                        tbl.at[idx_s.at[j + NBUF]], rows[b], sg[b])
            return 0

        lax.fori_loop(0, K // NBUF, _ring_block, 0, unroll=False)

    pltpu.sync_copy(src_a.at[wid], idx_r)
    pltpu.sync_copy(dst_a.at[wid], idx_d)

    _zero_stripe()
    pltpu.sync_copy(dbuf, deg_sh.at[pl.ds(base, ROWS_PER_SUB)])
    plsc.subcore_barrier()

    _mkidx(0)
    _ring(with_deg=True)
    plsc.subcore_barrier()
    _writeback(0)
    pltpu.sync_copy(deg_sh.at[pl.ds(base, ROWS_PER_SUB)], dbuf)
    pltpu.sync_copy(dbuf, pdeg.at[c, pl.ds(base, ROWS_PER_SUB)])
    _zero_stripe()
    plsc.subcore_barrier()

    def _quarter(q, _):
        _mkidx(q)
        _ring(with_deg=False)
        plsc.subcore_barrier()
        _writeback(q)

        @pl.when(q < NQ - 1)
        def _():
            _zero_stripe()
        plsc.subcore_barrier()
        return 0

    lax.fori_loop(1, NQ, _quarter, 0, unroll=False)


BLK = 2000


def _tc_self_body(x_ref, wst, b_ref, o_ref):
    o_ref[...] = (
        jnp.dot(x_ref[...], wst[...], preferred_element_type=jnp.float32)
        + b_ref[...]
    )


def _tc_self(x, wst, b2d):
    return pl.pallas_call(
        _tc_self_body,
        grid=(N_NODES // BLK,),
        in_specs=[
            pl.BlockSpec((BLK, D), lambda i: (i, 0)),
            pl.BlockSpec((D, D), lambda i: (0, 0)),
            pl.BlockSpec((1, D), lambda i: (0, 0)),
        ],
        out_specs=pl.BlockSpec((BLK, D), lambda i: (i, 0)),
        out_shape=jax.ShapeDtypeStruct((N_NODES, D), jnp.float32),
    )(x, wst, b2d)


def _tc_tail_body(self_ref, ps, dg, wnt, o_ref):
    deg = jnp.maximum(dg[0, :, 0:1] + dg[1, :, 0:1], 1.0)
    hn = jnp.concatenate(
        [ps[0, q] + ps[1, q] for q in range(NQ)], axis=1) / deg
    o_ref[...] = self_ref[...] + jnp.dot(
        hn, wnt[...], preferred_element_type=jnp.float32)


def _tc_tail(self_part, psum, pdeg, wnt):
    return pl.pallas_call(
        _tc_tail_body,
        grid=(N_NODES // BLK,),
        in_specs=[
            pl.BlockSpec((BLK, D), lambda i: (i, 0)),
            pl.BlockSpec((2, NQ, BLK, FW), lambda i: (0, 0, i, 0)),
            pl.BlockSpec((2, BLK, 16), lambda i: (0, i, 0)),
            pl.BlockSpec((D, D), lambda i: (0, 0)),
        ],
        out_specs=pl.BlockSpec((BLK, D), lambda i: (i, 0)),
        out_shape=jax.ShapeDtypeStruct((N_NODES, D), jnp.float32),
    )(self_part, psum, pdeg, wnt)


def kernel(x, edge_index, W_self, W_neigh, b):
    x = x.astype(jnp.float32)
    src = edge_index[0].astype(jnp.int32)
    dst = edge_index[1].astype(jnp.int32)

    tbl = x.reshape(N_NODES * NQ, FW)

    npad_e = EPAD - N_EDGES
    pad_src = (jnp.arange(npad_e, dtype=jnp.int32) * 41) % N_NODES
    pad_dst = N_NODES + (
        jnp.arange(npad_e, dtype=jnp.int32) % (NPAD - N_NODES))
    src_a = jnp.concatenate([src, pad_src]).reshape(32, K, CW)
    dst_a = jnp.concatenate([dst, pad_dst]).reshape(32, K, CW)

    psum, pdeg = _sc_aggregate(tbl, src_a, dst_a)
    self_part = _tc_self(x, W_self.T, b.reshape(1, D))

    return _tc_tail(self_part, psum, pdeg, W_neigh.T)

# --- scband reference (transcript-rebuilt; emitter-appended) ---
"""Pipeline reference for scband-gn-18038862643634 (READ-ONLY COPY).

The authoritative reference and input builder live on the scoring server;
editing this copy changes nothing except your own understanding.
"""

import jax, jax.numpy as jnp
import numpy as np

N_NODES = 10000
N_EDGES = 160000
D_IN = 256
D_OUT = 256


def setup_inputs(seed: int = 0) -> dict:
    key = jax.random.key(seed)
    k_x, k_ei, k_ws, k_wn, k_b = jax.random.split(key, 5)
    x = jax.random.normal(k_x, (N_NODES, D_IN), dtype=jnp.float32)
    edge_index = jax.random.randint(k_ei, (2, N_EDGES), 0, N_NODES, dtype=jnp.int64)
    # DGL SAGEConv(aggregator_type='mean') parameters: fc_self, fc_neigh (Linear), bias
    bound_s = 1.0 / np.sqrt(D_IN)
    W_self = jax.random.uniform(k_ws, (D_OUT, D_IN), minval=-bound_s, maxval=bound_s, dtype=jnp.float32)
    W_neigh = jax.random.uniform(k_wn, (D_OUT, D_IN), minval=-bound_s, maxval=bound_s, dtype=jnp.float32)
    b = jax.random.uniform(k_b, (D_OUT,), minval=-bound_s, maxval=bound_s, dtype=jnp.float32)
    return {"x": x, "edge_index": edge_index, "W_self": W_self, "W_neigh": W_neigh, "b": b}


def reference(x, edge_index, W_self, W_neigh, b):
    # GN.forward: extract node features, run SAGEConv (mean aggregator) on the
    # homogeneous atom-atom subgraph, write result back. We return updated h.
    n = x.shape[0]
    src = edge_index[0]
    dst = edge_index[1]
    # message passing: gather src features, mean-reduce onto dst nodes
    msgs = jnp.take(x, src, axis=0)                                   # [E, D_IN] gather
    summed = jax.ops.segment_sum(msgs, dst, num_segments=n)           # [N, D_IN] scatter-add
    deg = jax.ops.segment_sum(jnp.ones((src.shape[0],), dtype=x.dtype), dst, num_segments=n)
    h_neigh = summed / jnp.maximum(deg, 1.0)[:, None]                 # mean aggregation
    # rst = fc_self(h_self) + fc_neigh(h_neigh) + bias
    out = x @ W_self.T + h_neigh @ W_neigh.T + b
    return out

if __name__ == "__main__":
    import jax
    _d = setup_inputs()
    print(jax.jit(kernel)(*tuple(_d.values())))

</pallas_src>

<mosaic_0001>
#map = affine_map<(d0, d1) -> (0, 0)>
#map1 = affine_map<(d0, d1) -> (0, 0, 0)>
#map2 = affine_map<(d0, d1) -> (0, 0, 0, 0)>
module attributes {stable_mosaic.version = 14 : i64} {
  func.func @_sc_aggregate(%arg0: i32, %arg1: i32, %arg2: memref<40000x64xf32, #tpu.memory_space<hbm>>, %arg3: memref<32x40x128xi32, #tpu.memory_space<hbm>>, %arg4: memref<32x40x128xi32, #tpu.memory_space<hbm>>, %arg5: memref<2x4x10240x64xf32, #tpu.memory_space<hbm>>, %arg6: memref<2x10240x16xf32, #tpu.memory_space<hbm>>, %arg7: memref<40x128xi32, #tpu.memory_space<vmem>>, %arg8: memref<40x128xi32, #tpu.memory_space<vmem>>, %arg9: memref<40x128xi32, #tpu.memory_space<vmem>>, %arg10: memref<128x64xf32, #tpu.memory_space<vmem>>, %arg11: memref<128x64xf32, #tpu.memory_space<vmem>>, %arg12: memref<128x64xf32, #tpu.memory_space<vmem>>, %arg13: memref<128x64xf32, #tpu.memory_space<vmem>>, %arg14: memref<128x64xf32, #tpu.memory_space<vmem>>, %arg15: memref<128x16xf32, #tpu.memory_space<vmem>>, %arg16: memref<640x16xf32, #tpu.memory_space<vmem>>, %arg17: memref<10240x64xf32, #tpu.memory_space<vmem_shared>>, %arg18: memref<10240x16xf32, #tpu.memory_space<vmem_shared>>, %arg19: memref<!tpu.dma_semaphore, #tpu.memory_space<semaphore_mem>>, %arg20: memref<!tpu.dma_semaphore, #tpu.memory_space<semaphore_mem>>, %arg21: memref<!tpu.dma_semaphore, #tpu.memory_space<semaphore_mem>>, %arg22: memref<!tpu.dma_semaphore, #tpu.memory_space<semaphore_mem>>, %arg23: memref<!tpu.dma_semaphore, #tpu.memory_space<semaphore_mem>>, %arg24: memref<!tpu.dma_semaphore, #tpu.memory_space<semaphore_mem>>, %arg25: memref<!tpu.dma_semaphore, #tpu.memory_space<semaphore_mem>>, %arg26: memref<!tpu.dma_semaphore, #tpu.memory_space<semaphore_mem>>, %arg27: memref<!tpu.dma_semaphore, #tpu.memory_space<semaphore_mem>>, %arg28: memref<!tpu.dma_semaphore, #tpu.memory_space<semaphore_mem>>, %arg29: memref<!tpu.dma_semaphore, #tpu.memory_space<semaphore_mem>>, %arg30: memref<!tpu.dma_semaphore, #tpu.memory_space<semaphore_mem>>, %arg31: memref<!tpu.dma_semaphore, #tpu.memory_space<semaphore_mem>>) attributes {dimension_semantics = [#tpu.dimension_semantics<core_parallel>, #tpu.dimension_semantics<subcore_parallel>], iteration_bounds = array<i64: 2, 16>, scalar_prefetch = 0 : i64, scratch_operands = 25 : i64, tpu.core_type = #tpu.core_type<sc_vector_subcore>, window_params = [{transform_indices = #map}, {transform_indices = #map1}, {transform_indices = #map1}, {transform_indices = #map2}, {transform_indices = #map1}]} {
    %mul3A = arith.constant 640 : i32
    %mul3A_0 = arith.muli %arg1, %mul3A : i32
    %mul3A_1 = arith.constant 16 : i32
    %mul3A_2 = arith.muli %arg0, %mul3A_1 : i32
    %add3A = arith.addi %mul3A_2, %arg1 : i32
    %scan3A = arith.constant 0 : i32
    %scan3A_3 = arith.constant 0 : i32
    %scan3A_4 = arith.constant 128 : i32
    %scan3A_5 = arith.addi %scan3A_3, %scan3A_4 : i32
    %scan3A_6 = arith.constant 1 : i32
    %scan3A_7 = scf.for %scan3A_169 = %scan3A_3 to %scan3A_5 step %scan3A_6 iter_args(%scan3A_170 = %scan3A) -> (i32)  : i32 {
      %broadcast_in_dim3A = arith.constant 0.000000e+00 : f32
      %broadcast_in_dim3A_171 = vector.broadcast %broadcast_in_dim3A : f32 to vector<16xf32>
      %swap3A = arith.index_cast %scan3A_169 : i32 to index
      %swap3A_172 = arith.constant 0 : index
      %swap3A_173 = tpu.vector_load %arg14[%swap3A, %swap3A_172] {strides = array<i32>} : memref<128x64xf32, #tpu.memory_space<vmem>>, vector<1x16xf32>,
      %swap3A_174 = vector.shape_cast %swap3A_173 : vector<1x16xf32> to vector<16xf32>
      %swap3A_175 = vector.shape_cast %broadcast_in_dim3A_171 : vector<16xf32> to vector<1x16xf32>
      tpu.vector_store %arg14[%swap3A, %swap3A_172], %swap3A_175 {strides = array<i32>} : memref<128x64xf32, #tpu.memory_space<vmem>>, vector<1x16xf32>,
      %broadcast_in_dim3A_176 = arith.constant 0.000000e+00 : f32
      %broadcast_in_dim3A_177 = vector.broadcast %broadcast_in_dim3A_176 : f32 to vector<16xf32>
      %swap3A_178 = arith.index_cast %scan3A_169 : i32 to index
      %swap3A_179 = arith.constant 16 : index
      %swap3A_180 = tpu.vector_load %arg14[%swap3A_178, %swap3A_179] {strides = array<i32>} : memref<128x64xf32, #tpu.memory_space<vmem>>, vector<1x16xf32>,
      %swap3A_181 = vector.shape_cast %swap3A_180 : vector<1x16xf32> to vector<16xf32>
      %swap3A_182 = vector.shape_cast %broadcast_in_dim3A_177 : vector<16xf32> to vector<1x16xf32>
      tpu.vector_store %arg14[%swap3A_178, %swap3A_179], %swap3A_182 {strides = array<i32>} : memref<128x64xf32, #tpu.memory_space<vmem>>, vector<1x16xf32>,
      %broadcast_in_dim3A_183 = arith.constant 0.000000e+00 : f32
      %broadcast_in_dim3A_184 = vector.broadcast %broadcast_in_dim3A_183 : f32 to vector<16xf32>
      %swap3A_185 = arith.index_cast %scan3A_169 : i32 to index
      %swap3A_186 = arith.constant 32 : index
      %swap3A_187 = tpu.vector_load %arg14[%swap3A_185, %swap3A_186] {strides = array<i32>} : memref<128x64xf32, #tpu.memory_space<vmem>>, vector<1x16xf32>,
      %swap3A_188 = vector.shape_cast %swap3A_187 : vector<1x16xf32> to vector<16xf32>
      %swap3A_189 = vector.shape_cast %broadcast_in_dim3A_184 : vector<16xf32> to vector<1x16xf32>
      tpu.vector_store %arg14[%swap3A_185, %swap3A_186], %swap3A_189 {strides = array<i32>} : memref<128x64xf32, #tpu.memory_space<vmem>>, vector<1x16xf32>,
      %broadcast_in_dim3A_190 = arith.constant 0.000000e+00 : f32
      %broadcast_in_dim3A_191 = vector.broadcast %broadcast_in_dim3A_190 : f32 to vector<16xf32>
      %swap3A_192 = arith.index_cast %scan3A_169 : i32 to index
      %swap3A_193 = arith.constant 48 : index
      %swap3A_194 = tpu.vector_load %arg14[%swap3A_192, %swap3A_193] {strides = array<i32>} : memref<128x64xf32, #tpu.memory_space<vmem>>, vector<1x16xf32>,
      %swap3A_195 = vector.shape_cast %swap3A_194 : vector<1x16xf32> to vector<16xf32>
      %swap3A_196 = vector.shape_cast %broadcast_in_dim3A_191 : vector<16xf32> to vector<1x16xf32>
      tpu.vector_store %arg14[%swap3A_192, %swap3A_193], %swap3A_196 {strides = array<i32>} : memref<128x64xf32, #tpu.memory_space<vmem>>, vector<1x16xf32>,
      %broadcast_in_dim3A_197 = arith.constant 1.000000e+00 : f32
      %broadcast_in_dim3A_198 = vector.broadcast %broadcast_in_dim3A_197 : f32 to vector<16xf32>
      %swap3A_199 = arith.index_cast %scan3A_169 : i32 to index
      %swap3A_200 = arith.constant 0 : index
      %swap3A_201 = tpu.vector_load %arg15[%swap3A_199, %swap3A_200] {strides = array<i32>} : memref<128x16xf32, #tpu.memory_space<vmem>>, vector<1x16xf32>,
      %swap3A_202 = vector.shape_cast %swap3A_201 : vector<1x16xf32> to vector<16xf32>
      %swap3A_203 = vector.shape_cast %broadcast_in_dim3A_198 : vector<16xf32> to vector<1x16xf32>
      tpu.vector_store %arg15[%swap3A_199, %swap3A_200], %swap3A_203 {strides = array<i32>} : memref<128x16xf32, #tpu.memory_space<vmem>>, vector<1x16xf32>,
      %scan3A_204 = arith.constant 0 : i32
      scf.yield %scan3A_204 : i32
    }
    %scan3A_8 = arith.constant 128 : i32
    %scan3A_9 = arith.constant 0 : i32
    %scan3A_10 = arith.constant 0 : i32
    %scan3A_11 = arith.constant 640 : i32
    %scan3A_12 = arith.addi %scan3A_10, %scan3A_11 : i32
    %scan3A_13 = arith.constant 1 : i32
    %scan3A_14 = scf.for %scan3A_169 = %scan3A_10 to %scan3A_12 step %scan3A_13 iter_args(%scan3A_170 = %scan3A_9) -> (i32)  : i32 {
      %broadcast_in_dim3A = arith.constant 0.000000e+00 : f32
      %broadcast_in_dim3A_171 = vector.broadcast %broadcast_in_dim3A : f32 to vector<16xf32>
      %swap3A = arith.index_cast %scan3A_169 : i32 to index
      %swap3A_172 = arith.constant 0 : index
      %swap3A_173 = tpu.vector_load %arg16[%swap3A, %swap3A_172] {strides = array<i32>} : memref<640x16xf32, #tpu.memory_space<vmem>>, vector<1x16xf32>,
      %swap3A_174 = vector.shape_cast %swap3A_173 : vector<1x16xf32> to vector<16xf32>
      %swap3A_175 = vector.shape_cast %broadcast_in_dim3A_171 : vector<16xf32> to vector<1x16xf32>
      tpu.vector_store %arg16[%swap3A, %swap3A_172], %swap3A_175 {strides = array<i32>} : memref<640x16xf32, #tpu.memory_space<vmem>>, vector<1x16xf32>,
      %scan3A_176 = arith.constant 0 : i32
      scf.yield %scan3A_176 : i32
    }
    %scan3A_15 = arith.constant 640 : i32
    "tpu.region"() ({
      %run_scoped3A = tpu.sem_alloc : memref<!tpu.dma_semaphore, #tpu.memory_space<semaphore_mem>>
      %dma_start3A_169 = arith.constant 0 : i32
      %dma_start3A_170 = arith.constant 0 : i32
      %dma_start3A_171 = tpu.memref_slice %arg3[%add3A, %dma_start3A_169, %dma_start3A_170] : memref<32x40x128xi32, #tpu.memory_space<hbm>> -> memref<1x40x128xi32, #tpu.memory_space<hbm>>
      %dma_start3A_172 = tpu.memref_squeeze %dma_start3A_171 : memref<1x40x128xi32, #tpu.memory_space<hbm>> -> memref<40x128xi32, #tpu.memory_space<hbm>>
      %dma_start3A_173 = arith.constant 0 : i32
      %dma_start3A_174 = arith.constant 0 : i32
      %dma_start3A_175 = tpu.memref_slice %arg3[%add3A, %dma_start3A_173, %dma_start3A_174] : memref<32x40x128xi32, #tpu.memory_space<hbm>> -> memref<1x40x128xi32, #tpu.memory_space<hbm>>
      %dma_start3A_176 = tpu.memref_squeeze %dma_start3A_175 : memref<1x40x128xi32, #tpu.memory_space<hbm>> -> memref<40x128xi32, #tpu.memory_space<hbm>>
      tpu.enqueue_dma source(%dma_start3A_176 : memref<40x128xi32, #tpu.memory_space<hbm>>) target(%arg7 : memref<40x128xi32, #tpu.memory_space<vmem>>) target_semaphore(%run_scoped3A : memref<!tpu.dma_semaphore, #tpu.memory_space<semaphore_mem>>)
      %dma_wait3A_177 = arith.constant 0 : i32
      %dma_wait3A_178 = arith.constant 0 : i32
      %dma_wait3A_179 = tpu.memref_slice %arg3[%add3A, %dma_wait3A_177, %dma_wait3A_178] : memref<32x40x128xi32, #tpu.memory_space<hbm>> -> memref<1x40x128xi32, #tpu.memory_space<hbm>>
      %dma_wait3A_180 = tpu.memref_squeeze %dma_wait3A_179 : memref<1x40x128xi32, #tpu.memory_space<hbm>> -> memref<40x128xi32, #tpu.memory_space<hbm>>
      %dma_wait3A_181 = arith.constant 0 : i32
      %dma_wait3A_182 = arith.constant 0 : i32
      %dma_wait3A_183 = tpu.memref_slice %arg3[%add3A, %dma_wait3A_181, %dma_wait3A_182] : memref<32x40x128xi32, #tpu.memory_space<hbm>> -> memref<1x40x128xi32, #tpu.memory_space<hbm>>
      %dma_wait3A_184 = tpu.memref_squeeze %dma_wait3A_183 : memref<1x40x128xi32, #tpu.memory_space<hbm>> -> memref<40x128xi32, #tpu.memory_space<hbm>>
      tpu.wait_dma2 semaphore(%run_scoped3A : memref<!tpu.dma_semaphore, #tpu.memory_space<semaphore_mem>>) src(%dma_wait3A_184 : memref<40x128xi32, #tpu.memory_space<hbm>>) dst(%arg7 : memref<40x128xi32, #tpu.memory_space<vmem>>)
      tpu.yield
    }) : () -> ()
    "tpu.region"() ({
      %run_scoped3A = tpu.sem_alloc : memref<!tpu.dma_semaphore, #tpu.memory_space<semaphore_mem>>
      %dma_start3A_169 = arith.constant 0 : i32
      %dma_start3A_170 = arith.constant 0 : i32
      %dma_start3A_171 = tpu.memref_slice %arg4[%add3A, %dma_start3A_169, %dma_start3A_170] : memref<32x40x128xi32, #tpu.memory_space<hbm>> -> memref<1x40x128xi32, #tpu.memory_space<hbm>>
      %dma_start3A_172 = tpu.memref_squeeze %dma_start3A_171 : memref<1x40x128xi32, #tpu.memory_space<hbm>> -> memref<40x128xi32, #tpu.memory_space<hbm>>
      %dma_start3A_173 = arith.constant 0 : i32
      %dma_start3A_174 = arith.constant 0 : i32
      %dma_start3A_175 = tpu.memref_slice %arg4[%add3A, %dma_start3A_173, %dma_start3A_174] : memref<32x40x128xi32, #tpu.memory_space<hbm>> -> memref<1x40x128xi32, #tpu.memory_space<hbm>>
      %dma_start3A_176 = tpu.memref_squeeze %dma_start3A_175 : memref<1x40x128xi32, #tpu.memory_space<hbm>> -> memref<40x128xi32, #tpu.memory_space<hbm>>
      tpu.enqueue_dma source(%dma_start3A_176 : memref<40x128xi32, #tpu.memory_space<hbm>>) target(%arg9 : memref<40x128xi32, #tpu.memory_space<vmem>>) target_semaphore(%run_scoped3A : memref<!tpu.dma_semaphore, #tpu.memory_space<semaphore_mem>>)
      %dma_wait3A_177 = arith.constant 0 : i32
      %dma_wait3A_178 = arith.constant 0 : i32
      %dma_wait3A_179 = tpu.memref_slice %arg4[%add3A, %dma_wait3A_177, %dma_wait3A_178] : memref<32x40x128xi32, #tpu.memory_space<hbm>> -> memref<1x40x128xi32, #tpu.memory_space<hbm>>
      %dma_wait3A_180 = tpu.memref_squeeze %dma_wait3A_179 : memref<1x40x128xi32, #tpu.memory_space<hbm>> -> memref<40x128xi32, #tpu.memory_space<hbm>>
      %dma_wait3A_181 = arith.constant 0 : i32
      %dma_wait3A_182 = arith.constant 0 : i32
      %dma_wait3A_183 = tpu.memref_slice %arg4[%add3A, %dma_wait3A_181, %dma_wait3A_182] : memref<32x40x128xi32, #tpu.memory_space<hbm>> -> memref<1x40x128xi32, #tpu.memory_space<hbm>>
      %dma_wait3A_184 = tpu.memref_squeeze %dma_wait3A_183 : memref<1x40x128xi32, #tpu.memory_space<hbm>> -> memref<40x128xi32, #tpu.memory_space<hbm>>
      tpu.wait_dma2 semaphore(%run_scoped3A : memref<!tpu.dma_semaphore, #tpu.memory_space<semaphore_mem>>) src(%dma_wait3A_184 : memref<40x128xi32, #tpu.memory_space<hbm>>) dst(%arg9 : memref<40x128xi32, #tpu.memory_space<vmem>>)
      tpu.yield
    }) : () -> ()
    %scan3A_16 = arith.constant 0 : i32
    %scan3A_17 = arith.constant 0 : i32
    %scan3A_18 = arith.constant 5 : i32
    %scan3A_19 = arith.addi %scan3A_17, %scan3A_18 : i32
    %scan3A_20 = arith.constant 1 : i32
    %scan3A_21 = scf.for %scan3A_169 = %scan3A_17 to %scan3A_19 step %scan3A_20 iter_args(%scan3A_170 = %scan3A_16) -> (i32)  : i32 {
      %mul3A_171 = arith.constant 128 : i32
      %mul3A_172 = arith.muli %scan3A_169, %mul3A_171 : i32
      %add3A_173 = arith.addi %mul3A_0, %mul3A_172 : i32
      "tpu.region"() ({
        %run_scoped3A = tpu.sem_alloc : memref<!tpu.dma_semaphore, #tpu.memory_space<semaphore_mem>>
        %dma_start3A_175 = arith.constant 0 : i32
        %dma_start3A_176 = tpu.memref_slice %arg17[%add3A_173, %dma_start3A_175] : memref<10240x64xf32, #tpu.memory_space<vmem_shared>> -> memref<128x64xf32, #tpu.memory_space<vmem_shared>>
        %dma_start3A_177 = arith.constant 0 : i32
        %dma_start3A_178 = tpu.memref_slice %arg17[%add3A_173, %dma_start3A_177] : memref<10240x64xf32, #tpu.memory_space<vmem_shared>> -> memref<128x64xf32, #tpu.memory_space<vmem_shared>>
        tpu.enqueue_dma source(%arg14 : memref<128x64xf32, #tpu.memory_space<vmem>>) target(%dma_start3A_178 : memref<128x64xf32, #tpu.memory_space<vmem_shared>>) target_semaphore(%run_scoped3A : memref<!tpu.dma_semaphore, #tpu.memory_space<semaphore_mem>>)
        %dma_wait3A_179 = arith.constant 0 : i32
        %dma_wait3A_180 = tpu.memref_slice %arg17[%add3A_173, %dma_wait3A_179] : memref<10240x64xf32, #tpu.memory_space<vmem_shared>> -> memref<128x64xf32, #tpu.memory_space<vmem_shared>>
        %dma_wait3A_181 = arith.constant 0 : i32
        %dma_wait3A_182 = tpu.memref_slice %arg17[%add3A_173, %dma_wait3A_181] : memref<10240x64xf32, #tpu.memory_space<vmem_shared>> -> memref<128x64xf32, #tpu.memory_space<vmem_shared>>
        tpu.wait_dma2 semaphore(%run_scoped3A : memref<!tpu.dma_semaphore, #tpu.memory_space<semaphore_mem>>) src(%arg14 : memref<128x64xf32, #tpu.memory_space<vmem>>) dst(%dma_wait3A_182 : memref<128x64xf32, #tpu.memory_space<vmem_shared>>)
        tpu.yield
      }) : () -> ()
      %scan3A_174 = arith.constant 0 : i32
      scf.yield %scan3A_174 : i32
    }
    %scan3A_22 = arith.constant 5 : i32
    "tpu.region"() ({
      %run_scoped3A = tpu.sem_alloc : memref<!tpu.dma_semaphore, #tpu.memory_space<semaphore_mem>>
      %dma_start3A_169 = arith.constant 0 : i32
      %dma_start3A_170 = tpu.memref_slice %arg18[%mul3A_0, %dma_start3A_169] : memref<10240x16xf32, #tpu.memory_space<vmem_shared>> -> memref<640x16xf32, #tpu.memory_space<vmem_shared>>
      %dma_start3A_171 = arith.constant 0 : i32
      %dma_start3A_172 = tpu.memref_slice %arg18[%mul3A_0, %dma_start3A_171] : memref<10240x16xf32, #tpu.memory_space<vmem_shared>> -> memref<640x16xf32, #tpu.memory_space<vmem_shared>>
      tpu.enqueue_dma source(%arg16 : memref<640x16xf32, #tpu.memory_space<vmem>>) target(%dma_start3A_172 : memref<640x16xf32, #tpu.memory_space<vmem_shared>>) target_semaphore(%run_scoped3A : memref<!tpu.dma_semaphore, #tpu.memory_space<semaphore_mem>>)
      %dma_wait3A_173 = arith.constant 0 : i32
      %dma_wait3A_174 = tpu.memref_slice %arg18[%mul3A_0, %dma_wait3A_173] : memref<10240x16xf32, #tpu.memory_space<vmem_shared>> -> memref<640x16xf32, #tpu.memory_space<vmem_shared>>
      %dma_wait3A_175 = arith.constant 0 : i32
      %dma_wait3A_176 = tpu.memref_slice %arg18[%mul3A_0, %dma_wait3A_175] : memref<10240x16xf32, #tpu.memory_space<vmem_shared>> -> memref<640x16xf32, #tpu.memory_space<vmem_shared>>
      tpu.wait_dma2 semaphore(%run_scoped3A : memref<!tpu.dma_semaphore, #tpu.memory_space<semaphore_mem>>) src(%arg16 : memref<640x16xf32, #tpu.memory_space<vmem>>) dst(%dma_wait3A_176 : memref<640x16xf32, #tpu.memory_space<vmem_shared>>)
      tpu.yield
    }) : () -> ()
    %barrier3A = arith.constant 0 : index
    tpu.barrier barrier_id(%barrier3A)
    %scan3A_23 = arith.constant 0 : i32
    %scan3A_24 = arith.constant 0 : i32
    %scan3A_25 = arith.constant 40 : i32
    %scan3A_26 = arith.addi %scan3A_24, %scan3A_25 : i32
    %scan3A_27 = arith.constant 1 : i32
    %scan3A_28 = scf.for %scan3A_169 = %scan3A_24 to %scan3A_26 step %scan3A_27 iter_args(%scan3A_170 = %scan3A_23) -> (i32)  : i32 {
      %get3A = arith.index_cast %scan3A_169 : i32 to index
      %get3A_171 = arith.constant 0 : index
      %get3A_172 = tpu.vector_load %arg7[%get3A, %get3A_171] {strides = array<i32>} : memref<40x128xi32, #tpu.memory_space<vmem>>, vector<1x16xi32>,
      %get3A_173 = vector.shape_cast %get3A_172 : vector<1x16xi32> to vector<16xi32>
      %mul3A_174 = arith.constant 4 : i32
      %mul3A_175 = vector.broadcast %mul3A_174 : i32 to vector<16xi32>
      %mul3A_176 = arith.muli %get3A_173, %mul3A_175 : vector<16xi32>
      %add3A_177 = arith.constant 0 : i32
      %add3A_178 = vector.broadcast %add3A_177 : i32 to vector<16xi32>
      %add3A_179 = arith.addi %mul3A_176, %add3A_178 : vector<16xi32>
      %swap3A = arith.index_cast %scan3A_169 : i32 to index
      %swap3A_180 = arith.constant 0 : index
      %swap3A_181 = tpu.vector_load %arg8[%swap3A, %swap3A_180] {strides = array<i32>} : memref<40x128xi32, #tpu.memory_space<vmem>>, vector<1x16xi32>,
      %swap3A_182 = vector.shape_cast %swap3A_181 : vector<1x16xi32> to vector<16xi32>
      %swap3A_183 = vector.shape_cast %add3A_179 : vector<16xi32> to vector<1x16xi32>
      tpu.vector_store %arg8[%swap3A, %swap3A_180], %swap3A_183 {strides = array<i32>} : memref<40x128xi32, #tpu.memory_space<vmem>>, vector<1x16xi32>,
      %get3A_184 = arith.index_cast %scan3A_169 : i32 to index
      %get3A_185 = arith.constant 16 : index
      %get3A_186 = tpu.vector_load %arg7[%get3A_184, %get3A_185] {strides = array<i32>} : memref<40x128xi32, #tpu.memory_space<vmem>>, vector<1x16xi32>,
      %get3A_187 = vector.shape_cast %get3A_186 : vector<1x16xi32> to vector<16xi32>
      %mul3A_188 = arith.constant 4 : i32
      %mul3A_189 = vector.broadcast %mul3A_188 : i32 to vector<16xi32>
      %mul3A_190 = arith.muli %get3A_187, %mul3A_189 : vector<16xi32>
      %add3A_191 = arith.constant 0 : i32
      %add3A_192 = vector.broadcast %add3A_191 : i32 to vector<16xi32>
      %add3A_193 = arith.addi %mul3A_190, %add3A_192 : vector<16xi32>
      %swap3A_194 = arith.index_cast %scan3A_169 : i32 to index
      %swap3A_195 = arith.constant 16 : index
      %swap3A_196 = tpu.vector_load %arg8[%swap3A_194, %swap3A_195] {strides = array<i32>} : memref<40x128xi32, #tpu.memory_space<vmem>>, vector<1x16xi32>,
      %swap3A_197 = vector.shape_cast %swap3A_196 : vector<1x16xi32> to vector<16xi32>
      %swap3A_198 = vector.shape_cast %add3A_193 : vector<16xi32> to vector<1x16xi32>
      tpu.vector_store %arg8[%swap3A_194, %swap3A_195], %swap3A_198 {strides = array<i32>} : memref<40x128xi32, #tpu.memory_space<vmem>>, vector<1x16xi32>,
      %get3A_199 = arith.index_cast %scan3A_169 : i32 to index
      %get3A_200 = arith.constant 32 : index
      %get3A_201 = tpu.vector_load %arg7[%get3A_199, %get3A_200] {strides = array<i32>} : memref<40x128xi32, #tpu.memory_space<vmem>>, vector<1x16xi32>,
      %get3A_202 = vector.shape_cast %get3A_201 : vector<1x16xi32> to vector<16xi32>
      %mul3A_203 = arith.constant 4 : i32
      %mul3A_204 = vector.broadcast %mul3A_203 : i32 to vector<16xi32>
      %mul3A_205 = arith.muli %get3A_202, %mul3A_204 : vector<16xi32>
      %add3A_206 = arith.constant 0 : i32
      %add3A_207 = vector.broadcast %add3A_206 : i32 to vector<16xi32>
      %add3A_208 = arith.addi %mul3A_205, %add3A_207 : vector<16xi32>
      %swap3A_209 = arith.index_cast %scan3A_169 : i32 to index
      %swap3A_210 = arith.constant 32 : index
      %swap3A_211 = tpu.vector_load %arg8[%swap3A_209, %swap3A_210] {strides = array<i32>} : memref<40x128xi32, #tpu.memory_space<vmem>>, vector<1x16xi32>,
      %swap3A_212 = vector.shape_cast %swap3A_211 : vector<1x16xi32> to vector<16xi32>
      %swap3A_213 = vector.shape_cast %add3A_208 : vector<16xi32> to vector<1x16xi32>
      tpu.vector_store %arg8[%swap3A_209, %swap3A_210], %swap3A_213 {strides = array<i32>} : memref<40x128xi32, #tpu.memory_space<vmem>>, vector<1x16xi32>,
      %get3A_214 = arith.index_cast %scan3A_169 : i32 to index
      %get3A_215 = arith.constant 48 : index
      %get3A_216 = tpu.vector_load %arg7[%get3A_214, %get3A_215] {strides = array<i32>} : memref<40x128xi32, #tpu.memory_space<vmem>>, vector<1x16xi32>,
      %get3A_217 = vector.shape_cast %get3A_216 : vector<1x16xi32> to vector<16xi32>
      %mul3A_218 = arith.constant 4 : i32
      %mul3A_219 = vector.broadcast %mul3A_218 : i32 to vector<16xi32>
      %mul3A_220 = arith.muli %get3A_217, %mul3A_219 : vector<16xi32>
      %add3A_221 = arith.constant 0 : i32
      %add3A_222 = vector.broadcast %add3A_221 : i32 to vector<16xi32>
      %add3A_223 = arith.addi %mul3A_220, %add3A_222 : vector<16xi32>
      %swap3A_224 = arith.index_cast %scan3A_169 : i32 to index
      %swap3A_225 = arith.constant 48 : index
      %swap3A_226 = tpu.vector_load %arg8[%swap3A_224, %swap3A_225] {strides = array<i32>} : memref<40x128xi32, #tpu.memory_space<vmem>>, vector<1x16xi32>,
      %swap3A_227 = vector.shape_cast %swap3A_226 : vector<1x16xi32> to vector<16xi32>
      %swap3A_228 = vector.shape_cast %add3A_223 : vector<16xi32> to vector<1x16xi32>
      tpu.vector_store %arg8[%swap3A_224, %swap3A_225], %swap3A_228 {strides = array<i32>} : memref<40x128xi32, #tpu.memory_space<vmem>>, vector<1x16xi32>,
      %get3A_229 = arith.index_cast %scan3A_169 : i32 to index
      %get3A_230 = arith.constant 64 : index
      %get3A_231 = tpu.vector_load %arg7[%get3A_229, %get3A_230] {strides = array<i32>} : memref<40x128xi32, #tpu.memory_space<vmem>>, vector<1x16xi32>,
      %get3A_232 = vector.shape_cast %get3A_231 : vector<1x16xi32> to vector<16xi32>
      %mul3A_233 = arith.constant 4 : i32
      %mul3A_234 = vector.broadcast %mul3A_233 : i32 to vector<16xi32>
      %mul3A_235 = arith.muli %get3A_232, %mul3A_234 : vector<16xi32>
      %add3A_236 = arith.constant 0 : i32
      %add3A_237 = vector.broadcast %add3A_236 : i32 to vector<16xi32>
      %add3A_238 = arith.addi %mul3A_235, %add3A_237 : vector<16xi32>
      %swap3A_239 = arith.index_cast %scan3A_169 : i32 to index
      %swap3A_240 = arith.constant 64 : index
      %swap3A_241 = tpu.vector_load %arg8[%swap3A_239, %swap3A_240] {strides = array<i32>} : memref<40x128xi32, #tpu.memory_space<vmem>>, vector<1x16xi32>,
      %swap3A_242 = vector.shape_cast %swap3A_241 : vector<1x16xi32> to vector<16xi32>
      %swap3A_243 = vector.shape_cast %add3A_238 : vector<16xi32> to vector<1x16xi32>
      tpu.vector_store %arg8[%swap3A_239, %swap3A_240], %swap3A_243 {strides = array<i32>} : memref<40x128xi32, #tpu.memory_space<vmem>>, vector<1x16xi32>,
      %get3A_244 = arith.index_cast %scan3A_169 : i32 to index
      %get3A_245 = arith.constant 80 : index
      %get3A_246 = tpu.vector_load %arg7[%get3A_244, %get3A_245] {strides = array<i32>} : memref<40x128xi32, #tpu.memory_space<vmem>>, vector<1x16xi32>,
      %get3A_247 = vector.shape_cast %get3A_246 : vector<1x16xi32> to vector<16xi32>
      %mul3A_248 = arith.constant 4 : i32
      %mul3A_249 = vector.broadcast %mul3A_248 : i32 to vector<16xi32>
      %mul3A_250 = arith.muli %get3A_247, %mul3A_249 : vector<16xi32>
      %add3A_251 = arith.constant 0 : i32
      %add3A_252 = vector.broadcast %add3A_251 : i32 to vector<16xi32>
      %add3A_253 = arith.addi %mul3A_250, %add3A_252 : vector<16xi32>
      %swap3A_254 = arith.index_cast %scan3A_169 : i32 to index
      %swap3A_255 = arith.constant 80 : index
      %swap3A_256 = tpu.vector_load %arg8[%swap3A_254, %swap3A_255] {strides = array<i32>} : memref<40x128xi32, #tpu.memory_space<vmem>>, vector<1x16xi32>,
      %swap3A_257 = vector.shape_cast %swap3A_256 : vector<1x16xi32> to vector<16xi32>
      %swap3A_258 = vector.shape_cast %add3A_253 : vector<16xi32> to vector<1x16xi32>
      tpu.vector_store %arg8[%swap3A_254, %swap3A_255], %swap3A_258 {strides = array<i32>} : memref<40x128xi32, #tpu.memory_space<vmem>>, vector<1x16xi32>,
      %get3A_259 = arith.index_cast %scan3A_169 : i32 to index
      %get3A_260 = arith.constant 96 : index
      %get3A_261 = tpu.vector_load %arg7[%get3A_259, %get3A_260] {strides = array<i32>} : memref<40x128xi32, #tpu.memory_space<vmem>>, vector<1x16xi32>,
      %get3A_262 = vector.shape_cast %get3A_261 : vector<1x16xi32> to vector<16xi32>
      %mul3A_263 = arith.constant 4 : i32
      %mul3A_264 = vector.broadcast %mul3A_263 : i32 to vector<16xi32>
      %mul3A_265 = arith.muli %get3A_262, %mul3A_264 : vector<16xi32>
      %add3A_266 = arith.constant 0 : i32
      %add3A_267 = vector.broadcast %add3A_266 : i32 to vector<16xi32>
      %add3A_268 = arith.addi %mul3A_265, %add3A_267 : vector<16xi32>
      %swap3A_269 = arith.index_cast %scan3A_169 : i32 to index
      %swap3A_270 = arith.constant 96 : index
      %swap3A_271 = tpu.vector_load %arg8[%swap3A_269, %swap3A_270] {strides = array<i32>} : memref<40x128xi32, #tpu.memory_space<vmem>>, vector<1x16xi32>,
      %swap3A_272 = vector.shape_cast %swap3A_271 : vector<1x16xi32> to vector<16xi32>
      %swap3A_273 = vector.shape_cast %add3A_268 : vector<16xi32> to vector<1x16xi32>
      tpu.vector_store %arg8[%swap3A_269, %swap3A_270], %swap3A_273 {strides = array<i32>} : memref<40x128xi32, #tpu.memory_space<vmem>>, vector<1x16xi32>,
      %get3A_274 = arith.index_cast %scan3A_169 : i32 to index
      %get3A_275 = arith.constant 112 : index
      %get3A_276 = tpu.vector_load %arg7[%get3A_274, %get3A_275] {strides = array<i32>} : memref<40x128xi32, #tpu.memory_space<vmem>>, vector<1x16xi32>,
      %get3A_277 = vector.shape_cast %get3A_276 : vector<1x16xi32> to vector<16xi32>
      %mul3A_278 = arith.constant 4 : i32
      %mul3A_279 = vector.broadcast %mul3A_278 : i32 to vector<16xi32>
      %mul3A_280 = arith.muli %get3A_277, %mul3A_279 : vector<16xi32>
      %add3A_281 = arith.constant 0 : i32
      %add3A_282 = vector.broadcast %add3A_281 : i32 to vector<16xi32>
      %add3A_283 = arith.addi %mul3A_280, %add3A_282 : vector<16xi32>
      %swap3A_284 = arith.index_cast %scan3A_169 : i32 to index
      %swap3A_285 = arith.constant 112 : index
      %swap3A_286 = tpu.vector_load %arg8[%swap3A_284, %swap3A_285] {strides = array<i32>} : memref<40x128xi32, #tpu.memory_space<vmem>>, vector<1x16xi32>,
      %swap3A_287 = vector.shape_cast %swap3A_286 : vector<1x16xi32> to vector<16xi32>
      %swap3A_288 = vector.shape_cast %add3A_283 : vector<16xi32> to vector<1x16xi32>
      tpu.vector_store %arg8[%swap3A_284, %swap3A_285], %swap3A_288 {strides = array<i32>} : memref<40x128xi32, #tpu.memory_space<vmem>>, vector<1x16xi32>,
      %scan3A_289 = arith.constant 0 : i32
      scf.yield %scan3A_289 : i32
    }
    %scan3A_29 = arith.constant 40 : i32
    %dma_start3A = arith.constant 0 : i32
    %dma_start3A_30 = arith.constant 0 : i32
    %dma_start3A_31 = tpu.memref_slice %arg8[%dma_start3A, %dma_start3A_30] : memref<40x128xi32, #tpu.memory_space<vmem>> -> memref<1x128xi32, #tpu.memory_space<vmem>>
    %dma_start3A_32 = tpu.memref_squeeze %dma_start3A_31 : memref<1x128xi32, #tpu.memory_space<vmem>> -> memref<128xi32, #tpu.memory_space<vmem>>
    %dma_start3A_33 = arith.constant 0 : i32
    %dma_start3A_34 = arith.constant 0 : i32
    %dma_start3A_35 = tpu.memref_slice %arg2[%dma_start3A_33, %dma_start3A_34] : memref<40000x64xf32, #tpu.memory_space<hbm>> -> memref<40000x64xf32, #tpu.memory_space<hbm>>
    tpu.enqueue_indirect_dma source(%dma_start3A_35 : memref<40000x64xf32, #tpu.memory_space<hbm>>) target(%arg10 : memref<128x64xf32, #tpu.memory_space<vmem>>) offsets(%dma_start3A_32 : memref<128xi32, #tpu.memory_space<vmem>>) semaphore(%arg19 : memref<!tpu.dma_semaphore, #tpu.memory_space<semaphore_mem>>)
    %dma_start3A_36 = arith.constant 1 : i32
    %dma_start3A_37 = arith.constant 0 : i32
    %dma_start3A_38 = tpu.memref_slice %arg8[%dma_start3A_36, %dma_start3A_37] : memref<40x128xi32, #tpu.memory_space<vmem>> -> memref<1x128xi32, #tpu.memory_space<vmem>>
    %dma_start3A_39 = tpu.memref_squeeze %dma_start3A_38 : memref<1x128xi32, #tpu.memory_space<vmem>> -> memref<128xi32, #tpu.memory_space<vmem>>
    %dma_start3A_40 = arith.constant 0 : i32
    %dma_start3A_41 = arith.constant 0 : i32
    %dma_start3A_42 = tpu.memref_slice %arg2[%dma_start3A_40, %dma_start3A_41] : memref<40000x64xf32, #tpu.memory_space<hbm>> -> memref<40000x64xf32, #tpu.memory_space<hbm>>
    tpu.enqueue_indirect_dma source(%dma_start3A_42 : memref<40000x64xf32, #tpu.memory_space<hbm>>) target(%arg11 : memref<128x64xf32, #tpu.memory_space<vmem>>) offsets(%dma_start3A_39 : memref<128xi32, #tpu.memory_space<vmem>>) semaphore(%arg20 : memref<!tpu.dma_semaphore, #tpu.memory_space<semaphore_mem>>)
    %dma_start3A_43 = arith.constant 2 : i32
    %dma_start3A_44 = arith.constant 0 : i32
    %dma_start3A_45 = tpu.memref_slice %arg8[%dma_start3A_43, %dma_start3A_44] : memref<40x128xi32, #tpu.memory_space<vmem>> -> memref<1x128xi32, #tpu.memory_space<vmem>>
    %dma_start3A_46 = tpu.memref_squeeze %dma_start3A_45 : memref<1x128xi32, #tpu.memory_space<vmem>> -> memref<128xi32, #tpu.memory_space<vmem>>
    %dma_start3A_47 = arith.constant 0 : i32
    %dma_start3A_48 = arith.constant 0 : i32
    %dma_start3A_49 = tpu.memref_slice %arg2[%dma_start3A_47, %dma_start3A_48] : memref<40000x64xf32, #tpu.memory_space<hbm>> -> memref<40000x64xf32, #tpu.memory_space<hbm>>
    tpu.enqueue_indirect_dma source(%dma_start3A_49 : memref<40000x64xf32, #tpu.memory_space<hbm>>) target(%arg12 : memref<128x64xf32, #tpu.memory_space<vmem>>) offsets(%dma_start3A_46 : memref<128xi32, #tpu.memory_space<vmem>>) semaphore(%arg21 : memref<!tpu.dma_semaphore, #tpu.memory_space<semaphore_mem>>)
    %dma_start3A_50 = arith.constant 3 : i32
    %dma_start3A_51 = arith.constant 0 : i32
    %dma_start3A_52 = tpu.memref_slice %arg8[%dma_start3A_50, %dma_start3A_51] : memref<40x128xi32, #tpu.memory_space<vmem>> -> memref<1x128xi32, #tpu.memory_space<vmem>>
    %dma_start3A_53 = tpu.memref_squeeze %dma_start3A_52 : memref<1x128xi32, #tpu.memory_space<vmem>> -> memref<128xi32, #tpu.memory_space<vmem>>
    %dma_start3A_54 = arith.constant 0 : i32
    %dma_start3A_55 = arith.constant 0 : i32
    %dma_start3A_56 = tpu.memref_slice %arg2[%dma_start3A_54, %dma_start3A_55] : memref<40000x64xf32, #tpu.memory_space<hbm>> -> memref<40000x64xf32, #tpu.memory_space<hbm>>
    tpu.enqueue_indirect_dma source(%dma_start3A_56 : memref<40000x64xf32, #tpu.memory_space<hbm>>) target(%arg13 : memref<128x64xf32, #tpu.memory_space<vmem>>) offsets(%dma_start3A_53 : memref<128xi32, #tpu.memory_space<vmem>>) semaphore(%arg22 : memref<!tpu.dma_semaphore, #tpu.memory_space<semaphore_mem>>)
    %scan3A_57 = arith.constant 0 : i32
    %scan3A_58 = arith.constant 0 : i32
    %scan3A_59 = arith.constant 10 : i32
    %scan3A_60 = arith.addi %scan3A_58, %scan3A_59 : i32
    %scan3A_61 = arith.constant 1 : i32
    %scan3A_62 = scf.for %scan3A_169 = %scan3A_58 to %scan3A_60 step %scan3A_61 iter_args(%scan3A_170 = %scan3A_57) -> (i32)  : i32 {
      %mul3A_171 = arith.constant 4 : i32
      %mul3A_172 = arith.muli %scan3A_169, %mul3A_171 : i32
      %add3A_173 = arith.constant 0 : i32
      %add3A_174 = arith.addi %mul3A_172, %add3A_173 : i32
      %dma_wait3A_175 = arith.constant 0 : i32
      %dma_wait3A_176 = arith.constant 0 : i32
      %dma_wait3A_177 = tpu.memref_slice %arg8[%dma_wait3A_175, %dma_wait3A_176] : memref<40x128xi32, #tpu.memory_space<vmem>> -> memref<1x128xi32, #tpu.memory_space<vmem>>
      %dma_wait3A_178 = tpu.memref_squeeze %dma_wait3A_177 : memref<1x128xi32, #tpu.memory_space<vmem>> -> memref<128xi32, #tpu.memory_space<vmem>>
      %dma_wait3A_179 = arith.constant 0 : i32
      %dma_wait3A_180 = arith.constant 0 : i32
      %dma_wait3A_181 = tpu.memref_slice %arg2[%dma_wait3A_179, %dma_wait3A_180] : memref<40000x64xf32, #tpu.memory_space<hbm>> -> memref<40000x64xf32, #tpu.memory_space<hbm>>
      tpu.wait_indirect_dma semaphore(%arg19 : memref<!tpu.dma_semaphore, #tpu.memory_space<semaphore_mem>>) src(%dma_wait3A_181 : memref<40000x64xf32, #tpu.memory_space<hbm>>) dst(%arg10 : memref<128x64xf32, #tpu.memory_space<vmem>>)
      %dma_start3A_182 = arith.constant 0 : i32
      %dma_start3A_183 = tpu.memref_slice %arg9[%add3A_174, %dma_start3A_182] : memref<40x128xi32, #tpu.memory_space<vmem>> -> memref<1x128xi32, #tpu.memory_space<vmem>>
      %dma_start3A_184 = tpu.memref_squeeze %dma_start3A_183 : memref<1x128xi32, #tpu.memory_space<vmem>> -> memref<128xi32, #tpu.memory_space<vmem>>
      %dma_start3A_185 = arith.constant 0 : i32
      %dma_start3A_186 = arith.constant 0 : i32
      %dma_start3A_187 = tpu.memref_slice %arg17[%dma_start3A_185, %dma_start3A_186] : memref<10240x64xf32, #tpu.memory_space<vmem_shared>> -> memref<10240x64xf32, #tpu.memory_space<vmem_shared>>
      tpu.enqueue_indirect_dma source(%arg10 : memref<128x64xf32, #tpu.memory_space<vmem>>) target(%dma_start3A_187 : memref<10240x64xf32, #tpu.memory_space<vmem_shared>>) offsets(%dma_start3A_184 : memref<128xi32, #tpu.memory_space<vmem>>) semaphore(%arg23 : memref<!tpu.dma_semaphore, #tpu.memory_space<semaphore_mem>>) {add = true}
      %dma_start3A_188 = arith.constant 0 : i32
      %dma_start3A_189 = tpu.memref_slice %arg9[%add3A_174, %dma_start3A_188] : memref<40x128xi32, #tpu.memory_space<vmem>> -> memref<1x128xi32, #tpu.memory_space<vmem>>
      %dma_start3A_190 = tpu.memref_squeeze %dma_start3A_189 : memref<1x128xi32, #tpu.memory_space<vmem>> -> memref<128xi32, #tpu.memory_space<vmem>>
      %dma_start3A_191 = arith.constant 0 : i32
      %dma_start3A_192 = arith.constant 0 : i32
      %dma_start3A_193 = tpu.memref_slice %arg18[%dma_start3A_191, %dma_start3A_192] : memref<10240x16xf32, #tpu.memory_space<vmem_shared>> -> memref<10240x16xf32, #tpu.memory_space<vmem_shared>>
      tpu.enqueue_indirect_dma source(%arg15 : memref<128x16xf32, #tpu.memory_space<vmem>>) target(%dma_start3A_193 : memref<10240x16xf32, #tpu.memory_space<vmem_shared>>) offsets(%dma_start3A_190 : memref<128xi32, #tpu.memory_space<vmem>>) semaphore(%arg27 : memref<!tpu.dma_semaphore, #tpu.memory_space<semaphore_mem>>) {add = true}
      %dma_wait3A_194 = arith.constant 0 : i32
      %dma_wait3A_195 = arith.constant 0 : i32
      %dma_wait3A_196 = tpu.memref_slice %arg9[%dma_wait3A_194, %dma_wait3A_195] : memref<40x128xi32, #tpu.memory_space<vmem>> -> memref<1x128xi32, #tpu.memory_space<vmem>>
      %dma_wait3A_197 = tpu.memref_squeeze %dma_wait3A_196 : memref<1x128xi32, #tpu.memory_space<vmem>> -> memref<128xi32, #tpu.memory_space<vmem>>
      %dma_wait3A_198 = arith.constant 0 : i32
      %dma_wait3A_199 = arith.constant 0 : i32
      %dma_wait3A_200 = tpu.memref_slice %arg17[%dma_wait3A_198, %dma_wait3A_199] : memref<10240x64xf32, #tpu.memory_space<vmem_shared>> -> memref<10240x64xf32, #tpu.memory_space<vmem_shared>>
      tpu.wait_indirect_dma semaphore(%arg23 : memref<!tpu.dma_semaphore, #tpu.memory_space<semaphore_mem>>) src(%arg10 : memref<128x64xf32, #tpu.memory_space<vmem>>) dst(%dma_wait3A_200 : memref<10240x64xf32, #tpu.memory_space<vmem_shared>>)
      %dma_wait3A_201 = arith.constant 0 : i32
      %dma_wait3A_202 = arith.constant 0 : i32
      %dma_wait3A_203 = tpu.memref_slice %arg9[%dma_wait3A_201, %dma_wait3A_202] : memref<40x128xi32, #tpu.memory_space<vmem>> -> memref<1x128xi32, #tpu.memory_space<vmem>>
      %dma_wait3A_204 = tpu.memref_squeeze %dma_wait3A_203 : memref<1x128xi32, #tpu.memory_space<vmem>> -> memref<128xi32, #tpu.memory_space<vmem>>
      %dma_wait3A_205 = arith.constant 0 : i32
      %dma_wait3A_206 = arith.constant 0 : i32
      %dma_wait3A_207 = tpu.memref_slice %arg18[%dma_wait3A_205, %dma_wait3A_206] : memref<10240x16xf32, #tpu.memory_space<vmem_shared>> -> memref<10240x16xf32, #tpu.memory_space<vmem_shared>>
      tpu.wait_indirect_dma semaphore(%arg27 : memref<!tpu.dma_semaphore, #tpu.memory_space<semaphore_mem>>) src(%arg15 : memref<128x16xf32, #tpu.memory_space<vmem>>) dst(%dma_wait3A_207 : memref<10240x16xf32, #tpu.memory_space<vmem_shared>>)
      %lt3A = arith.constant 9 : i32
      %lt3A_208 = arith.cmpi slt, %scan3A_169, %lt3A : i32
      %convert_element_type3A = arith.extui %lt3A_208 : i1 to i32
      %cond3A = arith.constant 0 : i32
      %cond3A_209 = arith.cmpi ne, %convert_element_type3A, %cond3A : i32
      scf.if %cond3A_209 {
        %add3A_337 = arith.constant 4 : i32
        %add3A_338 = arith.addi %add3A_174, %add3A_337 : i32
        %dma_start3A_339 = arith.constant 0 : i32
        %dma_start3A_340 = tpu.memref_slice %arg8[%add3A_338, %dma_start3A_339] : memref<40x128xi32, #tpu.memory_space<vmem>> -> memref<1x128xi32, #tpu.memory_space<vmem>>
        %dma_start3A_341 = tpu.memref_squeeze %dma_start3A_340 : memref<1x128xi32, #tpu.memory_space<vmem>> -> memref<128xi32, #tpu.memory_space<vmem>>
        %dma_start3A_342 = arith.constant 0 : i32
        %dma_start3A_343 = arith.constant 0 : i32
        %dma_start3A_344 = tpu.memref_slice %arg2[%dma_start3A_342, %dma_start3A_343] : memref<40000x64xf32, #tpu.memory_space<hbm>> -> memref<40000x64xf32, #tpu.memory_space<hbm>>
        tpu.enqueue_indirect_dma source(%dma_start3A_344 : memref<40000x64xf32, #tpu.memory_space<hbm>>) target(%arg10 : memref<128x64xf32, #tpu.memory_space<vmem>>) offsets(%dma_start3A_341 : memref<128xi32, #tpu.memory_space<vmem>>) semaphore(%arg19 : memref<!tpu.dma_semaphore, #tpu.memory_space<semaphore_mem>>)
      } else {
      }
      %mul3A_210 = arith.constant 4 : i32
      %mul3A_211 = arith.muli %scan3A_169, %mul3A_210 : i32
      %add3A_212 = arith.constant 1 : i32
      %add3A_213 = arith.addi %mul3A_211, %add3A_212 : i32
      %dma_wait3A_214 = arith.constant 0 : i32
      %dma_wait3A_215 = arith.constant 0 : i32
      %dma_wait3A_216 = tpu.memref_slice %arg8[%dma_wait3A_214, %dma_wait3A_215] : memref<40x128xi32, #tpu.memory_space<vmem>> -> memref<1x128xi32, #tpu.memory_space<vmem>>
      %dma_wait3A_217 = tpu.memref_squeeze %dma_wait3A_216 : memref<1x128xi32, #tpu.memory_space<vmem>> -> memref<128xi32, #tpu.memory_space<vmem>>
      %dma_wait3A_218 = arith.constant 0 : i32
      %dma_wait3A_219 = arith.constant 0 : i32
      %dma_wait3A_220 = tpu.memref_slice %arg2[%dma_wait3A_218, %dma_wait3A_219] : memref<40000x64xf32, #tpu.memory_space<hbm>> -> memref<40000x64xf32, #tpu.memory_space<hbm>>
      tpu.wait_indirect_dma semaphore(%arg20 : memref<!tpu.dma_semaphore, #tpu.memory_space<semaphore_mem>>) src(%dma_wait3A_220 : memref<40000x64xf32, #tpu.memory_space<hbm>>) dst(%arg11 : memref<128x64xf32, #tpu.memory_space<vmem>>)
      %dma_start3A_221 = arith.constant 0 : i32
      %dma_start3A_222 = tpu.memref_slice %arg9[%add3A_213, %dma_start3A_221] : memref<40x128xi32, #tpu.memory_space<vmem>> -> memref<1x128xi32, #tpu.memory_space<vmem>>
      %dma_start3A_223 = tpu.memref_squeeze %dma_start3A_222 : memref<1x128xi32, #tpu.memory_space<vmem>> -> memref<128xi32, #tpu.memory_space<vmem>>
      %dma_start3A_224 = arith.constant 0 : i32
      %dma_start3A_225 = arith.constant 0 : i32
      %dma_start3A_226 = tpu.memref_slice %arg17[%dma_start3A_224, %dma_start3A_225] : memref<10240x64xf32, #tpu.memory_space<vmem_shared>> -> memref<10240x64xf32, #tpu.memory_space<vmem_shared>>
      tpu.enqueue_indirect_dma source(%arg11 : memref<128x64xf32, #tpu.memory_space<vmem>>) target(%dma_start3A_226 : memref<10240x64xf32, #tpu.memory_space<vmem_shared>>) offsets(%dma_start3A_223 : memref<128xi32, #tpu.memory_space<vmem>>) semaphore(%arg24 : memref<!tpu.dma_semaphore, #tpu.memory_space<semaphore_mem>>) {add = true}
      %dma_start3A_227 = arith.constant 0 : i32
      %dma_start3A_228 = tpu.memref_slice %arg9[%add3A_213, %dma_start3A_227] : memref<40x128xi32, #tpu.memory_space<vmem>> -> memref<1x128xi32, #tpu.memory_space<vmem>>
      %dma_start3A_229 = tpu.memref_squeeze %dma_start3A_228 : memref<1x128xi32, #tpu.memory_space<vmem>> -> memref<128xi32, #tpu.memory_space<vmem>>
      %dma_start3A_230 = arith.constant 0 : i32
      %dma_start3A_231 = arith.constant 0 : i32
      %dma_start3A_232 = tpu.memref_slice %arg18[%dma_start3A_230, %dma_start3A_231] : memref<10240x16xf32, #tpu.memory_space<vmem_shared>> -> memref<10240x16xf32, #tpu.memory_space<vmem_shared>>
      tpu.enqueue_indirect_dma source(%arg15 : memref<128x16xf32, #tpu.memory_space<vmem>>) target(%dma_start3A_232 : memref<10240x16xf32, #tpu.memory_space<vmem_shared>>) offsets(%dma_start3A_229 : memref<128xi32, #tpu.memory_space<vmem>>) semaphore(%arg28 : memref<!tpu.dma_semaphore, #tpu.memory_space<semaphore_mem>>) {add = true}
      %dma_wait3A_233 = arith.constant 0 : i32
      %dma_wait3A_234 = arith.constant 0 : i32
      %dma_wait3A_235 = tpu.memref_slice %arg9[%dma_wait3A_233, %dma_wait3A_234] : memref<40x128xi32, #tpu.memory_space<vmem>> -> memref<1x128xi32, #tpu.memory_space<vmem>>
      %dma_wait3A_236 = tpu.memref_squeeze %dma_wait3A_235 : memref<1x128xi32, #tpu.memory_space<vmem>> -> memref<128xi32, #tpu.memory_space<vmem>>
      %dma_wait3A_237 = arith.constant 0 : i32
      %dma_wait3A_238 = arith.constant 0 : i32
      %dma_wait3A_239 = tpu.memref_slice %arg17[%dma_wait3A_237, %dma_wait3A_238] : memref<10240x64xf32, #tpu.memory_space<vmem_shared>> -> memref<10240x64xf32, #tpu.memory_space<vmem_shared>>
      tpu.wait_indirect_dma semaphore(%arg24 : memref<!tpu.dma_semaphore, #tpu.memory_space<semaphore_mem>>) src(%arg11 : memref<128x64xf32, #tpu.memory_space<vmem>>) dst(%dma_wait3A_239 : memref<10240x64xf32, #tpu.memory_space<vmem_shared>>)
      %dma_wait3A_240 = arith.constant 0 : i32
      %dma_wait3A_241 = arith.constant 0 : i32
      %dma_wait3A_242 = tpu.memref_slice %arg9[%dma_wait3A_240, %dma_wait3A_241] : memref<40x128xi32, #tpu.memory_space<vmem>> -> memref<1x128xi32, #tpu.memory_space<vmem>>
      %dma_wait3A_243 = tpu.memref_squeeze %dma_wait3A_242 : memref<1x128xi32, #tpu.memory_space<vmem>> -> memref<128xi32, #tpu.memory_space<vmem>>
      %dma_wait3A_244 = arith.constant 0 : i32
      %dma_wait3A_245 = arith.constant 0 : i32
      %dma_wait3A_246 = tpu.memref_slice %arg18[%dma_wait3A_244, %dma_wait3A_245] : memref<10240x16xf32, #tpu.memory_space<vmem_shared>> -> memref<10240x16xf32, #tpu.memory_space<vmem_shared>>
      tpu.wait_indirect_dma semaphore(%arg28 : memref<!tpu.dma_semaphore, #tpu.memory_space<semaphore_mem>>) src(%arg15 : memref<128x16xf32, #tpu.memory_space<vmem>>) dst(%dma_wait3A_246 : memref<10240x16xf32, #tpu.memory_space<vmem_shared>>)
      %lt3A_247 = arith.constant 9 : i32
      %lt3A_248 = arith.cmpi slt, %scan3A_169, %lt3A_247 : i32
      %convert_element_type3A_249 = arith.extui %lt3A_248 : i1 to i32
      %cond3A_250 = arith.constant 0 : i32
      %cond3A_251 = arith.cmpi ne, %convert_element_type3A_249, %cond3A_250 : i32
      scf.if %cond3A_251 {
        %add3A_337 = arith.constant 4 : i32
        %add3A_338 = arith.addi %add3A_213, %add3A_337 : i32
        %dma_start3A_339 = arith.constant 0 : i32
        %dma_start3A_340 = tpu.memref_slice %arg8[%add3A_338, %dma_start3A_339] : memref<40x128xi32, #tpu.memory_space<vmem>> -> memref<1x128xi32, #tpu.memory_space<vmem>>
        %dma_start3A_341 = tpu.memref_squeeze %dma_start3A_340 : memref<1x128xi32, #tpu.memory_space<vmem>> -> memref<128xi32, #tpu.memory_space<vmem>>
        %dma_start3A_342 = arith.constant 0 : i32
        %dma_start3A_343 = arith.constant 0 : i32
        %dma_start3A_344 = tpu.memref_slice %arg2[%dma_start3A_342, %dma_start3A_343] : memref<40000x64xf32, #tpu.memory_space<hbm>> -> memref<40000x64xf32, #tpu.memory_space<hbm>>
        tpu.enqueue_indirect_dma source(%dma_start3A_344 : memref<40000x64xf32, #tpu.memory_space<hbm>>) target(%arg11 : memref<128x64xf32, #tpu.memory_space<vmem>>) offsets(%dma_start3A_341 : memref<128xi32, #tpu.memory_space<vmem>>) semaphore(%arg20 : memref<!tpu.dma_semaphore, #tpu.memory_space<semaphore_mem>>)
      } else {
      }
      %mul3A_252 = arith.constant 4 : i32
      %mul3A_253 = arith.muli %scan3A_169, %mul3A_252 : i32
      %add3A_254 = arith.constant 2 : i32
      %add3A_255 = arith.addi %mul3A_253, %add3A_254 : i32
      %dma_wait3A_256 = arith.constant 0 : i32
      %dma_wait3A_257 = arith.constant 0 : i32
      %dma_wait3A_258 = tpu.memref_slice %arg8[%dma_wait3A_256, %dma_wait3A_257] : memref<40x128xi32, #tpu.memory_space<vmem>> -> memref<1x128xi32, #tpu.memory_space<vmem>>
      %dma_wait3A_259 = tpu.memref_squeeze %dma_wait3A_258 : memref<1x128xi32, #tpu.memory_space<vmem>> -> memref<128xi32, #tpu.memory_space<vmem>>
      %dma_wait3A_260 = arith.constant 0 : i32
      %dma_wait3A_261 = arith.constant 0 : i32
      %dma_wait3A_262 = tpu.memref_slice %arg2[%dma_wait3A_260, %dma_wait3A_261] : memref<40000x64xf32, #tpu.memory_space<hbm>> -> memref<40000x64xf32, #tpu.memory_space<hbm>>
      tpu.wait_indirect_dma semaphore(%arg21 : memref<!tpu.dma_semaphore, #tpu.memory_space<semaphore_mem>>) src(%dma_wait3A_262 : memref<40000x64xf32, #tpu.memory_space<hbm>>) dst(%arg12 : memref<128x64xf32, #tpu.memory_space<vmem>>)
      %dma_start3A_263 = arith.constant 0 : i32
      %dma_start3A_264 = tpu.memref_slice %arg9[%add3A_255, %dma_start3A_263] : memref<40x128xi32, #tpu.memory_space<vmem>> -> memref<1x128xi32, #tpu.memory_space<vmem>>
      %dma_start3A_265 = tpu.memref_squeeze %dma_start3A_264 : memref<1x128xi32, #tpu.memory_space<vmem>> -> memref<128xi32, #tpu.memory_space<vmem>>
      %dma_start3A_266 = arith.constant 0 : i32
      %dma_start3A_267 = arith.constant 0 : i32
      %dma_start3A_268 = tpu.memref_slice %arg17[%dma_start3A_266, %dma_start3A_267] : memref<10240x64xf32, #tpu.memory_space<vmem_shared>> -> memref<10240x64xf32, #tpu.memory_space<vmem_shared>>
      tpu.enqueue_indirect_dma source(%arg12 : memref<128x64xf32, #tpu.memory_space<vmem>>) target(%dma_start3A_268 : memref<10240x64xf32, #tpu.memory_space<vmem_shared>>) offsets(%dma_start3A_265 : memref<128xi32, #tpu.memory_space<vmem>>) semaphore(%arg25 : memref<!tpu.dma_semaphore, #tpu.memory_space<semaphore_mem>>) {add = true}
      %dma_start3A_269 = arith.constant 0 : i32
      %dma_start3A_270 = tpu.memref_slice %arg9[%add3A_255, %dma_start3A_269] : memref<40x128xi32, #tpu.memory_space<vmem>> -> memref<1x128xi32, #tpu.memory_space<vmem>>
      %dma_start3A_271 = tpu.memref_squeeze %dma_start3A_270 : memref<1x128xi32, #tpu.memory_space<vmem>> -> memref<128xi32, #tpu.memory_space<vmem>>
      %dma_start3A_272 = arith.constant 0 : i32
      %dma_start3A_273 = arith.constant 0 : i32
      %dma_start3A_274 = tpu.memref_slice %arg18[%dma_start3A_272, %dma_start3A_273] : memref<10240x16xf32, #tpu.memory_space<vmem_shared>> -> memref<10240x16xf32, #tpu.memory_space<vmem_shared>>
      tpu.enqueue_indirect_dma source(%arg15 : memref<128x16xf32, #tpu.memory_space<vmem>>) target(%dma_start3A_274 : memref<10240x16xf32, #tpu.memory_space<vmem_shared>>) offsets(%dma_start3A_271 : memref<128xi32, #tpu.memory_space<vmem>>) semaphore(%arg29 : memref<!tpu.dma_semaphore, #tpu.memory_space<semaphore_mem>>) {add = true}
      %dma_wait3A_275 = arith.constant 0 : i32
      %dma_wait3A_276 = arith.constant 0 : i32
      %dma_wait3A_277 = tpu.memref_slice %arg9[%dma_wait3A_275, %dma_wait3A_276] : memref<40x128xi32, #tpu.memory_space<vmem>> -> memref<1x128xi32, #tpu.memory_space<vmem>>
      %dma_wait3A_278 = tpu.memref_squeeze %dma_wait3A_277 : memref<1x128xi32, #tpu.memory_space<vmem>> -> memref<128xi32, #tpu.memory_space<vmem>>
      %dma_wait3A_279 = arith.constant 0 : i32
      %dma_wait3A_280 = arith.constant 0 : i32
      %dma_wait3A_281 = tpu.memref_slice %arg17[%dma_wait3A_279, %dma_wait3A_280] : memref<10240x64xf32, #tpu.memory_space<vmem_shared>> -> memref<10240x64xf32, #tpu.memory_space<vmem_shared>>
      tpu.wait_indirect_dma semaphore(%arg25 : memref<!tpu.dma_semaphore, #tpu.memory_space<semaphore_mem>>) src(%arg12 : memref<128x64xf32, #tpu.memory_space<vmem>>) dst(%dma_wait3A_281 : memref<10240x64xf32, #tpu.memory_space<vmem_shared>>)
      %dma_wait3A_282 = arith.constant 0 : i32
      %dma_wait3A_283 = arith.constant 0 : i32
      %dma_wait3A_284 = tpu.memref_slice %arg9[%dma_wait3A_282, %dma_wait3A_283] : memref<40x128xi32, #tpu.memory_space<vmem>> -> memref<1x128xi32, #tpu.memory_space<vmem>>
      %dma_wait3A_285 = tpu.memref_squeeze %dma_wait3A_284 : memref<1x128xi32, #tpu.memory_space<vmem>> -> memref<128xi32, #tpu.memory_space<vmem>>
      %dma_wait3A_286 = arith.constant 0 : i32
      %dma_wait3A_287 = arith.constant 0 : i32
      %dma_wait3A_288 = tpu.memref_slice %arg18[%dma_wait3A_286, %dma_wait3A_287] : memref<10240x16xf32, #tpu.memory_space<vmem_shared>> -> memref<10240x16xf32, #tpu.memory_space<vmem_shared>>
      tpu.wait_indirect_dma semaphore(%arg29 : memref<!tpu.dma_semaphore, #tpu.memory_space<semaphore_mem>>) src(%arg15 : memref<128x16xf32, #tpu.memory_space<vmem>>) dst(%dma_wait3A_288 : memref<10240x16xf32, #tpu.memory_space<vmem_shared>>)
      %lt3A_289 = arith.constant 9 : i32
      %lt3A_290 = arith.cmpi slt, %scan3A_169, %lt3A_289 : i32
      %convert_element_type3A_291 = arith.extui %lt3A_290 : i1 to i32
      %cond3A_292 = arith.constant 0 : i32
      %cond3A_293 = arith.cmpi ne, %convert_element_type3A_291, %cond3A_292 : i32
      scf.if %cond3A_293 {
        %add3A_337 = arith.constant 4 : i32
        %add3A_338 = arith.addi %add3A_255, %add3A_337 : i32
        %dma_start3A_339 = arith.constant 0 : i32
        %dma_start3A_340 = tpu.memref_slice %arg8[%add3A_338, %dma_start3A_339] : memref<40x128xi32, #tpu.memory_space<vmem>> -> memref<1x128xi32, #tpu.memory_space<vmem>>
        %dma_start3A_341 = tpu.memref_squeeze %dma_start3A_340 : memref<1x128xi32, #tpu.memory_space<vmem>> -> memref<128xi32, #tpu.memory_space<vmem>>
        %dma_start3A_342 = arith.constant 0 : i32
        %dma_start3A_343 = arith.constant 0 : i32
        %dma_start3A_344 = tpu.memref_slice %arg2[%dma_start3A_342, %dma_start3A_343] : memref<40000x64xf32, #tpu.memory_space<hbm>> -> memref<40000x64xf32, #tpu.memory_space<hbm>>
        tpu.enqueue_indirect_dma source(%dma_start3A_344 : memref<40000x64xf32, #tpu.memory_space<hbm>>) target(%arg12 : memref<128x64xf32, #tpu.memory_space<vmem>>) offsets(%dma_start3A_341 : memref<128xi32, #tpu.memory_space<vmem>>) semaphore(%arg21 : memref<!tpu.dma_semaphore, #tpu.memory_space<semaphore_mem>>)
      } else {
      }
      %mul3A_294 = arith.constant 4 : i32
      %mul3A_295 = arith.muli %scan3A_169, %mul3A_294 : i32
      %add3A_296 = arith.constant 3 : i32
      %add3A_297 = arith.addi %mul3A_295, %add3A_296 : i32
      %dma_wait3A_298 = arith.constant 0 : i32
      %dma_wait3A_299 = arith.constant 0 : i32
      %dma_wait3A_300 = tpu.memref_slice %arg8[%dma_wait3A_298, %dma_wait3A_299] : memref<40x128xi32, #tpu.memory_space<vmem>> -> memref<1x128xi32, #tpu.memory_space<vmem>>
      %dma_wait3A_301 = tpu.memref_squeeze %dma_wait3A_300 : memref<1x128xi32, #tpu.memory_space<vmem>> -> memref<128xi32, #tpu.memory_space<vmem>>
      %dma_wait3A_302 = arith.constant 0 : i32
      %dma_wait3A_303 = arith.constant 0 : i32
      %dma_wait3A_304 = tpu.memref_slice %arg2[%dma_wait3A_302, %dma_wait3A_303] : memref<40000x64xf32, #tpu.memory_space<hbm>> -> memref<40000x64xf32, #tpu.memory_space<hbm>>
      tpu.wait_indirect_dma semaphore(%arg22 : memref<!tpu.dma_semaphore, #tpu.memory_space<semaphore_mem>>) src(%dma_wait3A_304 : memref<40000x64xf32, #tpu.memory_space<hbm>>) dst(%arg13 : memref<128x64xf32, #tpu.memory_space<vmem>>)
      %dma_start3A_305 = arith.constant 0 : i32
      %dma_start3A_306 = tpu.memref_slice %arg9[%add3A_297, %dma_start3A_305] : memref<40x128xi32, #tpu.memory_space<vmem>> -> memref<1x128xi32, #tpu.memory_space<vmem>>
      %dma_start3A_307 = tpu.memref_squeeze %dma_start3A_306 : memref<1x128xi32, #tpu.memory_space<vmem>> -> memref<128xi32, #tpu.memory_space<vmem>>
      %dma_start3A_308 = arith.constant 0 : i32
      %dma_start3A_309 = arith.constant 0 : i32
      %dma_start3A_310 = tpu.memref_slice %arg17[%dma_start3A_308, %dma_start3A_309] : memref<10240x64xf32, #tpu.memory_space<vmem_shared>> -> memref<10240x64xf32, #tpu.memory_space<vmem_shared>>
      tpu.enqueue_indirect_dma source(%arg13 : memref<128x64xf32, #tpu.memory_space<vmem>>) target(%dma_start3A_310 : memref<10240x64xf32, #tpu.memory_space<vmem_shared>>) offsets(%dma_start3A_307 : memref<128xi32, #tpu.memory_space<vmem>>) semaphore(%arg26 : memref<!tpu.dma_semaphore, #tpu.memory_space<semaphore_mem>>) {add = true}
      %dma_start3A_311 = arith.constant 0 : i32
      %dma_start3A_312 = tpu.memref_slice %arg9[%add3A_297, %dma_start3A_311] : memref<40x128xi32, #tpu.memory_space<vmem>> -> memref<1x128xi32, #tpu.memory_space<vmem>>
      %dma_start3A_313 = tpu.memref_squeeze %dma_start3A_312 : memref<1x128xi32, #tpu.memory_space<vmem>> -> memref<128xi32, #tpu.memory_space<vmem>>
      %dma_start3A_314 = arith.constant 0 : i32
      %dma_start3A_315 = arith.constant 0 : i32
      %dma_start3A_316 = tpu.memref_slice %arg18[%dma_start3A_314, %dma_start3A_315] : memref<10240x16xf32, #tpu.memory_space<vmem_shared>> -> memref<10240x16xf32, #tpu.memory_space<vmem_shared>>
      tpu.enqueue_indirect_dma source(%arg15 : memref<128x16xf32, #tpu.memory_space<vmem>>) target(%dma_start3A_316 : memref<10240x16xf32, #tpu.memory_space<vmem_shared>>) offsets(%dma_start3A_313 : memref<128xi32, #tpu.memory_space<vmem>>) semaphore(%arg30 : memref<!tpu.dma_semaphore, #tpu.memory_space<semaphore_mem>>) {add = true}
      %dma_wait3A_317 = arith.constant 0 : i32
      %dma_wait3A_318 = arith.constant 0 : i32
      %dma_wait3A_319 = tpu.memref_slice %arg9[%dma_wait3A_317, %dma_wait3A_318] : memref<40x128xi32, #tpu.memory_space<vmem>> -> memref<1x128xi32, #tpu.memory_space<vmem>>
      %dma_wait3A_320 = tpu.memref_squeeze %dma_wait3A_319 : memref<1x128xi32, #tpu.memory_space<vmem>> -> memref<128xi32, #tpu.memory_space<vmem>>
      %dma_wait3A_321 = arith.constant 0 : i32
      %dma_wait3A_322 = arith.constant 0 : i32
      %dma_wait3A_323 = tpu.memref_slice %arg17[%dma_wait3A_321, %dma_wait3A_322] : memref<10240x64xf32, #tpu.memory_space<vmem_shared>> -> memref<10240x64xf32, #tpu.memory_space<vmem_shared>>
      tpu.wait_indirect_dma semaphore(%arg26 : memref<!tpu.dma_semaphore, #tpu.memory_space<semaphore_mem>>) src(%arg13 : memref<128x64xf32, #tpu.memory_space<vmem>>) dst(%dma_wait3A_323 : memref<10240x64xf32, #tpu.memory_space<vmem_shared>>)
      %dma_wait3A_324 = arith.constant 0 : i32
      %dma_wait3A_325 = arith.constant 0 : i32
      %dma_wait3A_326 = tpu.memref_slice %arg9[%dma_wait3A_324, %dma_wait3A_325] : memref<40x128xi32, #tpu.memory_space<vmem>> -> memref<1x128xi32, #tpu.memory_space<vmem>>
      %dma_wait3A_327 = tpu.memref_squeeze %dma_wait3A_326 : memref<1x128xi32, #tpu.memory_space<vmem>> -> memref<128xi32, #tpu.memory_space<vmem>>
      %dma_wait3A_328 = arith.constant 0 : i32
      %dma_wait3A_329 = arith.constant 0 : i32
      %dma_wait3A_330 = tpu.memref_slice %arg18[%dma_wait3A_328, %dma_wait3A_329] : memref<10240x16xf32, #tpu.memory_space<vmem_shared>> -> memref<10240x16xf32, #tpu.memory_space<vmem_shared>>
      tpu.wait_indirect_dma semaphore(%arg30 : memref<!tpu.dma_semaphore, #tpu.memory_space<semaphore_mem>>) src(%arg15 : memref<128x16xf32, #tpu.memory_space<vmem>>) dst(%dma_wait3A_330 : memref<10240x16xf32, #tpu.memory_space<vmem_shared>>)
      %lt3A_331 = arith.constant 9 : i32
      %lt3A_332 = arith.cmpi slt, %scan3A_169, %lt3A_331 : i32
      %convert_element_type3A_333 = arith.extui %lt3A_332 : i1 to i32
      %cond3A_334 = arith.constant 0 : i32
      %cond3A_335 = arith.cmpi ne, %convert_element_type3A_333, %cond3A_334 : i32
      scf.if %cond3A_335 {
        %add3A_337 = arith.constant 4 : i32
        %add3A_338 = arith.addi %add3A_297, %add3A_337 : i32
        %dma_start3A_339 = arith.constant 0 : i32
        %dma_start3A_340 = tpu.memref_slice %arg8[%add3A_338, %dma_start3A_339] : memref<40x128xi32, #tpu.memory_space<vmem>> -> memref<1x128xi32, #tpu.memory_space<vmem>>
        %dma_start3A_341 = tpu.memref_squeeze %dma_start3A_340 : memref<1x128xi32, #tpu.memory_space<vmem>> -> memref<128xi32, #tpu.memory_space<vmem>>
        %dma_start3A_342 = arith.constant 0 : i32
        %dma_start3A_343 = arith.constant 0 : i32
        %dma_start3A_344 = tpu.memref_slice %arg2[%dma_start3A_342, %dma_start3A_343] : memref<40000x64xf32, #tpu.memory_space<hbm>> -> memref<40000x64xf32, #tpu.memory_space<hbm>>
        tpu.enqueue_indirect_dma source(%dma_start3A_344 : memref<40000x64xf32, #tpu.memory_space<hbm>>) target(%arg13 : memref<128x64xf32, #tpu.memory_space<vmem>>) offsets(%dma_start3A_341 : memref<128xi32, #tpu.memory_space<vmem>>) semaphore(%arg22 : memref<!tpu.dma_semaphore, #tpu.memory_space<semaphore_mem>>)
      } else {
      }
      %scan3A_336 = arith.constant 0 : i32
      scf.yield %scan3A_336 : i32
    }
    %scan3A_63 = arith.constant 10 : i32
    %barrier3A_64 = arith.constant 0 : index
    tpu.barrier barrier_id(%barrier3A_64)
    %add3A_65 = arith.constant 0 : i32
    %add3A_66 = arith.addi %mul3A_0, %add3A_65 : i32
    "tpu.region"() ({
      %run_scoped3A = tpu.sem_alloc : memref<!tpu.dma_semaphore, #tpu.memory_space<semaphore_mem>>
      %dma_start3A_169 = arith.constant 0 : i32
      %dma_start3A_170 = tpu.memref_slice %arg17[%add3A_66, %dma_start3A_169] : memref<10240x64xf32, #tpu.memory_space<vmem_shared>> -> memref<128x64xf32, #tpu.memory_space<vmem_shared>>
      %dma_start3A_171 = arith.constant 0 : i32
      %dma_start3A_172 = tpu.memref_slice %arg17[%add3A_66, %dma_start3A_171] : memref<10240x64xf32, #tpu.memory_space<vmem_shared>> -> memref<128x64xf32, #tpu.memory_space<vmem_shared>>
      tpu.enqueue_dma source(%dma_start3A_172 : memref<128x64xf32, #tpu.memory_space<vmem_shared>>) target(%arg10 : memref<128x64xf32, #tpu.memory_space<vmem>>) target_semaphore(%run_scoped3A : memref<!tpu.dma_semaphore, #tpu.memory_space<semaphore_mem>>)
      %dma_wait3A_173 = arith.constant 0 : i32
      %dma_wait3A_174 = tpu.memref_slice %arg17[%add3A_66, %dma_wait3A_173] : memref<10240x64xf32, #tpu.memory_space<vmem_shared>> -> memref<128x64xf32, #tpu.memory_space<vmem_shared>>
      %dma_wait3A_175 = arith.constant 0 : i32
      %dma_wait3A_176 = tpu.memref_slice %arg17[%add3A_66, %dma_wait3A_175] : memref<10240x64xf32, #tpu.memory_space<vmem_shared>> -> memref<128x64xf32, #tpu.memory_space<vmem_shared>>
      tpu.wait_dma2 semaphore(%run_scoped3A : memref<!tpu.dma_semaphore, #tpu.memory_space<semaphore_mem>>) src(%dma_wait3A_176 : memref<128x64xf32, #tpu.memory_space<vmem_shared>>) dst(%arg10 : memref<128x64xf32, #tpu.memory_space<vmem>>)
      tpu.yield
    }) : () -> ()
    %add3A_67 = arith.constant 0 : i32
    %add3A_68 = arith.addi %mul3A_0, %add3A_67 : i32
    %dma_start3A_69 = arith.constant 0 : i32
    %dma_start3A_70 = arith.constant 0 : i32
    %dma_start3A_71 = tpu.memref_slice %arg5[%arg0, %dma_start3A_69, %add3A_68, %dma_start3A_70] : memref<2x4x10240x64xf32, #tpu.memory_space<hbm>> -> memref<1x1x128x64xf32, #tpu.memory_space<hbm>>
    %dma_start3A_72 = tpu.memref_squeeze %dma_start3A_71 : memref<1x1x128x64xf32, #tpu.memory_space<hbm>> -> memref<128x64xf32, #tpu.memory_space<hbm>>
    %dma_start3A_73 = arith.constant 0 : i32
    %dma_start3A_74 = tpu.memref_slice %arg5[%arg0, %dma_start3A_69, %add3A_68, %dma_start3A_73] : memref<2x4x10240x64xf32, #tpu.memory_space<hbm>> -> memref<1x1x128x64xf32, #tpu.memory_space<hbm>>
    %dma_start3A_75 = tpu.memref_squeeze %dma_start3A_74 : memref<1x1x128x64xf32, #tpu.memory_space<hbm>> -> memref<128x64xf32, #tpu.memory_space<hbm>>
    tpu.enqueue_dma source(%arg10 : memref<128x64xf32, #tpu.memory_space<vmem>>) target(%dma_start3A_75 : memref<128x64xf32, #tpu.memory_space<hbm>>) target_semaphore(%arg31 : memref<!tpu.dma_semaphore, #tpu.memory_space<semaphore_mem>>)
    %add3A_76 = arith.constant 128 : i32
    %add3A_77 = arith.addi %mul3A_0, %add3A_76 : i32
    "tpu.region"() ({
      %run_scoped3A = tpu.sem_alloc : memref<!tpu.dma_semaphore, #tpu.memory_space<semaphore_mem>>
      %dma_start3A_169 = arith.constant 0 : i32
      %dma_start3A_170 = tpu.memref_slice %arg17[%add3A_77, %dma_start3A_169] : memref<10240x64xf32, #tpu.memory_space<vmem_shared>> -> memref<128x64xf32, #tpu.memory_space<vmem_shared>>
      %dma_start3A_171 = arith.constant 0 : i32
      %dma_start3A_172 = tpu.memref_slice %arg17[%add3A_77, %dma_start3A_171] : memref<10240x64xf32, #tpu.memory_space<vmem_shared>> -> memref<128x64xf32, #tpu.memory_space<vmem_shared>>
      tpu.enqueue_dma source(%dma_start3A_172 : memref<128x64xf32, #tpu.memory_space<vmem_shared>>) target(%arg11 : memref<128x64xf32, #tpu.memory_space<vmem>>) target_semaphore(%run_scoped3A : memref<!tpu.dma_semaphore, #tpu.memory_space<semaphore_mem>>)
      %dma_wait3A_173 = arith.constant 0 : i32
      %dma_wait3A_174 = tpu.memref_slice %arg17[%add3A_77, %dma_wait3A_173] : memref<10240x64xf32, #tpu.memory_space<vmem_shared>> -> memref<128x64xf32, #tpu.memory_space<vmem_shared>>
      %dma_wait3A_175 = arith.constant 0 : i32
      %dma_wait3A_176 = tpu.memref_slice %arg17[%add3A_77, %dma_wait3A_175] : memref<10240x64xf32, #tpu.memory_space<vmem_shared>> -> memref<128x64xf32, #tpu.memory_space<vmem_shared>>
      tpu.wait_dma2 semaphore(%run_scoped3A : memref<!tpu.dma_semaphore, #tpu.memory_space<semaphore_mem>>) src(%dma_wait3A_176 : memref<128x64xf32, #tpu.memory_space<vmem_shared>>) dst(%arg11 : memref<128x64xf32, #tpu.memory_space<vmem>>)
      tpu.yield
    }) : () -> ()
    %add3A_78 = arith.constant 128 : i32
    %add3A_79 = arith.addi %mul3A_0, %add3A_78 : i32
    %dma_start3A_80 = arith.constant 0 : i32
    %dma_start3A_81 = arith.constant 0 : i32
    %dma_start3A_82 = tpu.memref_slice %arg5[%arg0, %dma_start3A_80, %add3A_79, %dma_start3A_81] : memref<2x4x10240x64xf32, #tpu.memory_space<hbm>> -> memref<1x1x128x64xf32, #tpu.memory_space<hbm>>
    %dma_start3A_83 = tpu.memref_squeeze %dma_start3A_82 : memref<1x1x128x64xf32, #tpu.memory_space<hbm>> -> memref<128x64xf32, #tpu.memory_space<hbm>>
    %dma_start3A_84 = arith.constant 0 : i32
    %dma_start3A_85 = tpu.memref_slice %arg5[%arg0, %dma_start3A_80, %add3A_79, %dma_start3A_84] : memref<2x4x10240x64xf32, #tpu.memory_space<hbm>> -> memref<1x1x128x64xf32, #tpu.memory_space<hbm>>
    %dma_start3A_86 = tpu.memref_squeeze %dma_start3A_85 : memref<1x1x128x64xf32, #tpu.memory_space<hbm>> -> memref<128x64xf32, #tpu.memory_space<hbm>>
    tpu.enqueue_dma source(%arg11 : memref<128x64xf32, #tpu.memory_space<vmem>>) target(%dma_start3A_86 : memref<128x64xf32, #tpu.memory_space<hbm>>) target_semaphore(%arg31 : memref<!tpu.dma_semaphore, #tpu.memory_space<semaphore_mem>>)
    %dma_wait3A = arith.constant 0 : i32
    %dma_wait3A_87 = arith.constant 0 : i32
    %dma_wait3A_88 = tpu.memref_slice %arg5[%arg0, %dma_wait3A, %mul3A_0, %dma_wait3A_87] : memref<2x4x10240x64xf32, #tpu.memory_space<hbm>> -> memref<1x1x128x64xf32, #tpu.memory_space<hbm>>
    %dma_wait3A_89 = tpu.memref_squeeze %dma_wait3A_88 : memref<1x1x128x64xf32, #tpu.memory_space<hbm>> -> memref<128x64xf32, #tpu.memory_space<hbm>>
    %dma_wait3A_90 = arith.constant 0 : i32
    %dma_wait3A_91 = tpu.memref_slice %arg5[%arg0, %dma_wait3A, %mul3A_0, %dma_wait3A_90] : memref<2x4x10240x64xf32, #tpu.memory_space<hbm>> -> memref<1x1x128x64xf32, #tpu.memory_space<hbm>>
    %dma_wait3A_92 = tpu.memref_squeeze %dma_wait3A_91 : memref<1x1x128x64xf32, #tpu.memory_space<hbm>> -> memref<128x64xf32, #tpu.memory_space<hbm>>
    tpu.wait_dma2 semaphore(%arg31 : memref<!tpu.dma_semaphore, #tpu.memory_space<semaphore_mem>>) src(%arg10 : memref<128x64xf32, #tpu.memory_space<vmem>>) dst(%dma_wait3A_92 : memref<128x64xf32, #tpu.memory_space<hbm>>)
    %add3A_93 = arith.constant 256 : i32
    %add3A_94 = arith.addi %mul3A_0, %add3A_93 : i32
    "tpu.region"() ({
      %run_scoped3A = tpu.sem_alloc : memref<!tpu.dma_semaphore, #tpu.memory_space<semaphore_mem>>
      %dma_start3A_169 = arith.constant 0 : i32
      %dma_start3A_170 = tpu.memref_slice %arg17[%add3A_94, %dma_start3A_169] : memref<10240x64xf32, #tpu.memory_space<vmem_shared>> -> memref<128x64xf32, #tpu.memory_space<vmem_shared>>
      %dma_start3A_171 = arith.constant 0 : i32
      %dma_start3A_172 = tpu.memref_slice %arg17[%add3A_94, %dma_start3A_171] : memref<10240x64xf32, #tpu.memory_space<vmem_shared>> -> memref<128x64xf32, #tpu.memory_space<vmem_shared>>
      tpu.enqueue_dma source(%dma_start3A_172 : memref<128x64xf32, #tpu.memory_space<vmem_shared>>) target(%arg10 : memref<128x64xf32, #tpu.memory_space<vmem>>) target_semaphore(%run_scoped3A : memref<!tpu.dma_semaphore, #tpu.memory_space<semaphore_mem>>)
      %dma_wait3A_173 = arith.constant 0 : i32
      %dma_wait3A_174 = tpu.memref_slice %arg17[%add3A_94, %dma_wait3A_173] : memref<10240x64xf32, #tpu.memory_space<vmem_shared>> -> memref<128x64xf32, #tpu.memory_space<vmem_shared>>
      %dma_wait3A_175 = arith.constant 0 : i32
      %dma_wait3A_176 = tpu.memref_slice %arg17[%add3A_94, %dma_wait3A_175] : memref<10240x64xf32, #tpu.memory_space<vmem_shared>> -> memref<128x64xf32, #tpu.memory_space<vmem_shared>>
      tpu.wait_dma2 semaphore(%run_scoped3A : memref<!tpu.dma_semaphore, #tpu.memory_space<semaphore_mem>>) src(%dma_wait3A_176 : memref<128x64xf32, #tpu.memory_space<vmem_shared>>) dst(%arg10 : memref<128x64xf32, #tpu.memory_space<vmem>>)
      tpu.yield
    }) : () -> ()
    %add3A_95 = arith.constant 256 : i32
    %add3A_96 = arith.addi %mul3A_0, %add3A_95 : i32
    %dma_start3A_97 = arith.constant 0 : i32
    %dma_start3A_98 = arith.constant 0 : i32
    %dma_start3A_99 = tpu.memref_slice %arg5[%arg0, %dma_start3A_97, %add3A_96, %dma_start3A_98] : memref<2x4x10240x64xf32, #tpu.memory_space<hbm>> -> memref<1x1x128x64xf32, #tpu.memory_space<hbm>>
    %dma_start3A_100 = tpu.memref_squeeze %dma_start3A_99 : memref<1x1x128x64xf32, #tpu.memory_space<hbm>> -> memref<128x64xf32, #tpu.memory_space<hbm>>
    %dma_start3A_101 = arith.constant 0 : i32
    %dma_start3A_102 = tpu.memref_slice %arg5[%arg0, %dma_start3A_97, %add3A_96, %dma_start3A_101] : memref<2x4x10240x64xf32, #tpu.memory_space<hbm>> -> memref<1x1x128x64xf32, #tpu.memory_space<hbm>>
    %dma_start3A_103 = tpu.memref_squeeze %dma_start3A_102 : memref<1x1x128x64xf32, #tpu.memory_space<hbm>> -> memref<128x64xf32, #tpu.memory_space<hbm>>
    tpu.enqueue_dma source(%arg10 : memref<128x64xf32, #tpu.memory_space<vmem>>) target(%dma_start3A_103 : memref<128x64xf32, #tpu.memory_space<hbm>>) target_semaphore(%arg31 : memref<!tpu.dma_semaphore, #tpu.memory_space<semaphore_mem>>)
    %dma_wait3A_104 = arith.constant 0 : i32
    %dma_wait3A_105 = arith.constant 0 : i32
    %dma_wait3A_106 = tpu.memref_slice %arg5[%arg0, %dma_wait3A_104, %mul3A_0, %dma_wait3A_105] : memref<2x4x10240x64xf32, #tpu.memory_space<hbm>> -> memref<1x1x128x64xf32, #tpu.memory_space<hbm>>
    %dma_wait3A_107 = tpu.memref_squeeze %dma_wait3A_106 : memref<1x1x128x64xf32, #tpu.memory_space<hbm>> -> memref<128x64xf32, #tpu.memory_space<hbm>>
    %dma_wait3A_108 = arith.constant 0 : i32
    %dma_wait3A_109 = tpu.memref_slice %arg5[%arg0, %dma_wait3A_104, %mul3A_0, %dma_wait3A_108] : memref<2x4x10240x64xf32, #tpu.memory_space<hbm>> -> memref<1x1x128x64xf32, #tpu.memory_space<hbm>>
    %dma_wait3A_110 = tpu.memref_squeeze %dma_wait3A_109 : memref<1x1x128x64xf32, #tpu.memory_space<hbm>> -> memref<128x64xf32, #tpu.memory_space<hbm>>
    tpu.wait_dma2 semaphore(%arg31 : memref<!tpu.dma_semaphore, #tpu.memory_space<semaphore_mem>>) src(%arg11 : memref<128x64xf32, #tpu.memory_space<vmem>>) dst(%dma_wait3A_110 : memref<128x64xf32, #tpu.memory_space<hbm>>)
    %add3A_111 = arith.constant 384 : i32
    %add3A_112 = arith.addi %mul3A_0, %add3A_111 : i32
    "tpu.region"() ({
      %run_scoped3A = tpu.sem_alloc : memref<!tpu.dma_semaphore, #tpu.memory_space<semaphore_mem>>
      %dma_start3A_169 = arith.constant 0 : i32
      %dma_start3A_170 = tpu.memref_slice %arg17[%add3A_112, %dma_start3A_169] : memref<10240x64xf32, #tpu.memory_space<vmem_shared>> -> memref<128x64xf32, #tpu.memory_space<vmem_shared>>
      %dma_start3A_171 = arith.constant 0 : i32
      %dma_start3A_172 = tpu.memref_slice %arg17[%add3A_112, %dma_start3A_171] : memref<10240x64xf32, #tpu.memory_space<vmem_shared>> -> memref<128x64xf32, #tpu.memory_space<vmem_shared>>
      tpu.enqueue_dma source(%dma_start3A_172 : memref<128x64xf32, #tpu.memory_space<vmem_shared>>) target(%arg11 : memref<128x64xf32, #tpu.memory_space<vmem>>) target_semaphore(%run_scoped3A : memref<!tpu.dma_semaphore, #tpu.memory_space<semaphore_mem>>)
      %dma_wait3A_173 = arith.constant 0 : i32
      %dma_wait3A_174 = tpu.memref_slice %arg17[%add3A_112, %dma_wait3A_173] : memref<10240x64xf32, #tpu.memory_space<vmem_shared>> -> memref<128x64xf32, #tpu.memory_space<vmem_shared>>
      %dma_wait3A_175 = arith.constant 0 : i32
      %dma_wait3A_176 = tpu.memref_slice %arg17[%add3A_112, %dma_wait3A_175] : memref<10240x64xf32, #tpu.memory_space<vmem_shared>> -> memref<128x64xf32, #tpu.memory_space<vmem_shared>>
      tpu.wait_dma2 semaphore(%run_scoped3A : memref<!tpu.dma_semaphore, #tpu.memory_space<semaphore_mem>>) src(%dma_wait3A_176 : memref<128x64xf32, #tpu.memory_space<vmem_shared>>) dst(%arg11 : memref<128x64xf32, #tpu.memory_space<vmem>>)
      tpu.yield
    }) : () -> ()
    %add3A_113 = arith.constant 384 : i32
    %add3A_114 = arith.addi %mul3A_0, %add3A_113 : i32
    %dma_start3A_115 = arith.constant 0 : i32
    %dma_start3A_116 = arith.constant 0 : i32
    %dma_start3A_117 = tpu.memref_slice %arg5[%arg0, %dma_start3A_115, %add3A_114, %dma_start3A_116] : memref<2x4x10240x64xf32, #tpu.memory_space<hbm>> -> memref<1x1x128x64xf32, #tpu.memory_space<hbm>>
    %dma_start3A_118 = tpu.memref_squeeze %dma_start3A_117 : memref<1x1x128x64xf32, #tpu.memory_space<hbm>> -> memref<128x64xf32, #tpu.memory_space<hbm>>
    %dma_start3A_119 = arith.constant 0 : i32
    %dma_start3A_120 = tpu.memref_slice %arg5[%arg0, %dma_start3A_115, %add3A_114, %dma_start3A_119] : memref<2x4x10240x64xf32, #tpu.memory_space<hbm>> -> memref<1x1x128x64xf32, #tpu.memory_space<hbm>>
    %dma_start3A_121 = tpu.memref_squeeze %dma_start3A_120 : memref<1x1x128x64xf32, #tpu.memory_space<hbm>> -> memref<128x64xf32, #tpu.memory_space<hbm>>
    tpu.enqueue_dma source(%arg11 : memref<128x64xf32, #tpu.memory_space<vmem>>) target(%dma_start3A_121 : memref<128x64xf32, #tpu.memory_space<hbm>>) target_semaphore(%arg31 : memref<!tpu.dma_semaphore, #tpu.memory_space<semaphore_mem>>)
    %dma_wait3A_122 = arith.constant 0 : i32
    %dma_wait3A_123 = arith.constant 0 : i32
    %dma_wait3A_124 = tpu.memref_slice %arg5[%arg0, %dma_wait3A_122, %mul3A_0, %dma_wait3A_123] : memref<2x4x10240x64xf32, #tpu.memory_space<hbm>> -> memref<1x1x128x64xf32, #tpu.memory_space<hbm>>
    %dma_wait3A_125 = tpu.memref_squeeze %dma_wait3A_124 : memref<1x1x128x64xf32, #tpu.memory_space<hbm>> -> memref<128x64xf32, #tpu.memory_space<hbm>>
    %dma_wait3A_126 = arith.constant 0 : i32
    %dma_wait3A_127 = tpu.memref_slice %arg5[%arg0, %dma_wait3A_122, %mul3A_0, %dma_wait3A_126] : memref<2x4x10240x64xf32, #tpu.memory_space<hbm>> -> memref<1x1x128x64xf32, #tpu.memory_space<hbm>>
    %dma_wait3A_128 = tpu.memref_squeeze %dma_wait3A_127 : memref<1x1x128x64xf32, #tpu.memory_space<hbm>> -> memref<128x64xf32, #tpu.memory_space<hbm>>
    tpu.wait_dma2 semaphore(%arg31 : memref<!tpu.dma_semaphore, #tpu.memory_space<semaphore_mem>>) src(%arg10 : memref<128x64xf32, #tpu.memory_space<vmem>>) dst(%dma_wait3A_128 : memref<128x64xf32, #tpu.memory_space<hbm>>)
    %add3A_129 = arith.constant 512 : i32
    %add3A_130 = arith.addi %mul3A_0, %add3A_129 : i32
    "tpu.region"() ({
      %run_scoped3A = tpu.sem_alloc : memref<!tpu.dma_semaphore, #tpu.memory_space<semaphore_mem>>
      %dma_start3A_169 = arith.constant 0 : i32
      %dma_start3A_170 = tpu.memref_slice %arg17[%add3A_130, %dma_start3A_169] : memref<10240x64xf32, #tpu.memory_space<vmem_shared>> -> memref<128x64xf32, #tpu.memory_space<vmem_shared>>
      %dma_start3A_171 = arith.constant 0 : i32
      %dma_start3A_172 = tpu.memref_slice %arg17[%add3A_130, %dma_start3A_171] : memref<10240x64xf32, #tpu.memory_space<vmem_shared>> -> memref<128x64xf32, #tpu.memory_space<vmem_shared>>
      tpu.enqueue_dma source(%dma_start3A_172 : memref<128x64xf32, #tpu.memory_space<vmem_shared>>) target(%arg10 : memref<128x64xf32, #tpu.memory_space<vmem>>) target_semaphore(%run_scoped3A : memref<!tpu.dma_semaphore, #tpu.memory_space<semaphore_mem>>)
      %dma_wait3A_173 = arith.constant 0 : i32
      %dma_wait3A_174 = tpu.memref_slice %arg17[%add3A_130, %dma_wait3A_173] : memref<10240x64xf32, #tpu.memory_space<vmem_shared>> -> memref<128x64xf32, #tpu.memory_space<vmem_shared>>
      %dma_wait3A_175 = arith.constant 0 : i32
      %dma_wait3A_176 = tpu.memref_slice %arg17[%add3A_130, %dma_wait3A_175] : memref<10240x64xf32, #tpu.memory_space<vmem_shared>> -> memref<128x64xf32, #tpu.memory_space<vmem_shared>>
      tpu.wait_dma2 semaphore(%run_scoped3A : memref<!tpu.dma_semaphore, #tpu.memory_space<semaphore_mem>>) src(%dma_wait3A_176 : memref<128x64xf32, #tpu.memory_space<vmem_shared>>) dst(%arg10 : memref<128x64xf32, #tpu.memory_space<vmem>>)
      tpu.yield
    }) : () -> ()
    %add3A_131 = arith.constant 512 : i32
    %add3A_132 = arith.addi %mul3A_0, %add3A_131 : i32
    %dma_start3A_133 = arith.constant 0 : i32
    %dma_start3A_134 = arith.constant 0 : i32
    %dma_start3A_135 = tpu.memref_slice %arg5[%arg0, %dma_start3A_133, %add3A_132, %dma_start3A_134] : memref<2x4x10240x64xf32, #tpu.memory_space<hbm>> -> memref<1x1x128x64xf32, #tpu.memory_space<hbm>>
    %dma_start3A_136 = tpu.memref_squeeze %dma_start3A_135 : memref<1x1x128x64xf32, #tpu.memory_space<hbm>> -> memref<128x64xf32, #tpu.memory_space<hbm>>
    %dma_start3A_137 = arith.constant 0 : i32
    %dma_start3A_138 = tpu.memref_slice %arg5[%arg0, %dma_start3A_133, %add3A_132, %dma_start3A_137] : memref<2x4x10240x64xf32, #tpu.memory_space<hbm>> -> memref<1x1x128x64xf32, #tpu.memory_space<hbm>>
    %dma_start3A_139 = tpu.memref_squeeze %dma_start3A_138 : memref<1x1x128x64xf32, #tpu.memory_space<hbm>> -> memref<128x64xf32, #tpu.memory_space<hbm>>
    tpu.enqueue_dma source(%arg10 : memref<128x64xf32, #tpu.memory_space<vmem>>) target(%dma_start3A_139 : memref<128x64xf32, #tpu.memory_space<hbm>>) target_semaphore(%arg31 : memref<!tpu.dma_semaphore, #tpu.memory_space<semaphore_mem>>)
    %dma_wait3A_140 = arith.constant 0 : i32
    %dma_wait3A_141 = arith.constant 0 : i32
    %dma_wait3A_142 = tpu.memref_slice %arg5[%arg0, %dma_wait3A_140, %mul3A_0, %dma_wait3A_141] : memref<2x4x10240x64xf32, #tpu.memory_space<hbm>> -> memref<1x1x128x64xf32, #tpu.memory_space<hbm>>
    %dma_wait3A_143 = tpu.memref_squeeze %dma_wait3A_142 : memref<1x1x128x64xf32, #tpu.memory_space<hbm>> -> memref<128x64xf32, #tpu.memory_space<hbm>>
    %dma_wait3A_144 = arith.constant 0 : i32
    %dma_wait3A_145 = tpu.memref_slice %arg5[%arg0, %dma_wait3A_140, %mul3A_0, %dma_wait3A_144] : memref<2x4x10240x64xf32, #tpu.memory_space<hbm>> -> memref<1x1x128x64xf32, #tpu.memory_space<hbm>>
    %dma_wait3A_146 = tpu.memref_squeeze %dma_wait3A_145 : memref<1x1x128x64xf32, #tpu.memory_space<hbm>> -> memref<128x64xf32, #tpu.memory_space<hbm>>
    tpu.wait_dma2 semaphore(%arg31 : memref<!tpu.dma_semaphore, #tpu.memory_space<semaphore_mem>>) src(%arg10 : memref<128x64xf32, #tpu.memory_space<vmem>>) dst(%dma_wait3A_146 : memref<128x64xf32, #tpu.memory_space<hbm>>)
    %dma_wait3A_147 = arith.constant 0 : i32
    %dma_wait3A_148 = arith.constant 0 : i32
    %dma_wait3A_149 = tpu.memref_slice %arg5[%arg0, %dma_wait3A_147, %mul3A_0, %dma_wait3A_148] : memref<2x4x10240x64xf32, #tpu.memory_space<hbm>> -> memref<1x1x128x64xf32, #tpu.memory_space<hbm>>
    %dma_wait3A_150 = tpu.memref_squeeze %dma_wait3A_149 : memref<1x1x128x64xf32, #tpu.memory_space<hbm>> -> memref<128x64xf32, #tpu.memory_space<hbm>>
    %dma_wait3A_151 = arith.constant 0 : i32
    %dma_wait3A_152 = tpu.memref_slice %arg5[%arg0, %dma_wait3A_147, %mul3A_0, %dma_wait3A_151] : memref<2x4x10240x64xf32, #tpu.memory_space<hbm>> -> memref<1x1x128x64xf32, #tpu.memory_space<hbm>>
    %dma_wait3A_153 = tpu.memref_squeeze %dma_wait3A_152 : memref<1x1x128x64xf32, #tpu.memory_space<hbm>> -> memref<128x64xf32, #tpu.memory_space<hbm>>
    tpu.wait_dma2 semaphore(%arg31 : memref<!tpu.dma_semaphore, #tpu.memory_space<semaphore_mem>>) src(%arg11 : memref<128x64xf32, #tpu.memory_space<vmem>>) dst(%dma_wait3A_153 : memref<128x64xf32, #tpu.memory_space<hbm>>)
    "tpu.region"() ({
      %run_scoped3A = tpu.sem_alloc : memref<!tpu.dma_semaphore, #tpu.memory_space<semaphore_mem>>
      %dma_start3A_169 = arith.constant 0 : i32
      %dma_start3A_170 = tpu.memref_slice %arg18[%mul3A_0, %dma_start3A_169] : memref<10240x16xf32, #tpu.memory_space<vmem_shared>> -> memref<640x16xf32, #tpu.memory_space<vmem_shared>>
      %dma_start3A_171 = arith.constant 0 : i32
      %dma_start3A_172 = tpu.memref_slice %arg18[%mul3A_0, %dma_start3A_171] : memref<10240x16xf32, #tpu.memory_space<vmem_shared>> -> memref<640x16xf32, #tpu.memory_space<vmem_shared>>
      tpu.enqueue_dma source(%dma_start3A_172 : memref<640x16xf32, #tpu.memory_space<vmem_shared>>) target(%arg16 : memref<640x16xf32, #tpu.memory_space<vmem>>) target_semaphore(%run_scoped3A : memref<!tpu.dma_semaphore, #tpu.memory_space<semaphore_mem>>)
      %dma_wait3A_173 = arith.constant 0 : i32
      %dma_wait3A_174 = tpu.memref_slice %arg18[%mul3A_0, %dma_wait3A_173] : memref<10240x16xf32, #tpu.memory_space<vmem_shared>> -> memref<640x16xf32, #tpu.memory_space<vmem_shared>>
      %dma_wait3A_175 = arith.constant 0 : i32
      %dma_wait3A_176 = tpu.memref_slice %arg18[%mul3A_0, %dma_wait3A_175] : memref<10240x16xf32, #tpu.memory_space<vmem_shared>> -> memref<640x16xf32, #tpu.memory_space<vmem_shared>>
      tpu.wait_dma2 semaphore(%run_scoped3A : memref<!tpu.dma_semaphore, #tpu.memory_space<semaphore_mem>>) src(%dma_wait3A_176 : memref<640x16xf32, #tpu.memory_space<vmem_shared>>) dst(%arg16 : memref<640x16xf32, #tpu.memory_space<vmem>>)
      tpu.yield
    }) : () -> ()
    "tpu.region"() ({
      %run_scoped3A = tpu.sem_alloc : memref<!tpu.dma_semaphore, #tpu.memory_space<semaphore_mem>>
      %dma_start3A_169 = arith.constant 0 : i32
      %dma_start3A_170 = tpu.memref_slice %arg6[%arg0, %mul3A_0, %dma_start3A_169] : memref<2x10240x16xf32, #tpu.memory_space<hbm>> -> memref<1x640x16xf32, #tpu.memory_space<hbm>>
      %dma_start3A_171 = tpu.memref_squeeze %dma_start3A_170 : memref<1x640x16xf32, #tpu.memory_space<hbm>> -> memref<640x16xf32, #tpu.memory_space<hbm>>
      %dma_start3A_172 = arith.constant 0 : i32
      %dma_start3A_173 = tpu.memref_slice %arg6[%arg0, %mul3A_0, %dma_start3A_172] : memref<2x10240x16xf32, #tpu.memory_space<hbm>> -> memref<1x640x16xf32, #tpu.memory_space<hbm>>
      %dma_start3A_174 = tpu.memref_squeeze %dma_start3A_173 : memref<1x640x16xf32, #tpu.memory_space<hbm>> -> memref<640x16xf32, #tpu.memory_space<hbm>>
      tpu.enqueue_dma source(%arg16 : memref<640x16xf32, #tpu.memory_space<vmem>>) target(%dma_start3A_174 : memref<640x16xf32, #tpu.memory_space<hbm>>) target_semaphore(%run_scoped3A : memref<!tpu.dma_semaphore, #tpu.memory_space<semaphore_mem>>)
      %dma_wait3A_175 = arith.constant 0 : i32
      %dma_wait3A_176 = tpu.memref_slice %arg6[%arg0, %mul3A_0, %dma_wait3A_175] : memref<2x10240x16xf32, #tpu.memory_space<hbm>> -> memref<1x640x16xf32, #tpu.memory_space<hbm>>
      %dma_wait3A_177 = tpu.memref_squeeze %dma_wait3A_176 : memref<1x640x16xf32, #tpu.memory_space<hbm>> -> memref<640x16xf32, #tpu.memory_space<hbm>>
      %dma_wait3A_178 = arith.constant 0 : i32
      %dma_wait3A_179 = tpu.memref_slice %arg6[%arg0, %mul3A_0, %dma_wait3A_178] : memref<2x10240x16xf32, #tpu.memory_space<hbm>> -> memref<1x640x16xf32, #tpu.memory_space<hbm>>
      %dma_wait3A_180 = tpu.memref_squeeze %dma_wait3A_179 : memref<1x640x16xf32, #tpu.memory_space<hbm>> -> memref<640x16xf32, #tpu.memory_space<hbm>>
      tpu.wait_dma2 semaphore(%run_scoped3A : memref<!tpu.dma_semaphore, #tpu.memory_space<semaphore_mem>>) src(%arg16 : memref<640x16xf32, #tpu.memory_space<vmem>>) dst(%dma_wait3A_180 : memref<640x16xf32, #tpu.memory_space<hbm>>)
      tpu.yield
    }) : () -> ()
    %scan3A_154 = arith.constant 0 : i32
    %scan3A_155 = arith.constant 0 : i32
    %scan3A_156 = arith.constant 5 : i32
    %scan3A_157 = arith.addi %scan3A_155, %scan3A_156 : i32
    %scan3A_158 = arith.constant 1 : i32
    %scan3A_159 = scf.for %scan3A_169 = %scan3A_155 to %scan3A_157 step %scan3A_158 iter_args(%scan3A_170 = %scan3A_154) -> (i32)  : i32 {
      %mul3A_171 = arith.constant 128 : i32
      %mul3A_172 = arith.muli %scan3A_169, %mul3A_171 : i32
      %add3A_173 = arith.addi %mul3A_0, %mul3A_172 : i32
      "tpu.region"() ({
        %run_scoped3A = tpu.sem_alloc : memref<!tpu.dma_semaphore, #tpu.memory_space<semaphore_mem>>
        %dma_start3A_175 = arith.constant 0 : i32
        %dma_start3A_176 = tpu.memref_slice %arg17[%add3A_173, %dma_start3A_175] : memref<10240x64xf32, #tpu.memory_space<vmem_shared>> -> memref<128x64xf32, #tpu.memory_space<vmem_shared>>
        %dma_start3A_177 = arith.constant 0 : i32
        %dma_start3A_178 = tpu.memref_slice %arg17[%add3A_173, %dma_start3A_177] : memref<10240x64xf32, #tpu.memory_space<vmem_shared>> -> memref<128x64xf32, #tpu.memory_space<vmem_shared>>
        tpu.enqueue_dma source(%arg14 : memref<128x64xf32, #tpu.memory_space<vmem>>) target(%dma_start3A_178 : memref<128x64xf32, #tpu.memory_space<vmem_shared>>) target_semaphore(%run_scoped3A : memref<!tpu.dma_semaphore, #tpu.memory_space<semaphore_mem>>)
        %dma_wait3A_179 = arith.constant 0 : i32
        %dma_wait3A_180 = tpu.memref_slice %arg17[%add3A_173, %dma_wait3A_179] : memref<10240x64xf32, #tpu.memory_space<vmem_shared>> -> memref<128x64xf32, #tpu.memory_space<vmem_shared>>
        %dma_wait3A_181 = arith.constant 0 : i32
        %dma_wait3A_182 = tpu.memref_slice %arg17[%add3A_173, %dma_wait3A_181] : memref<10240x64xf32, #tpu.memory_space<vmem_shared>> -> memref<128x64xf32, #tpu.memory_space<vmem_shared>>
        tpu.wait_dma2 semaphore(%run_scoped3A : memref<!tpu.dma_semaphore, #tpu.memory_space<semaphore_mem>>) src(%arg14 : memref<128x64xf32, #tpu.memory_space<vmem>>) dst(%dma_wait3A_182 : memref<128x64xf32, #tpu.memory_space<vmem_shared>>)
        tpu.yield
      }) : () -> ()
      %scan3A_174 = arith.constant 0 : i32
      scf.yield %scan3A_174 : i32
    }
    %scan3A_160 = arith.constant 5 : i32
    %barrier3A_161 = arith.constant 0 : index
    tpu.barrier barrier_id(%barrier3A_161)
    %scan3A_162 = arith.constant 0 : i32
    %scan3A_163 = arith.constant 1 : i32
    %scan3A_164 = arith.constant 3 : i32
    %scan3A_165 = arith.addi %scan3A_163, %scan3A_164 : i32
    %scan3A_166 = arith.constant 1 : i32
    %scan3A_167 = scf.for %scan3A_169 = %scan3A_163 to %scan3A_165 step %scan3A_166 iter_args(%scan3A_170 = %scan3A_162) -> (i32)  : i32 {
      %scan3A_171 = arith.constant 0 : i32
      %scan3A_172 = arith.constant 0 : i32
      %scan3A_173 = arith.constant 40 : i32
      %scan3A_174 = arith.addi %scan3A_172, %scan3A_173 : i32
      %scan3A_175 = arith.constant 1 : i32
      %scan3A_176 = scf.for %scan3A_298 = %scan3A_172 to %scan3A_174 step %scan3A_175 iter_args(%scan3A_299 = %scan3A_171) -> (i32)  : i32 {
        %get3A = arith.index_cast %scan3A_298 : i32 to index
        %get3A_300 = arith.constant 0 : index
        %get3A_301 = tpu.vector_load %arg7[%get3A, %get3A_300] {strides = array<i32>} : memref<40x128xi32, #tpu.memory_space<vmem>>, vector<1x16xi32>,
        %get3A_302 = vector.shape_cast %get3A_301 : vector<1x16xi32> to vector<16xi32>
        %mul3A_303 = arith.constant 4 : i32
        %mul3A_304 = vector.broadcast %mul3A_303 : i32 to vector<16xi32>
        %mul3A_305 = arith.muli %get3A_302, %mul3A_304 : vector<16xi32>
        %add3A_306 = vector.broadcast %scan3A_169 : i32 to vector<16xi32>
        %add3A_307 = arith.addi %mul3A_305, %add3A_306 : vector<16xi32>
        %swap3A = arith.index_cast %scan3A_298 : i32 to index
        %swap3A_308 = arith.constant 0 : index
        %swap3A_309 = tpu.vector_load %arg8[%swap3A, %swap3A_308] {strides = array<i32>} : memref<40x128xi32, #tpu.memory_space<vmem>>, vector<1x16xi32>,
        %swap3A_310 = vector.shape_cast %swap3A_309 : vector<1x16xi32> to vector<16xi32>
        %swap3A_311 = vector.shape_cast %add3A_307 : vector<16xi32> to vector<1x16xi32>
        tpu.vector_store %arg8[%swap3A, %swap3A_308], %swap3A_311 {strides = array<i32>} : memref<40x128xi32, #tpu.memory_space<vmem>>, vector<1x16xi32>,
        %get3A_312 = arith.index_cast %scan3A_298 : i32 to index
        %get3A_313 = arith.constant 16 : index
        %get3A_314 = tpu.vector_load %arg7[%get3A_312, %get3A_313] {strides = array<i32>} : memref<40x128xi32, #tpu.memory_space<vmem>>, vector<1x16xi32>,
        %get3A_315 = vector.shape_cast %get3A_314 : vector<1x16xi32> to vector<16xi32>
        %mul3A_316 = arith.constant 4 : i32
        %mul3A_317 = vector.broadcast %mul3A_316 : i32 to vector<16xi32>
        %mul3A_318 = arith.muli %get3A_315, %mul3A_317 : vector<16xi32>
        %add3A_319 = vector.broadcast %scan3A_169 : i32 to vector<16xi32>
        %add3A_320 = arith.addi %mul3A_318, %add3A_319 : vector<16xi32>
        %swap3A_321 = arith.index_cast %scan3A_298 : i32 to index
        %swap3A_322 = arith.constant 16 : index
        %swap3A_323 = tpu.vector_load %arg8[%swap3A_321, %swap3A_322] {strides = array<i32>} : memref<40x128xi32, #tpu.memory_space<vmem>>, vector<1x16xi32>,
        %swap3A_324 = vector.shape_cast %swap3A_323 : vector<1x16xi32> to vector<16xi32>
        %swap3A_325 = vector.shape_cast %add3A_320 : vector<16xi32> to vector<1x16xi32>
        tpu.vector_store %arg8[%swap3A_321, %swap3A_322], %swap3A_325 {strides = array<i32>} : memref<40x128xi32, #tpu.memory_space<vmem>>, vector<1x16xi32>,
        %get3A_326 = arith.index_cast %scan3A_298 : i32 to index
        %get3A_327 = arith.constant 32 : index
        %get3A_328 = tpu.vector_load %arg7[%get3A_326, %get3A_327] {strides = array<i32>} : memref<40x128xi32, #tpu.memory_space<vmem>>, vector<1x16xi32>,
        %get3A_329 = vector.shape_cast %get3A_328 : vector<1x16xi32> to vector<16xi32>
        %mul3A_330 = arith.constant 4 : i32
        %mul3A_331 = vector.broadcast %mul3A_330 : i32 to vector<16xi32>
        %mul3A_332 = arith.muli %get3A_329, %mul3A_331 : vector<16xi32>
        %add3A_333 = vector.broadcast %scan3A_169 : i32 to vector<16xi32>
        %add3A_334 = arith.addi %mul3A_332, %add3A_333 : vector<16xi32>
        %swap3A_335 = arith.index_cast %scan3A_298 : i32 to index
        %swap3A_336 = arith.constant 32 : index
        %swap3A_337 = tpu.vector_load %arg8[%swap3A_335, %swap3A_336] {strides = array<i32>} : memref<40x128xi32, #tpu.memory_space<vmem>>, vector<1x16xi32>,
        %swap3A_338 = vector.shape_cast %swap3A_337 : vector<1x16xi32> to vector<16xi32>
        %swap3A_339 = vector.shape_cast %add3A_334 : vector<16xi32> to vector<1x16xi32>
        tpu.vector_store %arg8[%swap3A_335, %swap3A_336], %swap3A_339 {strides = array<i32>} : memref<40x128xi32, #tpu.memory_space<vmem>>, vector<1x16xi32>,
        %get3A_340 = arith.index_cast %scan3A_298 : i32 to index
        %get3A_341 = arith.constant 48 : index
        %get3A_342 = tpu.vector_load %arg7[%get3A_340, %get3A_341] {strides = array<i32>} : memref<40x128xi32, #tpu.memory_space<vmem>>, vector<1x16xi32>,
        %get3A_343 = vector.shape_cast %get3A_342 : vector<1x16xi32> to vector<16xi32>
        %mul3A_344 = arith.constant 4 : i32
        %mul3A_345 = vector.broadcast %mul3A_344 : i32 to vector<16xi32>
        %mul3A_346 = arith.muli %get3A_343, %mul3A_345 : vector<16xi32>
        %add3A_347 = vector.broadcast %scan3A_169 : i32 to vector<16xi32>
        %add3A_348 = arith.addi %mul3A_346, %add3A_347 : vector<16xi32>
        %swap3A_349 = arith.index_cast %scan3A_298 : i32 to index
        %swap3A_350 = arith.constant 48 : index
        %swap3A_351 = tpu.vector_load %arg8[%swap3A_349, %swap3A_350] {strides = array<i32>} : memref<40x128xi32, #tpu.memory_space<vmem>>, vector<1x16xi32>,
        %swap3A_352 = vector.shape_cast %swap3A_351 : vector<1x16xi32> to vector<16xi32>
        %swap3A_353 = vector.shape_cast %add3A_348 : vector<16xi32> to vector<1x16xi32>
        tpu.vector_store %arg8[%swap3A_349, %swap3A_350], %swap3A_353 {strides = array<i32>} : memref<40x128xi32, #tpu.memory_space<vmem>>, vector<1x16xi32>,
        %get3A_354 = arith.index_cast %scan3A_298 : i32 to index
        %get3A_355 = arith.constant 64 : index
        %get3A_356 = tpu.vector_load %arg7[%get3A_354, %get3A_355] {strides = array<i32>} : memref<40x128xi32, #tpu.memory_space<vmem>>, vector<1x16xi32>,
        %get3A_357 = vector.shape_cast %get3A_356 : vector<1x16xi32> to vector<16xi32>
        %mul3A_358 = arith.constant 4 : i32
        %mul3A_359 = vector.broadcast %mul3A_358 : i32 to vector<16xi32>
        %mul3A_360 = arith.muli %get3A_357, %mul3A_359 : vector<16xi32>
        %add3A_361 = vector.broadcast %scan3A_169 : i32 to vector<16xi32>
        %add3A_362 = arith.addi %mul3A_360, %add3A_361 : vector<16xi32>
        %swap3A_363 = arith.index_cast %scan3A_298 : i32 to index
        %swap3A_364 = arith.constant 64 : index
        %swap3A_365 = tpu.vector_load %arg8[%swap3A_363, %swap3A_364] {strides = array<i32>} : memref<40x128xi32, #tpu.memory_space<vmem>>, vector<1x16xi32>,
        %swap3A_366 = vector.shape_cast %swap3A_365 : vector<1x16xi32> to vector<16xi32>
        %swap3A_367 = vector.shape_cast %add3A_362 : vector<16xi32> to vector<1x16xi32>
        tpu.vector_store %arg8[%swap3A_363, %swap3A_364], %swap3A_367 {strides = array<i32>} : memref<40x128xi32, #tpu.memory_space<vmem>>, vector<1x16xi32>,
        %get3A_368 = arith.index_cast %scan3A_298 : i32 to index
        %get3A_369 = arith.constant 80 : index
        %get3A_370 = tpu.vector_load %arg7[%get3A_368, %get3A_369] {strides = array<i32>} : memref<40x128xi32, #tpu.memory_space<vmem>>, vector<1x16xi32>,
        %get3A_371 = vector.shape_cast %get3A_370 : vector<1x16xi32> to vector<16xi32>
        %mul3A_372 = arith.constant 4 : i32
        %mul3A_373 = vector.broadcast %mul3A_372 : i32 to vector<16xi32>
        %mul3A_374 = arith.muli %get3A_371, %mul3A_373 : vector<16xi32>
        %add3A_375 = vector.broadcast %scan3A_169 : i32 to vector<16xi32>
        %add3A_376 = arith.addi %mul3A_374, %add3A_375 : vector<16xi32>
        %swap3A_377 = arith.index_cast %scan3A_298 : i32 to index
        %swap3A_378 = arith.constant 80 : index
        %swap3A_379 = tpu.vector_load %arg8[%swap3A_377, %swap3A_378] {strides = array<i32>} : memref<40x128xi32, #tpu.memory_space<vmem>>, vector<1x16xi32>,
        %swap3A_380 = vector.shape_cast %swap3A_379 : vector<1x16xi32> to vector<16xi32>
        %swap3A_381 = vector.shape_cast %add3A_376 : vector<16xi32> to vector<1x16xi32>
        tpu.vector_store %arg8[%swap3A_377, %swap3A_378], %swap3A_381 {strides = array<i32>} : memref<40x128xi32, #tpu.memory_space<vmem>>, vector<1x16xi32>,
        %get3A_382 = arith.index_cast %scan3A_298 : i32 to index
        %get3A_383 = arith.constant 96 : index
        %get3A_384 = tpu.vector_load %arg7[%get3A_382, %get3A_383] {strides = array<i32>} : memref<40x128xi32, #tpu.memory_space<vmem>>, vector<1x16xi32>,
        %get3A_385 = vector.shape_cast %get3A_384 : vector<1x16xi32> to vector<16xi32>
        %mul3A_386 = arith.constant 4 : i32
        %mul3A_387 = vector.broadcast %mul3A_386 : i32 to vector<16xi32>
        %mul3A_388 = arith.muli %get3A_385, %mul3A_387 : vector<16xi32>
        %add3A_389 = vector.broadcast %scan3A_169 : i32 to vector<16xi32>
        %add3A_390 = arith.addi %mul3A_388, %add3A_389 : vector<16xi32>
        %swap3A_391 = arith.index_cast %scan3A_298 : i32 to index
        %swap3A_392 = arith.constant 96 : index
        %swap3A_393 = tpu.vector_load %arg8[%swap3A_391, %swap3A_392] {strides = array<i32>} : memref<40x128xi32, #tpu.memory_space<vmem>>, vector<1x16xi32>,
        %swap3A_394 = vector.shape_cast %swap3A_393 : vector<1x16xi32> to vector<16xi32>
        %swap3A_395 = vector.shape_cast %add3A_390 : vector<16xi32> to vector<1x16xi32>
        tpu.vector_store %arg8[%swap3A_391, %swap3A_392], %swap3A_395 {strides = array<i32>} : memref<40x128xi32, #tpu.memory_space<vmem>>, vector<1x16xi32>,
        %get3A_396 = arith.index_cast %scan3A_298 : i32 to index
        %get3A_397 = arith.constant 112 : index
        %get3A_398 = tpu.vector_load %arg7[%get3A_396, %get3A_397] {strides = array<i32>} : memref<40x128xi32, #tpu.memory_space<vmem>>, vector<1x16xi32>,
        %get3A_399 = vector.shape_cast %get3A_398 : vector<1x16xi32> to vector<16xi32>
        %mul3A_400 = arith.constant 4 : i32
        %mul3A_401 = vector.broadcast %mul3A_400 : i32 to vector<16xi32>
        %mul3A_402 = arith.muli %get3A_399, %mul3A_401 : vector<16xi32>
        %add3A_403 = vector.broadcast %scan3A_169 : i32 to vector<16xi32>
        %add3A_404 = arith.addi %mul3A_402, %add3A_403 : vector<16xi32>
        %swap3A_405 = arith.index_cast %scan3A_298 : i32 to index
        %swap3A_406 = arith.constant 112 : index
        %swap3A_407 = tpu.vector_load %arg8[%swap3A_405, %swap3A_406] {strides = array<i32>} : memref<40x128xi32, #tpu.memory_space<vmem>>, vector<1x16xi32>,
        %swap3A_408 = vector.shape_cast %swap3A_407 : vector<1x16xi32> to vector<16xi32>
        %swap3A_409 = vector.shape_cast %add3A_404 : vector<16xi32> to vector<1x16xi32>
        tpu.vector_store %arg8[%swap3A_405, %swap3A_406], %swap3A_409 {strides = array<i32>} : memref<40x128xi32, #tpu.memory_space<vmem>>, vector<1x16xi32>,
        %scan3A_410 = arith.constant 0 : i32
        scf.yield %scan3A_410 : i32
      }
      %scan3A_177 = arith.constant 40 : i32
      %dma_start3A_178 = arith.constant 0 : i32
      %dma_start3A_179 = arith.constant 0 : i32
      %dma_start3A_180 = tpu.memref_slice %arg8[%dma_start3A_178, %dma_start3A_179] : memref<40x128xi32, #tpu.memory_space<vmem>> -> memref<1x128xi32, #tpu.memory_space<vmem>>
      %dma_start3A_181 = tpu.memref_squeeze %dma_start3A_180 : memref<1x128xi32, #tpu.memory_space<vmem>> -> memref<128xi32, #tpu.memory_space<vmem>>
      %dma_start3A_182 = arith.constant 0 : i32
      %dma_start3A_183 = arith.constant 0 : i32
      %dma_start3A_184 = tpu.memref_slice %arg2[%dma_start3A_182, %dma_start3A_183] : memref<40000x64xf32, #tpu.memory_space<hbm>> -> memref<40000x64xf32, #tpu.memory_space<hbm>>
      tpu.enqueue_indirect_dma source(%dma_start3A_184 : memref<40000x64xf32, #tpu.memory_space<hbm>>) target(%arg10 : memref<128x64xf32, #tpu.memory_space<vmem>>) offsets(%dma_start3A_181 : memref<128xi32, #tpu.memory_space<vmem>>) semaphore(%arg19 : memref<!tpu.dma_semaphore, #tpu.memory_space<semaphore_mem>>)
      %dma_start3A_185 = arith.constant 1 : i32
      %dma_start3A_186 = arith.constant 0 : i32
      %dma_start3A_187 = tpu.memref_slice %arg8[%dma_start3A_185, %dma_start3A_186] : memref<40x128xi32, #tpu.memory_space<vmem>> -> memref<1x128xi32, #tpu.memory_space<vmem>>
      %dma_start3A_188 = tpu.memref_squeeze %dma_start3A_187 : memref<1x128xi32, #tpu.memory_space<vmem>> -> memref<128xi32, #tpu.memory_space<vmem>>
      %dma_start3A_189 = arith.constant 0 : i32
      %dma_start3A_190 = arith.constant 0 : i32
      %dma_start3A_191 = tpu.memref_slice %arg2[%dma_start3A_189, %dma_start3A_190] : memref<40000x64xf32, #tpu.memory_space<hbm>> -> memref<40000x64xf32, #tpu.memory_space<hbm>>
      tpu.enqueue_indirect_dma source(%dma_start3A_191 : memref<40000x64xf32, #tpu.memory_space<hbm>>) target(%arg11 : memref<128x64xf32, #tpu.memory_space<vmem>>) offsets(%dma_start3A_188 : memref<128xi32, #tpu.memory_space<vmem>>) semaphore(%arg20 : memref<!tpu.dma_semaphore, #tpu.memory_space<semaphore_mem>>)
      %dma_start3A_192 = arith.constant 2 : i32
      %dma_start3A_193 = arith.constant 0 : i32
      %dma_start3A_194 = tpu.memref_slice %arg8[%dma_start3A_192, %dma_start3A_193] : memref<40x128xi32, #tpu.memory_space<vmem>> -> memref<1x128xi32, #tpu.memory_space<vmem>>
      %dma_start3A_195 = tpu.memref_squeeze %dma_start3A_194 : memref<1x128xi32, #tpu.memory_space<vmem>> -> memref<128xi32, #tpu.memory_space<vmem>>
      %dma_start3A_196 = arith.constant 0 : i32
      %dma_start3A_197 = arith.constant 0 : i32
      %dma_start3A_198 = tpu.memref_slice %arg2[%dma_start3A_196, %dma_start3A_197] : memref<40000x64xf32, #tpu.memory_space<hbm>> -> memref<40000x64xf32, #tpu.memory_space<hbm>>
      tpu.enqueue_indirect_dma source(%dma_start3A_198 : memref<40000x64xf32, #tpu.memory_space<hbm>>) target(%arg12 : memref<128x64xf32, #tpu.memory_space<vmem>>) offsets(%dma_start3A_195 : memref<128xi32, #tpu.memory_space<vmem>>) semaphore(%arg21 : memref<!tpu.dma_semaphore, #tpu.memory_space<semaphore_mem>>)
      %dma_start3A_199 = arith.constant 3 : i32
      %dma_start3A_200 = arith.constant 0 : i32
      %dma_start3A_201 = tpu.memref_slice %arg8[%dma_start3A_199, %dma_start3A_200] : memref<40x128xi32, #tpu.memory_space<vmem>> -> memref<1x128xi32, #tpu.memory_space<vmem>>
      %dma_start3A_202 = tpu.memref_squeeze %dma_start3A_201 : memref<1x128xi32, #tpu.memory_space<vmem>> -> memref<128xi32, #tpu.memory_space<vmem>>
      %dma_start3A_203 = arith.constant 0 : i32
      %dma_start3A_204 = arith.constant 0 : i32
      %dma_start3A_205 = tpu.memref_slice %arg2[%dma_start3A_203, %dma_start3A_204] : memref<40000x64xf32, #tpu.memory_space<hbm>> -> memref<40000x64xf32, #tpu.memory_space<hbm>>
      tpu.enqueue_indirect_dma source(%dma_start3A_205 : memref<40000x64xf32, #tpu.memory_space<hbm>>) target(%arg13 : memref<128x64xf32, #tpu.memory_space<vmem>>) offsets(%dma_start3A_202 : memref<128xi32, #tpu.memory_space<vmem>>) semaphore(%arg22 : memref<!tpu.dma_semaphore, #tpu.memory_space<semaphore_mem>>)
      %scan3A_206 = arith.constant 0 : i32
      %scan3A_207 = arith.constant 0 : i32
      %scan3A_208 = arith.constant 10 : i32
      %scan3A_209 = arith.addi %scan3A_207, %scan3A_208 : i32
      %scan3A_210 = arith.constant 1 : i32
      %scan3A_211 = scf.for %scan3A_298 = %scan3A_207 to %scan3A_209 step %scan3A_210 iter_args(%scan3A_299 = %scan3A_206) -> (i32)  : i32 {
        %mul3A_300 = arith.constant 4 : i32
        %mul3A_301 = arith.muli %scan3A_298, %mul3A_300 : i32
        %add3A_302 = arith.constant 0 : i32
        %add3A_303 = arith.addi %mul3A_301, %add3A_302 : i32
        %dma_wait3A_304 = arith.constant 0 : i32
        %dma_wait3A_305 = arith.constant 0 : i32
        %dma_wait3A_306 = tpu.memref_slice %arg8[%dma_wait3A_304, %dma_wait3A_305] : memref<40x128xi32, #tpu.memory_space<vmem>> -> memref<1x128xi32, #tpu.memory_space<vmem>>
        %dma_wait3A_307 = tpu.memref_squeeze %dma_wait3A_306 : memref<1x128xi32, #tpu.memory_space<vmem>> -> memref<128xi32, #tpu.memory_space<vmem>>
        %dma_wait3A_308 = arith.constant 0 : i32
        %dma_wait3A_309 = arith.constant 0 : i32
        %dma_wait3A_310 = tpu.memref_slice %arg2[%dma_wait3A_308, %dma_wait3A_309] : memref<40000x64xf32, #tpu.memory_space<hbm>> -> memref<40000x64xf32, #tpu.memory_space<hbm>>
        tpu.wait_indirect_dma semaphore(%arg19 : memref<!tpu.dma_semaphore, #tpu.memory_space<semaphore_mem>>) src(%dma_wait3A_310 : memref<40000x64xf32, #tpu.memory_space<hbm>>) dst(%arg10 : memref<128x64xf32, #tpu.memory_space<vmem>>)
        %dma_start3A_311 = arith.constant 0 : i32
        %dma_start3A_312 = tpu.memref_slice %arg9[%add3A_303, %dma_start3A_311] : memref<40x128xi32, #tpu.memory_space<vmem>> -> memref<1x128xi32, #tpu.memory_space<vmem>>
        %dma_start3A_313 = tpu.memref_squeeze %dma_start3A_312 : memref<1x128xi32, #tpu.memory_space<vmem>> -> memref<128xi32, #tpu.memory_space<vmem>>
        %dma_start3A_314 = arith.constant 0 : i32
        %dma_start3A_315 = arith.constant 0 : i32
        %dma_start3A_316 = tpu.memref_slice %arg17[%dma_start3A_314, %dma_start3A_315] : memref<10240x64xf32, #tpu.memory_space<vmem_shared>> -> memref<10240x64xf32, #tpu.memory_space<vmem_shared>>
        tpu.enqueue_indirect_dma source(%arg10 : memref<128x64xf32, #tpu.memory_space<vmem>>) target(%dma_start3A_316 : memref<10240x64xf32, #tpu.memory_space<vmem_shared>>) offsets(%dma_start3A_313 : memref<128xi32, #tpu.memory_space<vmem>>) semaphore(%arg23 : memref<!tpu.dma_semaphore, #tpu.memory_space<semaphore_mem>>) {add = true}
        %dma_wait3A_317 = arith.constant 0 : i32
        %dma_wait3A_318 = arith.constant 0 : i32
        %dma_wait3A_319 = tpu.memref_slice %arg9[%dma_wait3A_317, %dma_wait3A_318] : memref<40x128xi32, #tpu.memory_space<vmem>> -> memref<1x128xi32, #tpu.memory_space<vmem>>
        %dma_wait3A_320 = tpu.memref_squeeze %dma_wait3A_319 : memref<1x128xi32, #tpu.memory_space<vmem>> -> memref<128xi32, #tpu.memory_space<vmem>>
        %dma_wait3A_321 = arith.constant 0 : i32
        %dma_wait3A_322 = arith.constant 0 : i32
        %dma_wait3A_323 = tpu.memref_slice %arg17[%dma_wait3A_321, %dma_wait3A_322] : memref<10240x64xf32, #tpu.memory_space<vmem_shared>> -> memref<10240x64xf32, #tpu.memory_space<vmem_shared>>
        tpu.wait_indirect_dma semaphore(%arg23 : memref<!tpu.dma_semaphore, #tpu.memory_space<semaphore_mem>>) src(%arg10 : memref<128x64xf32, #tpu.memory_space<vmem>>) dst(%dma_wait3A_323 : memref<10240x64xf32, #tpu.memory_space<vmem_shared>>)
        %lt3A_324 = arith.constant 9 : i32
        %lt3A_325 = arith.cmpi slt, %scan3A_298, %lt3A_324 : i32
        %convert_element_type3A_326 = arith.extui %lt3A_325 : i1 to i32
        %cond3A_327 = arith.constant 0 : i32
        %cond3A_328 = arith.cmpi ne, %convert_element_type3A_326, %cond3A_327 : i32
        scf.if %cond3A_328 {
          %add3A_417 = arith.constant 4 : i32
          %add3A_418 = arith.addi %add3A_303, %add3A_417 : i32
          %dma_start3A_419 = arith.constant 0 : i32
          %dma_start3A_420 = tpu.memref_slice %arg8[%add3A_418, %dma_start3A_419] : memref<40x128xi32, #tpu.memory_space<vmem>> -> memref<1x128xi32, #tpu.memory_space<vmem>>
          %dma_start3A_421 = tpu.memref_squeeze %dma_start3A_420 : memref<1x128xi32, #tpu.memory_space<vmem>> -> memref<128xi32, #tpu.memory_space<vmem>>
          %dma_start3A_422 = arith.constant 0 : i32
          %dma_start3A_423 = arith.constant 0 : i32
          %dma_start3A_424 = tpu.memref_slice %arg2[%dma_start3A_422, %dma_start3A_423] : memref<40000x64xf32, #tpu.memory_space<hbm>> -> memref<40000x64xf32, #tpu.memory_space<hbm>>
          tpu.enqueue_indirect_dma source(%dma_start3A_424 : memref<40000x64xf32, #tpu.memory_space<hbm>>) target(%arg10 : memref<128x64xf32, #tpu.memory_space<vmem>>) offsets(%dma_start3A_421 : memref<128xi32, #tpu.memory_space<vmem>>) semaphore(%arg19 : memref<!tpu.dma_semaphore, #tpu.memory_space<semaphore_mem>>)
        } else {
        }
        %mul3A_329 = arith.constant 4 : i32
        %mul3A_330 = arith.muli %scan3A_298, %mul3A_329 : i32
        %add3A_331 = arith.constant 1 : i32
        %add3A_332 = arith.addi %mul3A_330, %add3A_331 : i32
        %dma_wait3A_333 = arith.constant 0 : i32
        %dma_wait3A_334 = arith.constant 0 : i32
        %dma_wait3A_335 = tpu.memref_slice %arg8[%dma_wait3A_333, %dma_wait3A_334] : memref<40x128xi32, #tpu.memory_space<vmem>> -> memref<1x128xi32, #tpu.memory_space<vmem>>
        %dma_wait3A_336 = tpu.memref_squeeze %dma_wait3A_335 : memref<1x128xi32, #tpu.memory_space<vmem>> -> memref<128xi32, #tpu.memory_space<vmem>>
        %dma_wait3A_337 = arith.constant 0 : i32
        %dma_wait3A_338 = arith.constant 0 : i32
        %dma_wait3A_339 = tpu.memref_slice %arg2[%dma_wait3A_337, %dma_wait3A_338] : memref<40000x64xf32, #tpu.memory_space<hbm>> -> memref<40000x64xf32, #tpu.memory_space<hbm>>
        tpu.wait_indirect_dma semaphore(%arg20 : memref<!tpu.dma_semaphore, #tpu.memory_space<semaphore_mem>>) src(%dma_wait3A_339 : memref<40000x64xf32, #tpu.memory_space<hbm>>) dst(%arg11 : memref<128x64xf32, #tpu.memory_space<vmem>>)
        %dma_start3A_340 = arith.constant 0 : i32
        %dma_start3A_341 = tpu.memref_slice %arg9[%add3A_332, %dma_start3A_340] : memref<40x128xi32, #tpu.memory_space<vmem>> -> memref<1x128xi32, #tpu.memory_space<vmem>>
        %dma_start3A_342 = tpu.memref_squeeze %dma_start3A_341 : memref<1x128xi32, #tpu.memory_space<vmem>> -> memref<128xi32, #tpu.memory_space<vmem>>
        %dma_start3A_343 = arith.constant 0 : i32
        %dma_start3A_344 = arith.constant 0 : i32
        %dma_start3A_345 = tpu.memref_slice %arg17[%dma_start3A_343, %dma_start3A_344] : memref<10240x64xf32, #tpu.memory_space<vmem_shared>> -> memref<10240x64xf32, #tpu.memory_space<vmem_shared>>
        tpu.enqueue_indirect_dma source(%arg11 : memref<128x64xf32, #tpu.memory_space<vmem>>) target(%dma_start3A_345 : memref<10240x64xf32, #tpu.memory_space<vmem_shared>>) offsets(%dma_start3A_342 : memref<128xi32, #tpu.memory_space<vmem>>) semaphore(%arg24 : memref<!tpu.dma_semaphore, #tpu.memory_space<semaphore_mem>>) {add = true}
        %dma_wait3A_346 = arith.constant 0 : i32
        %dma_wait3A_347 = arith.constant 0 : i32
        %dma_wait3A_348 = tpu.memref_slice %arg9[%dma_wait3A_346, %dma_wait3A_347] : memref<40x128xi32, #tpu.memory_space<vmem>> -> memref<1x128xi32, #tpu.memory_space<vmem>>
        %dma_wait3A_349 = tpu.memref_squeeze %dma_wait3A_348 : memref<1x128xi32, #tpu.memory_space<vmem>> -> memref<128xi32, #tpu.memory_space<vmem>>
        %dma_wait3A_350 = arith.constant 0 : i32
        %dma_wait3A_351 = arith.constant 0 : i32
        %dma_wait3A_352 = tpu.memref_slice %arg17[%dma_wait3A_350, %dma_wait3A_351] : memref<10240x64xf32, #tpu.memory_space<vmem_shared>> -> memref<10240x64xf32, #tpu.memory_space<vmem_shared>>
        tpu.wait_indirect_dma semaphore(%arg24 : memref<!tpu.dma_semaphore, #tpu.memory_space<semaphore_mem>>) src(%arg11 : memref<128x64xf32, #tpu.memory_space<vmem>>) dst(%dma_wait3A_352 : memref<10240x64xf32, #tpu.memory_space<vmem_shared>>)
        %lt3A_353 = arith.constant 9 : i32
        %lt3A_354 = arith.cmpi slt, %scan3A_298, %lt3A_353 : i32
        %convert_element_type3A_355 = arith.extui %lt3A_354 : i1 to i32
        %cond3A_356 = arith.constant 0 : i32
        %cond3A_357 = arith.cmpi ne, %convert_element_type3A_355, %cond3A_356 : i32
        scf.if %cond3A_357 {
          %add3A_417 = arith.constant 4 : i32
          %add3A_418 = arith.addi %add3A_332, %add3A_417 : i32
          %dma_start3A_419 = arith.constant 0 : i32
          %dma_start3A_420 = tpu.memref_slice %arg8[%add3A_418, %dma_start3A_419] : memref<40x128xi32, #tpu.memory_space<vmem>> -> memref<1x128xi32, #tpu.memory_space<vmem>>
          %dma_start3A_421 = tpu.memref_squeeze %dma_start3A_420 : memref<1x128xi32, #tpu.memory_space<vmem>> -> memref<128xi32, #tpu.memory_space<vmem>>
          %dma_start3A_422 = arith.constant 0 : i32
          %dma_start3A_423 = arith.constant 0 : i32
          %dma_start3A_424 = tpu.memref_slice %arg2[%dma_start3A_422, %dma_start3A_423] : memref<40000x64xf32, #tpu.memory_space<hbm>> -> memref<40000x64xf32, #tpu.memory_space<hbm>>
          tpu.enqueue_indirect_dma source(%dma_start3A_424 : memref<40000x64xf32, #tpu.memory_space<hbm>>) target(%arg11 : memref<128x64xf32, #tpu.memory_space<vmem>>) offsets(%dma_start3A_421 : memref<128xi32, #tpu.memory_space<vmem>>) semaphore(%arg20 : memref<!tpu.dma_semaphore, #tpu.memory_space<semaphore_mem>>)
        } else {
        }
        %mul3A_358 = arith.constant 4 : i32
        %mul3A_359 = arith.muli %scan3A_298, %mul3A_358 : i32
        %add3A_360 = arith.constant 2 : i32
        %add3A_361 = arith.addi %mul3A_359, %add3A_360 : i32
        %dma_wait3A_362 = arith.constant 0 : i32
        %dma_wait3A_363 = arith.constant 0 : i32
        %dma_wait3A_364 = tpu.memref_slice %arg8[%dma_wait3A_362, %dma_wait3A_363] : memref<40x128xi32, #tpu.memory_space<vmem>> -> memref<1x128xi32, #tpu.memory_space<vmem>>
        %dma_wait3A_365 = tpu.memref_squeeze %dma_wait3A_364 : memref<1x128xi32, #tpu.memory_space<vmem>> -> memref<128xi32, #tpu.memory_space<vmem>>
        %dma_wait3A_366 = arith.constant 0 : i32
        %dma_wait3A_367 = arith.constant 0 : i32
        %dma_wait3A_368 = tpu.memref_slice %arg2[%dma_wait3A_366, %dma_wait3A_367] : memref<40000x64xf32, #tpu.memory_space<hbm>> -> memref<40000x64xf32, #tpu.memory_space<hbm>>
        tpu.wait_indirect_dma semaphore(%arg21 : memref<!tpu.dma_semaphore, #tpu.memory_space<semaphore_mem>>) src(%dma_wait3A_368 : memref<40000x64xf32, #tpu.memory_space<hbm>>) dst(%arg12 : memref<128x64xf32, #tpu.memory_space<vmem>>)
        %dma_start3A_369 = arith.constant 0 : i32
        %dma_start3A_370 = tpu.memref_slice %arg9[%add3A_361, %dma_start3A_369] : memref<40x128xi32, #tpu.memory_space<vmem>> -> memref<1x128xi32, #tpu.memory_space<vmem>>
        %dma_start3A_371 = tpu.memref_squeeze %dma_start3A_370 : memref<1x128xi32, #tpu.memory_space<vmem>> -> memref<128xi32, #tpu.memory_space<vmem>>
        %dma_start3A_372 = arith.constant 0 : i32
        %dma_start3A_373 = arith.constant 0 : i32
        %dma_start3A_374 = tpu.memref_slice %arg17[%dma_start3A_372, %dma_start3A_373] : memref<10240x64xf32, #tpu.memory_space<vmem_shared>> -> memref<10240x64xf32, #tpu.memory_space<vmem_shared>>
        tpu.enqueue_indirect_dma source(%arg12 : memref<128x64xf32, #tpu.memory_space<vmem>>) target(%dma_start3A_374 : memref<10240x64xf32, #tpu.memory_space<vmem_shared>>) offsets(%dma_start3A_371 : memref<128xi32, #tpu.memory_space<vmem>>) semaphore(%arg25 : memref<!tpu.dma_semaphore, #tpu.memory_space<semaphore_mem>>) {add = true}
        %dma_wait3A_375 = arith.constant 0 : i32
        %dma_wait3A_376 = arith.constant 0 : i32
        %dma_wait3A_377 = tpu.memref_slice %arg9[%dma_wait3A_375, %dma_wait3A_376] : memref<40x128xi32, #tpu.memory_space<vmem>> -> memref<1x128xi32, #tpu.memory_space<vmem>>
        %dma_wait3A_378 = tpu.memref_squeeze %dma_wait3A_377 : memref<1x128xi32, #tpu.memory_space<vmem>> -> memref<128xi32, #tpu.memory_space<vmem>>
        %dma_wait3A_379 = arith.constant 0 : i32
        %dma_wait3A_380 = arith.constant 0 : i32
        %dma_wait3A_381 = tpu.memref_slice %arg17[%dma_wait3A_379, %dma_wait3A_380] : memref<10240x64xf32, #tpu.memory_space<vmem_shared>> -> memref<10240x64xf32, #tpu.memory_space<vmem_shared>>
        tpu.wait_indirect_dma semaphore(%arg25 : memref<!tpu.dma_semaphore, #tpu.memory_space<semaphore_mem>>) src(%arg12 : memref<128x64xf32, #tpu.memory_space<vmem>>) dst(%dma_wait3A_381 : memref<10240x64xf32, #tpu.memory_space<vmem_shared>>)
        %lt3A_382 = arith.constant 9 : i32
        %lt3A_383 = arith.cmpi slt, %scan3A_298, %lt3A_382 : i32
        %convert_element_type3A_384 = arith.extui %lt3A_383 : i1 to i32
        %cond3A_385 = arith.constant 0 : i32
        %cond3A_386 = arith.cmpi ne, %convert_element_type3A_384, %cond3A_385 : i32
        scf.if %cond3A_386 {
          %add3A_417 = arith.constant 4 : i32
          %add3A_418 = arith.addi %add3A_361, %add3A_417 : i32
          %dma_start3A_419 = arith.constant 0 : i32
          %dma_start3A_420 = tpu.memref_slice %arg8[%add3A_418, %dma_start3A_419] : memref<40x128xi32, #tpu.memory_space<vmem>> -> memref<1x128xi32, #tpu.memory_space<vmem>>
          %dma_start3A_421 = tpu.memref_squeeze %dma_start3A_420 : memref<1x128xi32, #tpu.memory_space<vmem>> -> memref<128xi32, #tpu.memory_space<vmem>>
          %dma_start3A_422 = arith.constant 0 : i32
          %dma_start3A_423 = arith.constant 0 : i32
          %dma_start3A_424 = tpu.memref_slice %arg2[%dma_start3A_422, %dma_start3A_423] : memref<40000x64xf32, #tpu.memory_space<hbm>> -> memref<40000x64xf32, #tpu.memory_space<hbm>>
          tpu.enqueue_indirect_dma source(%dma_start3A_424 : memref<40000x64xf32, #tpu.memory_space<hbm>>) target(%arg12 : memref<128x64xf32, #tpu.memory_space<vmem>>) offsets(%dma_start3A_421 : memref<128xi32, #tpu.memory_space<vmem>>) semaphore(%arg21 : memref<!tpu.dma_semaphore, #tpu.memory_space<semaphore_mem>>)
        } else {
        }
        %mul3A_387 = arith.constant 4 : i32
        %mul3A_388 = arith.muli %scan3A_298, %mul3A_387 : i32
        %add3A_389 = arith.constant 3 : i32
        %add3A_390 = arith.addi %mul3A_388, %add3A_389 : i32
        %dma_wait3A_391 = arith.constant 0 : i32
        %dma_wait3A_392 = arith.constant 0 : i32
        %dma_wait3A_393 = tpu.memref_slice %arg8[%dma_wait3A_391, %dma_wait3A_392] : memref<40x128xi32, #tpu.memory_space<vmem>> -> memref<1x128xi32, #tpu.memory_space<vmem>>
        %dma_wait3A_394 = tpu.memref_squeeze %dma_wait3A_393 : memref<1x128xi32, #tpu.memory_space<vmem>> -> memref<128xi32, #tpu.memory_space<vmem>>
        %dma_wait3A_395 = arith.constant 0 : i32
        %dma_wait3A_396 = arith.constant 0 : i32
        %dma_wait3A_397 = tpu.memref_slice %arg2[%dma_wait3A_395, %dma_wait3A_396] : memref<40000x64xf32, #tpu.memory_space<hbm>> -> memref<40000x64xf32, #tpu.memory_space<hbm>>
        tpu.wait_indirect_dma semaphore(%arg22 : memref<!tpu.dma_semaphore, #tpu.memory_space<semaphore_mem>>) src(%dma_wait3A_397 : memref<40000x64xf32, #tpu.memory_space<hbm>>) dst(%arg13 : memref<128x64xf32, #tpu.memory_space<vmem>>)
        %dma_start3A_398 = arith.constant 0 : i32
        %dma_start3A_399 = tpu.memref_slice %arg9[%add3A_390, %dma_start3A_398] : memref<40x128xi32, #tpu.memory_space<vmem>> -> memref<1x128xi32, #tpu.memory_space<vmem>>
        %dma_start3A_400 = tpu.memref_squeeze %dma_start3A_399 : memref<1x128xi32, #tpu.memory_space<vmem>> -> memref<128xi32, #tpu.memory_space<vmem>>
        %dma_start3A_401 = arith.constant 0 : i32
        %dma_start3A_402 = arith.constant 0 : i32
        %dma_start3A_403 = tpu.memref_slice %arg17[%dma_start3A_401, %dma_start3A_402] : memref<10240x64xf32, #tpu.memory_space<vmem_shared>> -> memref<10240x64xf32, #tpu.memory_space<vmem_shared>>
        tpu.enqueue_indirect_dma source(%arg13 : memref<128x64xf32, #tpu.memory_space<vmem>>) target(%dma_start3A_403 : memref<10240x64xf32, #tpu.memory_space<vmem_shared>>) offsets(%dma_start3A_400 : memref<128xi32, #tpu.memory_space<vmem>>) semaphore(%arg26 : memref<!tpu.dma_semaphore, #tpu.memory_space<semaphore_mem>>) {add = true}
        %dma_wait3A_404 = arith.constant 0 : i32
        %dma_wait3A_405 = arith.constant 0 : i32
        %dma_wait3A_406 = tpu.memref_slice %arg9[%dma_wait3A_404, %dma_wait3A_405] : memref<40x128xi32, #tpu.memory_space<vmem>> -> memref<1x128xi32, #tpu.memory_space<vmem>>
        %dma_wait3A_407 = tpu.memref_squeeze %dma_wait3A_406 : memref<1x128xi32, #tpu.memory_space<vmem>> -> memref<128xi32, #tpu.memory_space<vmem>>
        %dma_wait3A_408 = arith.constant 0 : i32
        %dma_wait3A_409 = arith.constant 0 : i32
        %dma_wait3A_410 = tpu.memref_slice %arg17[%dma_wait3A_408, %dma_wait3A_409] : memref<10240x64xf32, #tpu.memory_space<vmem_shared>> -> memref<10240x64xf32, #tpu.memory_space<vmem_shared>>
        tpu.wait_indirect_dma semaphore(%arg26 : memref<!tpu.dma_semaphore, #tpu.memory_space<semaphore_mem>>) src(%arg13 : memref<128x64xf32, #tpu.memory_space<vmem>>) dst(%dma_wait3A_410 : memref<10240x64xf32, #tpu.memory_space<vmem_shared>>)
        %lt3A_411 = arith.constant 9 : i32
        %lt3A_412 = arith.cmpi slt, %scan3A_298, %lt3A_411 : i32
        %convert_element_type3A_413 = arith.extui %lt3A_412 : i1 to i32
        %cond3A_414 = arith.constant 0 : i32
        %cond3A_415 = arith.cmpi ne, %convert_element_type3A_413, %cond3A_414 : i32
        scf.if %cond3A_415 {
          %add3A_417 = arith.constant 4 : i32
          %add3A_418 = arith.addi %add3A_390, %add3A_417 : i32
          %dma_start3A_419 = arith.constant 0 : i32
          %dma_start3A_420 = tpu.memref_slice %arg8[%add3A_418, %dma_start3A_419] : memref<40x128xi32, #tpu.memory_space<vmem>> -> memref<1x128xi32, #tpu.memory_space<vmem>>
          %dma_start3A_421 = tpu.memref_squeeze %dma_start3A_420 : memref<1x128xi32, #tpu.memory_space<vmem>> -> memref<128xi32, #tpu.memory_space<vmem>>
          %dma_start3A_422 = arith.constant 0 : i32
          %dma_start3A_423 = arith.constant 0 : i32
          %dma_start3A_424 = tpu.memref_slice %arg2[%dma_start3A_422, %dma_start3A_423] : memref<40000x64xf32, #tpu.memory_space<hbm>> -> memref<40000x64xf32, #tpu.memory_space<hbm>>
          tpu.enqueue_indirect_dma source(%dma_start3A_424 : memref<40000x64xf32, #tpu.memory_space<hbm>>) target(%arg13 : memref<128x64xf32, #tpu.memory_space<vmem>>) offsets(%dma_start3A_421 : memref<128xi32, #tpu.memory_space<vmem>>) semaphore(%arg22 : memref<!tpu.dma_semaphore, #tpu.memory_space<semaphore_mem>>)
        } else {
        }
        %scan3A_416 = arith.constant 0 : i32
        scf.yield %scan3A_416 : i32
      }
      %scan3A_212 = arith.constant 10 : i32
      %barrier3A_213 = arith.constant 0 : index
      tpu.barrier barrier_id(%barrier3A_213)
      %add3A_214 = arith.constant 0 : i32
      %add3A_215 = arith.addi %mul3A_0, %add3A_214 : i32
      "tpu.region"() ({
        %run_scoped3A = tpu.sem_alloc : memref<!tpu.dma_semaphore, #tpu.memory_space<semaphore_mem>>
        %dma_start3A_298 = arith.constant 0 : i32
        %dma_start3A_299 = tpu.memref_slice %arg17[%add3A_215, %dma_start3A_298] : memref<10240x64xf32, #tpu.memory_space<vmem_shared>> -> memref<128x64xf32, #tpu.memory_space<vmem_shared>>
        %dma_start3A_300 = arith.constant 0 : i32
        %dma_start3A_301 = tpu.memref_slice %arg17[%add3A_215, %dma_start3A_300] : memref<10240x64xf32, #tpu.memory_space<vmem_shared>> -> memref<128x64xf32, #tpu.memory_space<vmem_shared>>
        tpu.enqueue_dma source(%dma_start3A_301 : memref<128x64xf32, #tpu.memory_space<vmem_shared>>) target(%arg10 : memref<128x64xf32, #tpu.memory_space<vmem>>) target_semaphore(%run_scoped3A : memref<!tpu.dma_semaphore, #tpu.memory_space<semaphore_mem>>)
        %dma_wait3A_302 = arith.constant 0 : i32
        %dma_wait3A_303 = tpu.memref_slice %arg17[%add3A_215, %dma_wait3A_302] : memref<10240x64xf32, #tpu.memory_space<vmem_shared>> -> memref<128x64xf32, #tpu.memory_space<vmem_shared>>
        %dma_wait3A_304 = arith.constant 0 : i32
        %dma_wait3A_305 = tpu.memref_slice %arg17[%add3A_215, %dma_wait3A_304] : memref<10240x64xf32, #tpu.memory_space<vmem_shared>> -> memref<128x64xf32, #tpu.memory_space<vmem_shared>>
        tpu.wait_dma2 semaphore(%run_scoped3A : memref<!tpu.dma_semaphore, #tpu.memory_space<semaphore_mem>>) src(%dma_wait3A_305 : memref<128x64xf32, #tpu.memory_space<vmem_shared>>) dst(%arg10 : memref<128x64xf32, #tpu.memory_space<vmem>>)
        tpu.yield
      }) : () -> ()
      %add3A_216 = arith.constant 0 : i32
      %add3A_217 = arith.addi %mul3A_0, %add3A_216 : i32
      %dma_start3A_218 = arith.constant 0 : i32
      %dma_start3A_219 = tpu.memref_slice %arg5[%arg0, %scan3A_169, %add3A_217, %dma_start3A_218] : memref<2x4x10240x64xf32, #tpu.memory_space<hbm>> -> memref<1x1x128x64xf32, #tpu.memory_space<hbm>>
      %dma_start3A_220 = tpu.memref_squeeze %dma_start3A_219 : memref<1x1x128x64xf32, #tpu.memory_space<hbm>> -> memref<128x64xf32, #tpu.memory_space<hbm>>
      %dma_start3A_221 = arith.constant 0 : i32
      %dma_start3A_222 = tpu.memref_slice %arg5[%arg0, %scan3A_169, %add3A_217, %dma_start3A_221] : memref<2x4x10240x64xf32, #tpu.memory_space<hbm>> -> memref<1x1x128x64xf32, #tpu.memory_space<hbm>>
      %dma_start3A_223 = tpu.memref_squeeze %dma_start3A_222 : memref<1x1x128x64xf32, #tpu.memory_space<hbm>> -> memref<128x64xf32, #tpu.memory_space<hbm>>
      tpu.enqueue_dma source(%arg10 : memref<128x64xf32, #tpu.memory_space<vmem>>) target(%dma_start3A_223 : memref<128x64xf32, #tpu.memory_space<hbm>>) target_semaphore(%arg31 : memref<!tpu.dma_semaphore, #tpu.memory_space<semaphore_mem>>)
      %add3A_224 = arith.constant 128 : i32
      %add3A_225 = arith.addi %mul3A_0, %add3A_224 : i32
      "tpu.region"() ({
        %run_scoped3A = tpu.sem_alloc : memref<!tpu.dma_semaphore, #tpu.memory_space<semaphore_mem>>
        %dma_start3A_298 = arith.constant 0 : i32
        %dma_start3A_299 = tpu.memref_slice %arg17[%add3A_225, %dma_start3A_298] : memref<10240x64xf32, #tpu.memory_space<vmem_shared>> -> memref<128x64xf32, #tpu.memory_space<vmem_shared>>
        %dma_start3A_300 = arith.constant 0 : i32
        %dma_start3A_301 = tpu.memref_slice %arg17[%add3A_225, %dma_start3A_300] : memref<10240x64xf32, #tpu.memory_space<vmem_shared>> -> memref<128x64xf32, #tpu.memory_space<vmem_shared>>
        tpu.enqueue_dma source(%dma_start3A_301 : memref<128x64xf32, #tpu.memory_space<vmem_shared>>) target(%arg11 : memref<128x64xf32, #tpu.memory_space<vmem>>) target_semaphore(%run_scoped3A : memref<!tpu.dma_semaphore, #tpu.memory_space<semaphore_mem>>)
        %dma_wait3A_302 = arith.constant 0 : i32
        %dma_wait3A_303 = tpu.memref_slice %arg17[%add3A_225, %dma_wait3A_302] : memref<10240x64xf32, #tpu.memory_space<vmem_shared>> -> memref<128x64xf32, #tpu.memory_space<vmem_shared>>
        %dma_wait3A_304 = arith.constant 0 : i32
        %dma_wait3A_305 = tpu.memref_slice %arg17[%add3A_225, %dma_wait3A_304] : memref<10240x64xf32, #tpu.memory_space<vmem_shared>> -> memref<128x64xf32, #tpu.memory_space<vmem_shared>>
        tpu.wait_dma2 semaphore(%run_scoped3A : memref<!tpu.dma_semaphore, #tpu.memory_space<semaphore_mem>>) src(%dma_wait3A_305 : memref<128x64xf32, #tpu.memory_space<vmem_shared>>) dst(%arg11 : memref<128x64xf32, #tpu.memory_space<vmem>>)
        tpu.yield
      }) : () -> ()
      %add3A_226 = arith.constant 128 : i32
      %add3A_227 = arith.addi %mul3A_0, %add3A_226 : i32
      %dma_start3A_228 = arith.constant 0 : i32
      %dma_start3A_229 = tpu.memref_slice %arg5[%arg0, %scan3A_169, %add3A_227, %dma_start3A_228] : memref<2x4x10240x64xf32, #tpu.memory_space<hbm>> -> memref<1x1x128x64xf32, #tpu.memory_space<hbm>>
      %dma_start3A_230 = tpu.memref_squeeze %dma_start3A_229 : memref<1x1x128x64xf32, #tpu.memory_space<hbm>> -> memref<128x64xf32, #tpu.memory_space<hbm>>
      %dma_start3A_231 = arith.constant 0 : i32
      %dma_start3A_232 = tpu.memref_slice %arg5[%arg0, %scan3A_169, %add3A_227, %dma_start3A_231] : memref<2x4x10240x64xf32, #tpu.memory_space<hbm>> -> memref<1x1x128x64xf32, #tpu.memory_space<hbm>>
      %dma_start3A_233 = tpu.memref_squeeze %dma_start3A_232 : memref<1x1x128x64xf32, #tpu.memory_space<hbm>> -> memref<128x64xf32, #tpu.memory_space<hbm>>
      tpu.enqueue_dma source(%arg11 : memref<128x64xf32, #tpu.memory_space<vmem>>) target(%dma_start3A_233 : memref<128x64xf32, #tpu.memory_space<hbm>>) target_semaphore(%arg31 : memref<!tpu.dma_semaphore, #tpu.memory_space<semaphore_mem>>)
      %dma_wait3A_234 = arith.constant 0 : i32
      %dma_wait3A_235 = tpu.memref_slice %arg5[%arg0, %scan3A_169, %mul3A_0, %dma_wait3A_234] : memref<2x4x10240x64xf32, #tpu.memory_space<hbm>> -> memref<1x1x128x64xf32, #tpu.memory_space<hbm>>
      %dma_wait3A_236 = tpu.memref_squeeze %dma_wait3A_235 : memref<1x1x128x64xf32, #tpu.memory_space<hbm>> -> memref<128x64xf32, #tpu.memory_space<hbm>>
      %dma_wait3A_237 = arith.constant 0 : i32
      %dma_wait3A_238 = tpu.memref_slice %arg5[%arg0, %scan3A_169, %mul3A_0, %dma_wait3A_237] : memref<2x4x10240x64xf32, #tpu.memory_space<hbm>> -> memref<1x1x128x64xf32, #tpu.memory_space<hbm>>
      %dma_wait3A_239 = tpu.memref_squeeze %dma_wait3A_238 : memref<1x1x128x64xf32, #tpu.memory_space<hbm>> -> memref<128x64xf32, #tpu.memory_space<hbm>>
      tpu.wait_dma2 semaphore(%arg31 : memref<!tpu.dma_semaphore, #tpu.memory_space<semaphore_mem>>) src(%arg10 : memref<128x64xf32, #tpu.memory_space<vmem>>) dst(%dma_wait3A_239 : memref<128x64xf32, #tpu.memory_space<hbm>>)
      %add3A_240 = arith.constant 256 : i32
      %add3A_241 = arith.addi %mul3A_0, %add3A_240 : i32
      "tpu.region"() ({
        %run_scoped3A = tpu.sem_alloc : memref<!tpu.dma_semaphore, #tpu.memory_space<semaphore_mem>>
        %dma_start3A_298 = arith.constant 0 : i32
        %dma_start3A_299 = tpu.memref_slice %arg17[%add3A_241, %dma_start3A_298] : memref<10240x64xf32, #tpu.memory_space<vmem_shared>> -> memref<128x64xf32, #tpu.memory_space<vmem_shared>>
        %dma_start3A_300 = arith.constant 0 : i32
        %dma_start3A_301 = tpu.memref_slice %arg17[%add3A_241, %dma_start3A_300] : memref<10240x64xf32, #tpu.memory_space<vmem_shared>> -> memref<128x64xf32, #tpu.memory_space<vmem_shared>>
        tpu.enqueue_dma source(%dma_start3A_301 : memref<128x64xf32, #tpu.memory_space<vmem_shared>>) target(%arg10 : memref<128x64xf32, #tpu.memory_space<vmem>>) target_semaphore(%run_scoped3A : memref<!tpu.dma_semaphore, #tpu.memory_space<semaphore_mem>>)
        %dma_wait3A_302 = arith.constant 0 : i32
        %dma_wait3A_303 = tpu.memref_slice %arg17[%add3A_241, %dma_wait3A_302] : memref<10240x64xf32, #tpu.memory_space<vmem_shared>> -> memref<128x64xf32, #tpu.memory_space<vmem_shared>>
        %dma_wait3A_304 = arith.constant 0 : i32
        %dma_wait3A_305 = tpu.memref_slice %arg17[%add3A_241, %dma_wait3A_304] : memref<10240x64xf32, #tpu.memory_space<vmem_shared>> -> memref<128x64xf32, #tpu.memory_space<vmem_shared>>
        tpu.wait_dma2 semaphore(%run_scoped3A : memref<!tpu.dma_semaphore, #tpu.memory_space<semaphore_mem>>) src(%dma_wait3A_305 : memref<128x64xf32, #tpu.memory_space<vmem_shared>>) dst(%arg10 : memref<128x64xf32, #tpu.memory_space<vmem>>)
        tpu.yield
      }) : () -> ()
      %add3A_242 = arith.constant 256 : i32
      %add3A_243 = arith.addi %mul3A_0, %add3A_242 : i32
      %dma_start3A_244 = arith.constant 0 : i32
      %dma_start3A_245 = tpu.memref_slice %arg5[%arg0, %scan3A_169, %add3A_243, %dma_start3A_244] : memref<2x4x10240x64xf32, #tpu.memory_space<hbm>> -> memref<1x1x128x64xf32, #tpu.memory_space<hbm>>
      %dma_start3A_246 = tpu.memref_squeeze %dma_start3A_245 : memref<1x1x128x64xf32, #tpu.memory_space<hbm>> -> memref<128x64xf32, #tpu.memory_space<hbm>>
      %dma_start3A_247 = arith.constant 0 : i32
      %dma_start3A_248 = tpu.memref_slice %arg5[%arg0, %scan3A_169, %add3A_243, %dma_start3A_247] : memref<2x4x10240x64xf32, #tpu.memory_space<hbm>> -> memref<1x1x128x64xf32, #tpu.memory_space<hbm>>
      %dma_start3A_249 = tpu.memref_squeeze %dma_start3A_248 : memref<1x1x128x64xf32, #tpu.memory_space<hbm>> -> memref<128x64xf32, #tpu.memory_space<hbm>>
      tpu.enqueue_dma source(%arg10 : memref<128x64xf32, #tpu.memory_space<vmem>>) target(%dma_start3A_249 : memref<128x64xf32, #tpu.memory_space<hbm>>) target_semaphore(%arg31 : memref<!tpu.dma_semaphore, #tpu.memory_space<semaphore_mem>>)
      %dma_wait3A_250 = arith.constant 0 : i32
      %dma_wait3A_251 = tpu.memref_slice %arg5[%arg0, %scan3A_169, %mul3A_0, %dma_wait3A_250] : memref<2x4x10240x64xf32, #tpu.memory_space<hbm>> -> memref<1x1x128x64xf32, #tpu.memory_space<hbm>>
      %dma_wait3A_252 = tpu.memref_squeeze %dma_wait3A_251 : memref<1x1x128x64xf32, #tpu.memory_space<hbm>> -> memref<128x64xf32, #tpu.memory_space<hbm>>
      %dma_wait3A_253 = arith.constant 0 : i32
      %dma_wait3A_254 = tpu.memref_slice %arg5[%arg0, %scan3A_169, %mul3A_0, %dma_wait3A_253] : memref<2x4x10240x64xf32, #tpu.memory_space<hbm>> -> memref<1x1x128x64xf32, #tpu.memory_space<hbm>>
      %dma_wait3A_255 = tpu.memref_squeeze %dma_wait3A_254 : memref<1x1x128x64xf32, #tpu.memory_space<hbm>> -> memref<128x64xf32, #tpu.memory_space<hbm>>
      tpu.wait_dma2 semaphore(%arg31 : memref<!tpu.dma_semaphore, #tpu.memory_space<semaphore_mem>>) src(%arg11 : memref<128x64xf32, #tpu.memory_space<vmem>>) dst(%dma_wait3A_255 : memref<128x64xf32, #tpu.memory_space<hbm>>)
      %add3A_256 = arith.constant 384 : i32
      %add3A_257 = arith.addi %mul3A_0, %add3A_256 : i32
      "tpu.region"() ({
        %run_scoped3A = tpu.sem_alloc : memref<!tpu.dma_semaphore, #tpu.memory_space<semaphore_mem>>
        %dma_start3A_298 = arith.constant 0 : i32
        %dma_start3A_299 = tpu.memref_slice %arg17[%add3A_257, %dma_start3A_298] : memref<10240x64xf32, #tpu.memory_space<vmem_shared>> -> memref<128x64xf32, #tpu.memory_space<vmem_shared>>
        %dma_start3A_300 = arith.constant 0 : i32
        %dma_start3A_301 = tpu.memref_slice %arg17[%add3A_257, %dma_start3A_300] : memref<10240x64xf32, #tpu.memory_space<vmem_shared>> -> memref<128x64xf32, #tpu.memory_space<vmem_shared>>
        tpu.enqueue_dma source(%dma_start3A_301 : memref<128x64xf32, #tpu.memory_space<vmem_shared>>) target(%arg11 : memref<128x64xf32, #tpu.memory_space<vmem>>) target_semaphore(%run_scoped3A : memref<!tpu.dma_semaphore, #tpu.memory_space<semaphore_mem>>)
        %dma_wait3A_302 = arith.constant 0 : i32
        %dma_wait3A_303 = tpu.memref_slice %arg17[%add3A_257, %dma_wait3A_302] : memref<10240x64xf32, #tpu.memory_space<vmem_shared>> -> memref<128x64xf32, #tpu.memory_space<vmem_shared>>
        %dma_wait3A_304 = arith.constant 0 : i32
        %dma_wait3A_305 = tpu.memref_slice %arg17[%add3A_257, %dma_wait3A_304] : memref<10240x64xf32, #tpu.memory_space<vmem_shared>> -> memref<128x64xf32, #tpu.memory_space<vmem_shared>>
        tpu.wait_dma2 semaphore(%run_scoped3A : memref<!tpu.dma_semaphore, #tpu.memory_space<semaphore_mem>>) src(%dma_wait3A_305 : memref<128x64xf32, #tpu.memory_space<vmem_shared>>) dst(%arg11 : memref<128x64xf32, #tpu.memory_space<vmem>>)
        tpu.yield
      }) : () -> ()
      %add3A_258 = arith.constant 384 : i32
      %add3A_259 = arith.addi %mul3A_0, %add3A_258 : i32
      %dma_start3A_260 = arith.constant 0 : i32
      %dma_start3A_261 = tpu.memref_slice %arg5[%arg0, %scan3A_169, %add3A_259, %dma_start3A_260] : memref<2x4x10240x64xf32, #tpu.memory_space<hbm>> -> memref<1x1x128x64xf32, #tpu.memory_space<hbm>>
      %dma_start3A_262 = tpu.memref_squeeze %dma_start3A_261 : memref<1x1x128x64xf32, #tpu.memory_space<hbm>> -> memref<128x64xf32, #tpu.memory_space<hbm>>
      %dma_start3A_263 = arith.constant 0 : i32
      %dma_start3A_264 = tpu.memref_slice %arg5[%arg0, %scan3A_169, %add3A_259, %dma_start3A_263] : memref<2x4x10240x64xf32, #tpu.memory_space<hbm>> -> memref<1x1x128x64xf32, #tpu.memory_space<hbm>>
      %dma_start3A_265 = tpu.memref_squeeze %dma_start3A_264 : memref<1x1x128x64xf32, #tpu.memory_space<hbm>> -> memref<128x64xf32, #tpu.memory_space<hbm>>
      tpu.enqueue_dma source(%arg11 : memref<128x64xf32, #tpu.memory_space<vmem>>) target(%dma_start3A_265 : memref<128x64xf32, #tpu.memory_space<hbm>>) target_semaphore(%arg31 : memref<!tpu.dma_semaphore, #tpu.memory_space<semaphore_mem>>)
      %dma_wait3A_266 = arith.constant 0 : i32
      %dma_wait3A_267 = tpu.memref_slice %arg5[%arg0, %scan3A_169, %mul3A_0, %dma_wait3A_266] : memref<2x4x10240x64xf32, #tpu.memory_space<hbm>> -> memref<1x1x128x64xf32, #tpu.memory_space<hbm>>
      %dma_wait3A_268 = tpu.memref_squeeze %dma_wait3A_267 : memref<1x1x128x64xf32, #tpu.memory_space<hbm>> -> memref<128x64xf32, #tpu.memory_space<hbm>>
      %dma_wait3A_269 = arith.constant 0 : i32
      %dma_wait3A_270 = tpu.memref_slice %arg5[%arg0, %scan3A_169, %mul3A_0, %dma_wait3A_269] : memref<2x4x10240x64xf32, #tpu.memory_space<hbm>> -> memref<1x1x128x64xf32, #tpu.memory_space<hbm>>
      %dma_wait3A_271 = tpu.memref_squeeze %dma_wait3A_270 : memref<1x1x128x64xf32, #tpu.memory_space<hbm>> -> memref<128x64xf32, #tpu.memory_space<hbm>>
      tpu.wait_dma2 semaphore(%arg31 : memref<!tpu.dma_semaphore, #tpu.memory_space<semaphore_mem>>) src(%arg10 : memref<128x64xf32, #tpu.memory_space<vmem>>) dst(%dma_wait3A_271 : memref<128x64xf32, #tpu.memory_space<hbm>>)
      %add3A_272 = arith.constant 512 : i32
      %add3A_273 = arith.addi %mul3A_0, %add3A_272 : i32
      "tpu.region"() ({
        %run_scoped3A = tpu.sem_alloc : memref<!tpu.dma_semaphore, #tpu.memory_space<semaphore_mem>>
        %dma_start3A_298 = arith.constant 0 : i32
        %dma_start3A_299 = tpu.memref_slice %arg17[%add3A_273, %dma_start3A_298] : memref<10240x64xf32, #tpu.memory_space<vmem_shared>> -> memref<128x64xf32, #tpu.memory_space<vmem_shared>>
        %dma_start3A_300 = arith.constant 0 : i32
        %dma_start3A_301 = tpu.memref_slice %arg17[%add3A_273, %dma_start3A_300] : memref<10240x64xf32, #tpu.memory_space<vmem_shared>> -> memref<128x64xf32, #tpu.memory_space<vmem_shared>>
        tpu.enqueue_dma source(%dma_start3A_301 : memref<128x64xf32, #tpu.memory_space<vmem_shared>>) target(%arg10 : memref<128x64xf32, #tpu.memory_space<vmem>>) target_semaphore(%run_scoped3A : memref<!tpu.dma_semaphore, #tpu.memory_space<semaphore_mem>>)
        %dma_wait3A_302 = arith.constant 0 : i32
        %dma_wait3A_303 = tpu.memref_slice %arg17[%add3A_273, %dma_wait3A_302] : memref<10240x64xf32, #tpu.memory_space<vmem_shared>> -> memref<128x64xf32, #tpu.memory_space<vmem_shared>>
        %dma_wait3A_304 = arith.constant 0 : i32
        %dma_wait3A_305 = tpu.memref_slice %arg17[%add3A_273, %dma_wait3A_304] : memref<10240x64xf32, #tpu.memory_space<vmem_shared>> -> memref<128x64xf32, #tpu.memory_space<vmem_shared>>
        tpu.wait_dma2 semaphore(%run_scoped3A : memref<!tpu.dma_semaphore, #tpu.memory_space<semaphore_mem>>) src(%dma_wait3A_305 : memref<128x64xf32, #tpu.memory_space<vmem_shared>>) dst(%arg10 : memref<128x64xf32, #tpu.memory_space<vmem>>)
        tpu.yield
      }) : () -> ()
      %add3A_274 = arith.constant 512 : i32
      %add3A_275 = arith.addi %mul3A_0, %add3A_274 : i32
      %dma_start3A_276 = arith.constant 0 : i32
      %dma_start3A_277 = tpu.memref_slice %arg5[%arg0, %scan3A_169, %add3A_275, %dma_start3A_276] : memref<2x4x10240x64xf32, #tpu.memory_space<hbm>> -> memref<1x1x128x64xf32, #tpu.memory_space<hbm>>
      %dma_start3A_278 = tpu.memref_squeeze %dma_start3A_277 : memref<1x1x128x64xf32, #tpu.memory_space<hbm>> -> memref<128x64xf32, #tpu.memory_space<hbm>>
      %dma_start3A_279 = arith.constant 0 : i32
      %dma_start3A_280 = tpu.memref_slice %arg5[%arg0, %scan3A_169, %add3A_275, %dma_start3A_279] : memref<2x4x10240x64xf32, #tpu.memory_space<hbm>> -> memref<1x1x128x64xf32, #tpu.memory_space<hbm>>
      %dma_start3A_281 = tpu.memref_squeeze %dma_start3A_280 : memref<1x1x128x64xf32, #tpu.memory_space<hbm>> -> memref<128x64xf32, #tpu.memory_space<hbm>>
      tpu.enqueue_dma source(%arg10 : memref<128x64xf32, #tpu.memory_space<vmem>>) target(%dma_start3A_281 : memref<128x64xf32, #tpu.memory_space<hbm>>) target_semaphore(%arg31 : memref<!tpu.dma_semaphore, #tpu.memory_space<semaphore_mem>>)
      %dma_wait3A_282 = arith.constant 0 : i32
      %dma_wait3A_283 = tpu.memref_slice %arg5[%arg0, %scan3A_169, %mul3A_0, %dma_wait3A_282] : memref<2x4x10240x64xf32, #tpu.memory_space<hbm>> -> memref<1x1x128x64xf32, #tpu.memory_space<hbm>>
      %dma_wait3A_284 = tpu.memref_squeeze %dma_wait3A_283 : memref<1x1x128x64xf32, #tpu.memory_space<hbm>> -> memref<128x64xf32, #tpu.memory_space<hbm>>
      %dma_wait3A_285 = arith.constant 0 : i32
      %dma_wait3A_286 = tpu.memref_slice %arg5[%arg0, %scan3A_169, %mul3A_0, %dma_wait3A_285] : memref<2x4x10240x64xf32, #tpu.memory_space<hbm>> -> memref<1x1x128x64xf32, #tpu.memory_space<hbm>>
      %dma_wait3A_287 = tpu.memref_squeeze %dma_wait3A_286 : memref<1x1x128x64xf32, #tpu.memory_space<hbm>> -> memref<128x64xf32, #tpu.memory_space<hbm>>
      tpu.wait_dma2 semaphore(%arg31 : memref<!tpu.dma_semaphore, #tpu.memory_space<semaphore_mem>>) src(%arg10 : memref<128x64xf32, #tpu.memory_space<vmem>>) dst(%dma_wait3A_287 : memref<128x64xf32, #tpu.memory_space<hbm>>)
      %dma_wait3A_288 = arith.constant 0 : i32
      %dma_wait3A_289 = tpu.memref_slice %arg5[%arg0, %scan3A_169, %mul3A_0, %dma_wait3A_288] : memref<2x4x10240x64xf32, #tpu.memory_space<hbm>> -> memref<1x1x128x64xf32, #tpu.memory_space<hbm>>
      %dma_wait3A_290 = tpu.memref_squeeze %dma_wait3A_289 : memref<1x1x128x64xf32, #tpu.memory_space<hbm>> -> memref<128x64xf32, #tpu.memory_space<hbm>>
      %dma_wait3A_291 = arith.constant 0 : i32
      %dma_wait3A_292 = tpu.memref_slice %arg5[%arg0, %scan3A_169, %mul3A_0, %dma_wait3A_291] : memref<2x4x10240x64xf32, #tpu.memory_space<hbm>> -> memref<1x1x128x64xf32, #tpu.memory_space<hbm>>
      %dma_wait3A_293 = tpu.memref_squeeze %dma_wait3A_292 : memref<1x1x128x64xf32, #tpu.memory_space<hbm>> -> memref<128x64xf32, #tpu.memory_space<hbm>>
      tpu.wait_dma2 semaphore(%arg31 : memref<!tpu.dma_semaphore, #tpu.memory_space<semaphore_mem>>) src(%arg11 : memref<128x64xf32, #tpu.memory_space<vmem>>) dst(%dma_wait3A_293 : memref<128x64xf32, #tpu.memory_space<hbm>>)
      %lt3A = arith.constant 3 : i32
      %lt3A_294 = arith.cmpi slt, %scan3A_169, %lt3A : i32
      %convert_element_type3A = arith.extui %lt3A_294 : i1 to i32
      %cond3A = arith.constant 0 : i32
      %cond3A_295 = arith.cmpi ne, %convert_element_type3A, %cond3A : i32
      scf.if %cond3A_295 {
        %scan3A_298 = arith.constant 0 : i32
        %scan3A_299 = arith.constant 0 : i32
        %scan3A_300 = arith.constant 5 : i32
        %scan3A_301 = arith.addi %scan3A_299, %scan3A_300 : i32
        %scan3A_302 = arith.constant 1 : i32
        %scan3A_303 = scf.for %scan3A_305 = %scan3A_299 to %scan3A_301 step %scan3A_302 iter_args(%scan3A_306 = %scan3A_298) -> (i32)  : i32 {
          %mul3A_307 = arith.constant 128 : i32
          %mul3A_308 = arith.muli %scan3A_305, %mul3A_307 : i32
          %add3A_309 = arith.addi %mul3A_0, %mul3A_308 : i32
          "tpu.region"() ({
            %run_scoped3A = tpu.sem_alloc : memref<!tpu.dma_semaphore, #tpu.memory_space<semaphore_mem>>
            %dma_start3A_311 = arith.constant 0 : i32
            %dma_start3A_312 = tpu.memref_slice %arg17[%add3A_309, %dma_start3A_311] : memref<10240x64xf32, #tpu.memory_space<vmem_shared>> -> memref<128x64xf32, #tpu.memory_space<vmem_shared>>
            %dma_start3A_313 = arith.constant 0 : i32
            %dma_start3A_314 = tpu.memref_slice %arg17[%add3A_309, %dma_start3A_313] : memref<10240x64xf32, #tpu.memory_space<vmem_shared>> -> memref<128x64xf32, #tpu.memory_space<vmem_shared>>
            tpu.enqueue_dma source(%arg14 : memref<128x64xf32, #tpu.memory_space<vmem>>) target(%dma_start3A_314 : memref<128x64xf32, #tpu.memory_space<vmem_shared>>) target_semaphore(%run_scoped3A : memref<!tpu.dma_semaphore, #tpu.memory_space<semaphore_mem>>)
            %dma_wait3A_315 = arith.constant 0 : i32
            %dma_wait3A_316 = tpu.memref_slice %arg17[%add3A_309, %dma_wait3A_315] : memref<10240x64xf32, #tpu.memory_space<vmem_shared>> -> memref<128x64xf32, #tpu.memory_space<vmem_shared>>
            %dma_wait3A_317 = arith.constant 0 : i32
            %dma_wait3A_318 = tpu.memref_slice %arg17[%add3A_309, %dma_wait3A_317] : memref<10240x64xf32, #tpu.memory_space<vmem_shared>> -> memref<128x64xf32, #tpu.memory_space<vmem_shared>>
            tpu.wait_dma2 semaphore(%run_scoped3A : memref<!tpu.dma_semaphore, #tpu.memory_space<semaphore_mem>>) src(%arg14 : memref<128x64xf32, #tpu.memory_space<vmem>>) dst(%dma_wait3A_318 : memref<128x64xf32, #tpu.memory_space<vmem_shared>>)
            tpu.yield
          }) : () -> ()
          %scan3A_310 = arith.constant 0 : i32
          scf.yield %scan3A_310 : i32
        }
        %scan3A_304 = arith.constant 5 : i32
      } else {
      }
      %barrier3A_296 = arith.constant 0 : index
      tpu.barrier barrier_id(%barrier3A_296)
      %scan3A_297 = arith.constant 0 : i32
      scf.yield %scan3A_297 : i32
    }
    %scan3A_168 = arith.constant 3 : i32
    return
  }
}

module attributes {stable_mosaic.version = 14 : i64} {
  func.func @_tc_self_body(%arg0: i32, %arg1: memref<2000x256xf32, #tpu.memory_space<vmem>>, %arg2: memref<256x256xf32, #tpu.memory_space<vmem>>, %arg3: memref<1x256xf32, #tpu.memory_space<vmem>>, %arg4: memref<2000x256xf32, #tpu.memory_space<vmem>>) attributes {dimension_semantics = [#tpu.dimension_semantics<arbitrary>], iteration_bounds = array<i64: 5>, scalar_prefetch = 0 : i64, scratch_operands = 0 : i64, tpu.core_type = #tpu.core_type<tc>, window_params = [{transform_indices = @transform_0, window_bounds = array<i64: 2000, 256>}, {pipeline_mode = #tpu.pipeline_mode<synchronous>, transform_indices = @transform_1, window_bounds = array<i64: 256, 256>}, {pipeline_mode = #tpu.pipeline_mode<synchronous>, transform_indices = @transform_2, window_bounds = array<i64: 1, 256>}, {transform_indices = @transform_3, window_bounds = array<i64: 2000, 256>}]} {
    %get3A = arith.constant 0 : index
    %get3A_0 = arith.constant 0 : index
    %get3A_1 = vector.load %arg1[%get3A, %get3A_0] : memref<2000x256xf32, #tpu.memory_space<vmem>>, vector<2000x256xf32>
    %get3A_2 = arith.constant 0 : index
    %get3A_3 = arith.constant 0 : index
    %get3A_4 = vector.load %arg2[%get3A_2, %get3A_3] : memref<256x256xf32, #tpu.memory_space<vmem>>, vector<256x256xf32>
    %dot_general3A = arith.constant dense<0.000000e+00> : vector<2000x256xf32>
    %dot_general3A_5 = tpu.matmul %get3A_1, %get3A_4, %dot_general3A {dimension_numbers = #tpu.dot_dimension_numbers<[1], [0], [0], [1], [0, 0, 1, 1], [], []>, transpose_lhs_hint = false} : vector<2000x256xf32>, vector<256x256xf32>, vector<2000x256xf32> -> vector<2000x256xf32>
    %get3A_6 = arith.constant 0 : index
    %get3A_7 = arith.constant 0 : index
    %get3A_8 = vector.load %arg3[%get3A_6, %get3A_7] : memref<1x256xf32, #tpu.memory_space<vmem>>, vector<1x256xf32>
    %add3A = vector.broadcast %get3A_8 : vector<1x256xf32> to vector<2000x256xf32>
    %add3A_9 = arith.addf %dot_general3A_5, %add3A : vector<2000x256xf32>
    %swap3A = arith.constant 0 : index
    %swap3A_10 = arith.constant 0 : index
    %swap3A_11 = vector.load %arg4[%swap3A, %swap3A_10] : memref<2000x256xf32, #tpu.memory_space<vmem>>, vector<2000x256xf32>
    tpu.vector_store %arg4[%swap3A, %swap3A_10], %add3A_9 {strides = array<i32>} : memref<2000x256xf32, #tpu.memory_space<vmem>>, vector<2000x256xf32>,
    return
  }
  func.func @transform_0(%arg0: i32) -> (i32, i32) {
    %c0_i32 = arith.constant 0 : i32
    %c0_i32_0 = arith.constant 0 : i32
    return %arg0, %c0_i32 : i32, i32
  }
  func.func @transform_1(%arg0: i32) -> (i32, i32) {
    %c0_i32 = arith.constant 0 : i32
    %c0_i32_0 = arith.constant 0 : i32
    %c0_i32_1 = arith.constant 0 : i32
    return %c0_i32, %c0_i32_0 : i32, i32
  }
  func.func @transform_2(%arg0: i32) -> (i32, i32) {
    %c0_i32 = arith.constant 0 : i32
    %c0_i32_0 = arith.constant 0 : i32
    %c0_i32_1 = arith.constant 0 : i32
    return %c0_i32, %c0_i32_0 : i32, i32
  }
  func.func @transform_3(%arg0: i32) -> (i32, i32) {
    %c0_i32 = arith.constant 0 : i32
    %c0_i32_0 = arith.constant 0 : i32
    return %arg0, %c0_i32 : i32, i32
  }
}

module attributes {stable_mosaic.version = 14 : i64} {
  func.func @_tc_tail_body(%arg0: i32, %arg1: memref<2000x256xf32, #tpu.memory_space<vmem>>, %arg2: memref<2x4x2000x64xf32, #tpu.memory_space<vmem>>, %arg3: memref<2x2000x16xf32, #tpu.memory_space<vmem>>, %arg4: memref<256x256xf32, #tpu.memory_space<vmem>>, %arg5: memref<2000x256xf32, #tpu.memory_space<vmem>>) attributes {dimension_semantics = [#tpu.dimension_semantics<arbitrary>], iteration_bounds = array<i64: 5>, scalar_prefetch = 0 : i64, scratch_operands = 0 : i64, tpu.core_type = #tpu.core_type<tc>, window_params = [{transform_indices = @transform_0, window_bounds = array<i64: 2000, 256>}, {transform_indices = @transform_1, window_bounds = array<i64: 2, 4, 2000, 64>}, {transform_indices = @transform_2, window_bounds = array<i64: 2, 2000, 16>}, {pipeline_mode = #tpu.pipeline_mode<synchronous>, transform_indices = @transform_3, window_bounds = array<i64: 256, 256>}, {transform_indices = @transform_4, window_bounds = array<i64: 2000, 256>}]} {
    %get3A = arith.constant 0 : index
    %get3A_0 = arith.constant 0 : index
    %get3A_1 = arith.constant 0 : index
    %get3A_2 = vector.load %arg3[%get3A, %get3A_0, %get3A_1] : memref<2x2000x16xf32, #tpu.memory_space<vmem>>, vector<1x2000x1xf32>
    %get3A_3 = vector.shape_cast %get3A_2 : vector<1x2000x1xf32> to vector<2000x1xf32>
    %get3A_4 = arith.constant 1 : index
    %get3A_5 = arith.constant 0 : index
    %get3A_6 = arith.constant 0 : index
    %get3A_7 = vector.load %arg3[%get3A_4, %get3A_5, %get3A_6] : memref<2x2000x16xf32, #tpu.memory_space<vmem>>, vector<1x2000x1xf32>
    %get3A_8 = vector.shape_cast %get3A_7 : vector<1x2000x1xf32> to vector<2000x1xf32>
    %add3A = arith.addf %get3A_3, %get3A_8 : vector<2000x1xf32>
    %max3A = arith.constant 1.000000e+00 : f32
    %max3A_9 = vector.broadcast %max3A : f32 to vector<2000x1xf32>
    %max3A_10 = arith.maximumf %add3A, %max3A_9 : vector<2000x1xf32>
    %get3A_11 = arith.constant 0 : index
    %get3A_12 = arith.constant 0 : index
    %get3A_13 = arith.constant 0 : index
    %get3A_14 = arith.constant 0 : index
    %get3A_15 = vector.load %arg2[%get3A_11, %get3A_12, %get3A_13, %get3A_14] : memref<2x4x2000x64xf32, #tpu.memory_space<vmem>>, vector<1x1x2000x64xf32>
    %get3A_16 = vector.shape_cast %get3A_15 : vector<1x1x2000x64xf32> to vector<2000x64xf32>
    %get3A_17 = arith.constant 1 : index
    %get3A_18 = arith.constant 0 : index
    %get3A_19 = arith.constant 0 : index
    %get3A_20 = arith.constant 0 : index
    %get3A_21 = vector.load %arg2[%get3A_17, %get3A_18, %get3A_19, %get3A_20] : memref<2x4x2000x64xf32, #tpu.memory_space<vmem>>, vector<1x1x2000x64xf32>
    %get3A_22 = vector.shape_cast %get3A_21 : vector<1x1x2000x64xf32> to vector<2000x64xf32>
    %add3A_23 = arith.addf %get3A_16, %get3A_22 : vector<2000x64xf32>
    %get3A_24 = arith.constant 0 : index
    %get3A_25 = arith.constant 1 : index
    %get3A_26 = arith.constant 0 : index
    %get3A_27 = arith.constant 0 : index
    %get3A_28 = vector.load %arg2[%get3A_24, %get3A_25, %get3A_26, %get3A_27] : memref<2x4x2000x64xf32, #tpu.memory_space<vmem>>, vector<1x1x2000x64xf32>
    %get3A_29 = vector.shape_cast %get3A_28 : vector<1x1x2000x64xf32> to vector<2000x64xf32>
    %get3A_30 = arith.constant 1 : index
    %get3A_31 = arith.constant 1 : index
    %get3A_32 = arith.constant 0 : index
    %get3A_33 = arith.constant 0 : index
    %get3A_34 = vector.load %arg2[%get3A_30, %get3A_31, %get3A_32, %get3A_33] : memref<2x4x2000x64xf32, #tpu.memory_space<vmem>>, vector<1x1x2000x64xf32>
    %get3A_35 = vector.shape_cast %get3A_34 : vector<1x1x2000x64xf32> to vector<2000x64xf32>
    %add3A_36 = arith.addf %get3A_29, %get3A_35 : vector<2000x64xf32>
    %get3A_37 = arith.constant 0 : index
    %get3A_38 = arith.constant 2 : index
    %get3A_39 = arith.constant 0 : index
    %get3A_40 = arith.constant 0 : index
    %get3A_41 = vector.load %arg2[%get3A_37, %get3A_38, %get3A_39, %get3A_40] : memref<2x4x2000x64xf32, #tpu.memory_space<vmem>>, vector<1x1x2000x64xf32>
    %get3A_42 = vector.shape_cast %get3A_41 : vector<1x1x2000x64xf32> to vector<2000x64xf32>
    %get3A_43 = arith.constant 1 : index
    %get3A_44 = arith.constant 2 : index
    %get3A_45 = arith.constant 0 : index
    %get3A_46 = arith.constant 0 : index
    %get3A_47 = vector.load %arg2[%get3A_43, %get3A_44, %get3A_45, %get3A_46] : memref<2x4x2000x64xf32, #tpu.memory_space<vmem>>, vector<1x1x2000x64xf32>
    %get3A_48 = vector.shape_cast %get3A_47 : vector<1x1x2000x64xf32> to vector<2000x64xf32>
    %add3A_49 = arith.addf %get3A_42, %get3A_48 : vector<2000x64xf32>
    %get3A_50 = arith.constant 0 : index
    %get3A_51 = arith.constant 3 : index
    %get3A_52 = arith.constant 0 : index
    %get3A_53 = arith.constant 0 : index
    %get3A_54 = vector.load %arg2[%get3A_50, %get3A_51, %get3A_52, %get3A_53] : memref<2x4x2000x64xf32, #tpu.memory_space<vmem>>, vector<1x1x2000x64xf32>
    %get3A_55 = vector.shape_cast %get3A_54 : vector<1x1x2000x64xf32> to vector<2000x64xf32>
    %get3A_56 = arith.constant 1 : index
    %get3A_57 = arith.constant 3 : index
    %get3A_58 = arith.constant 0 : index
    %get3A_59 = arith.constant 0 : index
    %get3A_60 = vector.load %arg2[%get3A_56, %get3A_57, %get3A_58, %get3A_59] : memref<2x4x2000x64xf32, #tpu.memory_space<vmem>>, vector<1x1x2000x64xf32>
    %get3A_61 = vector.shape_cast %get3A_60 : vector<1x1x2000x64xf32> to vector<2000x64xf32>
    %add3A_62 = arith.addf %get3A_55, %get3A_61 : vector<2000x64xf32>
    %concatenate3A = tpu.concatenate %add3A_23, %add3A_36, %add3A_49, %add3A_62 in 1 : vector<2000x64xf32>, vector<2000x64xf32>, vector<2000x64xf32>, vector<2000x64xf32> -> vector<2000x256xf32>
    %div3A = vector.broadcast %max3A_10 : vector<2000x1xf32> to vector<2000x256xf32>
    %div3A_63 = arith.divf %concatenate3A, %div3A : vector<2000x256xf32>
    %get3A_64 = arith.constant 0 : index
    %get3A_65 = arith.constant 0 : index
    %get3A_66 = vector.load %arg1[%get3A_64, %get3A_65] : memref<2000x256xf32, #tpu.memory_space<vmem>>, vector<2000x256xf32>
    %get3A_67 = arith.constant 0 : index
    %get3A_68 = arith.constant 0 : index
    %get3A_69 = vector.load %arg4[%get3A_67, %get3A_68] : memref<256x256xf32, #tpu.memory_space<vmem>>, vector<256x256xf32>
    %dot_general3A = arith.constant dense<0.000000e+00> : vector<2000x256xf32>
    %dot_general3A_70 = tpu.matmul %div3A_63, %get3A_69, %dot_general3A {dimension_numbers = #tpu.dot_dimension_numbers<[1], [0], [0], [1], [0, 0, 1, 1], [], []>, transpose_lhs_hint = false} : vector<2000x256xf32>, vector<256x256xf32>, vector<2000x256xf32> -> vector<2000x256xf32>
    %add3A_71 = arith.addf %get3A_66, %dot_general3A_70 : vector<2000x256xf32>
    %swap3A = arith.constant 0 : index
    %swap3A_72 = arith.constant 0 : index
    %swap3A_73 = vector.load %arg5[%swap3A, %swap3A_72] : memref<2000x256xf32, #tpu.memory_space<vmem>>, vector<2000x256xf32>
    tpu.vector_store %arg5[%swap3A, %swap3A_72], %add3A_71 {strides = array<i32>} : memref<2000x256xf32, #tpu.memory_space<vmem>>, vector<2000x256xf32>,
    return
  }
  func.func @transform_0(%arg0: i32) -> (i32, i32) {
    %c0_i32 = arith.constant 0 : i32
    %c0_i32_0 = arith.constant 0 : i32
    return %arg0, %c0_i32 : i32, i32
  }
  func.func @transform_1(%arg0: i32) -> (i32, i32, i32, i32) {
    %c0_i32 = arith.constant 0 : i32
    %c0_i32_0 = arith.constant 0 : i32
    %c0_i32_1 = arith.constant 0 : i32
    %c0_i32_2 = arith.constant 0 : i32
    return %c0_i32, %c0_i32_0, %arg0, %c0_i32_1 : i32, i32, i32, i32
  }
  func.func @transform_2(%arg0: i32) -> (i32, i32, i32) {
    %c0_i32 = arith.constant 0 : i32
    %c0_i32_0 = arith.constant 0 : i32
    %c0_i32_1 = arith.constant 0 : i32
    return %c0_i32, %arg0, %c0_i32_0 : i32, i32, i32
  }
  func.func @transform_3(%arg0: i32) -> (i32, i32) {
    %c0_i32 = arith.constant 0 : i32
    %c0_i32_0 = arith.constant 0 : i32
    %c0_i32_1 = arith.constant 0 : i32
    return %c0_i32, %c0_i32_0 : i32, i32
  }
  func.func @transform_4(%arg0: i32) -> (i32, i32) {
    %c0_i32 = arith.constant 0 : i32
    %c0_i32_0 = arith.constant 0 : i32
    return %arg0, %c0_i32 : i32, i32
  }
}

</mosaic_0001>

<sc_bundles>
// kernel: kernel.5.cloned.1.call-start
scs
__scs_entry_jumppad:
0x0: {  	(pc) =	sbr.rel $0x88, $3  }
0x1: {  	(tag) =	ssettag $0x0;
	lr =	simm.s32 $0x1  }
0x2: {  	[smem:$0x3F9C] =	sst lr;
	_ =	strace $0xD0000000  }
0x3: {  	_ = 	snop  }
0x4: {  	_ = 	snop  }
0x5: {  	_ = 	snop  }
0x6: {  	_ = 	snop  }
0x7: {  	_ = 	snop  }
__scs_overlays_trampoline_lowered:
0x8: {  	[smem:$0x3FAB] =	sst s0  }
0x9: {  	[smem:$0x3FAC] =	sst s1  }
0xa: {  	[smem:$0x3FAD] =	sst s2  }
0xb: {  	[smem:$0x3FAE] =	sst s3  }
0xc: {  	[smem:$0x3FAF] =	sst s4  }
0xd: {  	[smem:$0x3FB0] =	sst s5  }
0xe: {  	[smem:$0x3FB1] =	sst s6  }
0xf: {  	[smem:$0x3FB2] =	sst s7  }
0x10: {  	[smem:$0x3FB3] =	sst s8  }
0x11: {  	[smem:$0x3FB4] =	sst s9;
	s0 =	simm.s32 @!p0 $0x0  }
0x12: {  	s1 =	sld [smem:$0x3F9A];
	s0 =	simm.s32 @p0 $0x1  }
0x13: {  	[smem:$0x3FB5] =	sst s0;
	s0 =	simm.s32 @!p1 $0x0  }
0x14: {  	s2 =	sld [smem:$0x3F99];
	s0 =	simm.s32 @p1 $0x1  }
0x15: {  	[smem:$0x3FB6] =	sst s0;
	s0 =	simm.s32 @!p2 $0x0  }
0x16: {  	s3 =	sld [smem:$0x3FDB];
	s0 =	simm.s32 @p2 $0x1  }
0x17: {  	s4 =	simm.s32 $0x1BF5;
	[smem:$0x3FB8] =	sst s0  }
0x18: {  	s0 =	sld [smem:$0x3F9B];
	_ =	swait.ge [sflag:s4], $0x0  }
0x19: {  	s7 =	sld [smem:$0x3F9C]  }
0x1a: {  	s8 =	sadd.s32 $0xFFFFE003, lr  }
0x1b: {  	s9 =	sadd.s32 $0xFFFFFEF7, lr;
	s5 =	simm.s32 $0xFFFFFFFF;
	p2 =	slt.u32 s8, $0xFFFFF086  }
0x1c: {  	p1 =	slt.u32 s9, $0xF7A;
	s5 =	simm.s32 @!p2 $0x0  }
0x1d: {  	s5 =	simm.s32 @p1 $0x1;
	p0 =	seq.s32 s7, s2  }
0x1e: {  	s7 =	smul.u32 @!p0 $0xF7A, s2;
	p2 =	seq.s32 @!p0 s5, $0x0  }
0x1f: {  	s9 =	smul.u32 $0xF7A, s1;
	s8 =	simm.s32 @!p0 $0x1BF5;
	p2 =	por !p2, p0  }
0x20: {  	[sflag:s8] =	ssyncset.s32 @!p0 $0xFFFFF086;
	s6 =	sadd.s32 @!p0 s3, s7;
	s7 =	simm.s32 @!p0 $0x108  }
0x21: {  	s3 =	sadd.s32 s3, s9;
	s6 =	sadd.s32 @!p0 $0x88, s6;
	s7 =	simm.s32 @p2 $0x1082  }
0x22: {  	[simem:s7], [sflag:s8] =	dma.local @!p0 [hbm:s6], $0xF7A  }
0x23: {  	s9 =	sor.u32 $0xD0000000, s2;
	s6 =	simm.s32 $0x108;
	_ =	swait.ge @!p0 [sflag:s8], $0x0  }
0x24: {  	s3 =	sadd.s32 $0x88, s3;
	s6 =	simm.s32 @!p1 $0x1082;
	[sflag:s4] =	ssyncset.s32 $0xFFFFF086  }
0x25: {  	[simem:s6], [sflag:s4] =	dma.local [hbm:s3], $0xF7A  }
0x26: {  	[smem:$0x3F9C] =	sst s1;
	(tag) =	ssettag s2;
	_ =	strace s9  }
0x27: {  	s1 =	sld [smem:$0x3FAC]  }
0x28: {  	s2 =	sld [smem:$0x3FAD]  }
0x29: {  	s4 =	sld [smem:$0x3FAF]  }
0x2a: {  	p0 =	seq.s32 s5, $0x0;
	s5 =	sld [smem:$0x3FB0]  }
0x2b: {  	s6 =	sld [smem:$0x3FB1]  }
0x2c: {  	s7 =	sld [smem:$0x3FB2]  }
0x2d: {  	s3 =	simm.s32 $0x108;
	s8 =	sld [smem:$0x3FB3]  }
0x2e: {  	s3 =	simm.s32 @!p0 $0x1082;
	s9 =	sld [smem:$0x3FB4]  }
0x2f: {  	lr =	sadd.s32 s0, s3;
	s0 =	sld [smem:$0x3FAB]  }
0x30: {  	s3 =	sld [smem:$0x3FAE]  }
0x31: {  	[smem:$0x3FB7] =	sst s10  }
0x32: {  	s10 =	sld [smem:$0x3FB5];
	_ =	sdelay $0x3  }
0x33: {  	p0 =	seq.s32 s10, $0x1;
	s10 =	sld [smem:$0x3FB7];
	_ =	sdelay $0x3  }
0x34: {  	[smem:$0x3FB7] =	sst s10  }
0x35: {  	s10 =	sld [smem:$0x3FB6];
	_ =	sdelay $0x3  }
0x36: {  	p1 =	seq.s32 s10, $0x1;
	s10 =	sld [smem:$0x3FB7];
	_ =	sdelay $0x3  }
0x37: {  	[smem:$0x3FB7] =	sst s10  }
0x38: {  	s10 =	sld [smem:$0x3FB8]  }
0x39: {  	_ = 	snop;
	(pc) =	sbr.ind lr, $3  }
0x3a: {  	_ = 	snop  }
0x3b: {  	_ = 	snop  }
0x3c: {  	p2 =	seq.s32 s10, $0x1;
	s10 =	sld [smem:$0x3FB7]  }
0x3d: {  	_ =	shalt  }
0x3e: {  	_ =	shalt  }
0x3f: {  	_ =	shalt  }
0x40: {  	_ =	shalt  }
0x41: {  	_ =	shalt  }
0x42: {  	_ =	shalt  }
0x43: {  	_ =	shalt  }
0x44: {  	_ =	shalt  }
0x45: {  	_ =	shalt  }
0x46: {  	_ =	shalt  }
0x47: {  	_ =	shalt  }
0x48: {  	_ =	shalt  }
0x49: {  	_ =	shalt  }
0x4a: {  	_ =	shalt  }
0x4b: {  	_ =	shalt  }
0x4c: {  	_ =	shalt  }
0x4d: {  	_ =	shalt  }
0x4e: {  	_ =	shalt  }
0x4f: {  	_ =	shalt  }
0x50: {  	_ =	shalt  }
0x51: {  	_ =	shalt  }
0x52: {  	_ =	shalt  }
0x53: {  	_ =	shalt  }
0x54: {  	_ =	shalt  }
0x55: {  	_ =	shalt  }
0x56: {  	_ =	shalt  }
0x57: {  	_ =	shalt  }
0x58: {  	_ =	shalt  }
0x59: {  	_ =	shalt  }
0x5a: {  	_ =	shalt  }
0x5b: {  	_ =	shalt  }
0x5c: {  	_ =	shalt  }
0x5d: {  	_ =	shalt  }
0x5e: {  	_ =	shalt  }
0x5f: {  	_ =	shalt  }
0x60: {  	_ =	shalt  }
0x61: {  	_ =	shalt  }
0x62: {  	_ =	shalt  }
0x63: {  	_ =	shalt  }
0x64: {  	_ =	shalt  }
0x65: {  	_ =	shalt  }
0x66: {  	_ =	shalt  }
0x67: {  	_ =	shalt  }
0x68: {  	_ =	shalt  }
0x69: {  	_ =	shalt  }
0x6a: {  	_ =	shalt  }
0x6b: {  	_ =	shalt  }
0x6c: {  	_ =	shalt  }
0x6d: {  	_ =	shalt  }
0x6e: {  	_ =	shalt  }
0x6f: {  	_ =	shalt  }
0x70: {  	_ =	shalt  }
0x71: {  	_ =	shalt  }
0x72: {  	_ =	shalt  }
0x73: {  	_ =	shalt  }
0x74: {  	_ =	shalt  }
0x75: {  	_ =	shalt  }
0x76: {  	_ =	shalt  }
0x77: {  	_ =	shalt  }
0x78: {  	_ =	shalt  }
0x79: {  	_ =	shalt  }
0x7a: {  	_ =	shalt  }
0x7b: {  	_ =	shalt  }
0x7c: {  	_ =	shalt  }
0x7d: {  	_ =	shalt  }
0x7e: {  	_ =	shalt  }
0x7f: {  	_ =	shalt  }
0x80: {  	_ =	shalt  }
0x81: {  	_ =	shalt  }
0x82: {  	_ =	shalt  }
0x83: {  	_ =	shalt  }
0x84: {  	_ =	shalt  }
0x85: {  	_ =	shalt  }
0x86: {  	_ =	shalt  }
0x87: {  	_ =	shalt  }
.Lfunc_end0:
.L_simem_size_0:
called_computation_lowered:
.L_overlay_start_0:
0x88: {  	s2 =	sld [smem:$0x3FD9]  }
0x89: {  	s3 =	sld [smem:$0x3FFE];
	_ =	sdelay $0x1  }
0x8a: {  	s1 =	srdreg.scid  }
0x8b: {  	s0 =	sand.u32 $0x1, s1  }
0x8c: {  	s17 =	sshll.u32 s0, $0xA;
	s2 =	sadd.s32 s3, s2  }
0x8d: {  	s2 =	sadd.s32 s2, s17  }
0x8e: {  	[smem:$0x3FC3] =	sst s2  }
0x8f: {  	_ = 	snop  }
0x90: {  	s2 =	sld [smem:$0x3FD0];
	(tm) =	ssettm $0x1  }
0x91: {  	s18 =	sld [smem:$0x3FFB];
	_ =	sdelay $0x3  }
0x92: {  	_ =	strace s18  }
0x93: {  	s3 =	sld [smem:$0x3FFC];
	_ =	sdelay $0x3  }
0x94: {  	_ =	strace s3  }
0x95: {  	s3 =	sld [smem:$0x3FFD];
	_ =	sdelay $0x3  }
0x96: {  	_ =	strace s3  }
0x97: {  	_ =	strace $0x8FFFFFFF  }
0x98: {  	s19 =	sld [smem:$0x3FDB];
	_ =	sdelay $0x1  }
0x99: {  	s4 =	simm.s32 $_scs_section_size  }
0x9a: {  	s5 =	simm.s32 $_size__tile_overlayer_lowered;
	s6 =	simm.s32 $_tile_overlayer_lowered  }
0x9b: {  	s22 =	simm.s32 $0x1BFF;
	s21 =	sshll.u32 s6, $0x1;
	s3 =	sadd.s32 s4, s19  }
0x9c: {  	s7 =	simm.s32 $0x0;
	s20 =	sshll.u32 s5, $0x1;
	s5 =	sadd.s32 s21, s3  }
0x9d: {  	[timem:s7], [sflag:s22] =	dma.local [hbm:s5], s20  }
0x9e: {  	_ =	swait.ge [sflag:s22], s20  }
0x9f: {  	s4 =	ssub.s32 $0x0, s20;
	[sflag:s22] =	ssyncset.done $0x0  }
0xa0: {  	[sflag:s22] =	ssyncadd.s32 s4;
	_ =	sdelay $0x1  }
0xa1: {  	s23 =	simm.s32 $0x1B8B  }
0xa2: {  	_ =	swait.ge [sflag:s23], $0x1  }
0xa3: {  	[sflag:s23] =	ssyncset.done $0x0  }
0xa4: {  	s25 =	simm.s32 $0x1B8E;
	s24 =	sld [smem:$0x3FFE];
	[sflag:s23] =	ssyncadd.s32 $0xFFFFFFFF  }
0xa5: {  	s26 =	simm.s32 $execute0_lowered;
	[smem:$0x3FD2] =	sst s25  }
0xa6: {  	s5 =	sshll.u32 s26, $0x1;
	_ =	strace $0x80000046;
	[dreg:$0x1] =	wrdreg $0xFFFFFFFF  }
0xa7: {  	s28 =	simm.s32 $_size_execute0_lowered;
	s3 =	sadd.s32 s3, s5;
	[dreg:$0x0] =	wrdreg $0x0  }
0xa8: {  	s5 =	sshll.u32 s28, $0x1;
	[dreg:$0x2] =	wrdreg s3  }
0xa9: {  	[dreg:$0x3] =	wrdreg s5  }
0xaa: {  	[dreg:$0x4] =	wrdreg $0xC0  }
0xab: {  	_ =	task [dreg:s7], $0x5FFFF  }
0xac: {  	[dreg:$0x1] =	wrdreg $0xFFFFFFFF  }
0xad: {  	[dreg:$0x0] =	wrdreg $0x60  }
0xae: {  	[dreg:$0x2] =	wrdreg s2  }
0xaf: {  	[dreg:$0x3] =	wrdreg s24  }
0xb0: {  	[dreg:$0x4] =	wrdreg $0x10C000  }
0xb1: {  	[dreg:$0x5] =	wrdreg $0x1AC000  }
0xb2: {  	[dreg:$0x6] =	wrdreg $0x9  }
0xb3: {  	_ =	task.clear_ibuf [dreg:s7], $0x7FFFF;
	_ =	strace $0x90000046  }
0xb4: {  	s29 =	simm.s32 $0x9;
	_ =	strace $0x80000048  }
0xb5: {  	_ =	swait.ge [sflag:s29], $0x1  }
0xb6: {  	[sflag:s29] =	ssyncadd.s32 $0xFFFFFFFF  }
0xb7: {  	_ =	strace $0x90000048  }
0xb8: {  	_ =	sfence  }
0xb9: {  	s30 =	sld [smem:$0x0];
	_ =	sdelay $0x2  }
0xba: {  	s31 =	sshll.u32 s1, $0xD;
	s1 =	sshrl.u32 s1, $0x2  }
0xbb: {  	s3 =	sand.u32 $0x4000, s31;
	s1 =	sadd.s32 s1, s30  }
0xbc: {  	s0 =	sor.u32 s3, s0;
	s1 =	sshll.u32 s1, $0x11  }
0xbd: {  	s0 =	sor.u32 s1, s0  }
0xbe: {  	s0 =	sadd.s32 $0x8F2B, s0  }
0xbf: {  	[sflag:s0] =	ssyncadd.remote.s32 $0x1  }
0xc0: {  	_ =	sfence.sel $0xFFFF  }
0xc1: {  	[dreg:$0x0] =	wrdreg $0xFFFFFFFF;
	(pc) =	sbr.abs _section_cstart, $3  }
0xc2: {  	[dreg:$0x1] =	wrdreg $0xFFFFFFFF  }
0xc3: {  	_ =	task.clear_ibuf [dreg:s7], $0x2FFFF;
	_ =	strace $0x9FFFFFFF  }
0xc4: {  	(tm) =	ssettm $0x7FFFFFFF  }
0xc5: {  	_ =	shalt  }
tec
execute0_lowered:
.L_overlay_start_1:
0x0: {  	(tag) =	ssettag $0x1  }
0x1: {  	s0 =	srdreg.scid  }
0x2: {  	s1 =	rddreg [dreg:$0x0];
	s12 =	stileid.u32  }
0x3: {  	s2 =	rddreg [dreg:$0x1];
	s7 =	smul.u32 $0x2800, s12  }
0x4: {  	s3 =	rddreg [dreg:$0x2];
	s0 =	sand.u32 $0x1, s0;
	s11 =	smul.u32 $0x28000, s12  }
0x5: {  	s28 =	simm.s32 $0xD;
	s29 =	simm.s32 $0x0;
	s8 =	smul.u32 $0x28000, s0  }
0x6: {  	s4 =	sshll.u32 s0, $0x4;
	s10 =	ssub.s32 $0x2, s0;
	s20 =	smul.u32 $0x280000, s0  }
0x7: {  	s5 =	sor.u32 s12, s4;
	s4 =	rddreg [dreg:$0x3];
	s18 =	sshrl.u32 s10, $0x1  }
0x8: {  	s12 =	smul.u32 $0xA000, s12;
	s19 =	sshrl.u32 s11, $0x2;
	s11 =	simm.s32 $0xB  }
0x9: {  	s6 =	smul.u32 $0x280, s5;
	s5 =	simm.s32 $0x0;
	s8 =	sadd.s32 s7, s8  }
0xa: {  	s31 =	sadd.s32 s7, s4;
	[smem:$0x7FF] =	sst s5;
	s25 =	sadd.s32 s12, s3  }
0xb: {  	s24 =	sadd.s32 $0x2000, s12;
	_ =	strace $0x80000047;
	[dreg:$0xb] =	wrdreg s25  }
0xc: {  	s8 =	sshrl.u32 s8, $0x3;
	s23 =	sadd.s32 s12, s20;
	[dreg:$0xa] =	wrdreg s24  }
0xd: {  	s13 =	sadd.s32 $0x4000, s12;
	s14 =	sadd.s32 $0x6000, s12;
	[dreg:$0x5] =	wrdreg s12  }
0xe: {  	s9 =	sadd.s32 s6, s2;
	s6 =	sadd.s32 $0xB600, s2;
	[dreg:$0x6] =	wrdreg s20  }
0xf: {  	s2 =	sadd.s32 s8, s2;
	s8 =	ssub.s32 s10, s18;
	[dreg:$0xf] =	wrdreg s13  }
0x10: {  	s10 =	sadd.s32 s19, s3;
	s0 =	sshrl.u32 s23, $0x3;
	[dreg:$0x10] =	wrdreg s14  }
0x11: {  	s26 =	sadd.s32 s20, s24;
	s30 =	sadd.s32 s24, s3;
	[dreg:$0x9] =	wrdreg s31  }
0x12: {  	s15 =	sadd.s32 s20, s14;
	s12 =	sadd.s32 $0x8000, s12;
	[dreg:$0xd] =	wrdreg s30  }
0x13: {  	s21 =	sadd.s32 $0x1600, s9;
	s22 =	sadd.s32 $0x6600, s9;
	[dreg:$0x11] =	wrdreg s12  }
0x14: {  	s0 =	sadd.s32 s6, s0;
	s7 =	sshrl.u32 s26, $0x3;
	[dreg:$0x7] =	wrdreg s21  }
0x15: {  	s9 =	sadd.s32 s20, s13;
	s16 =	sadd.s32 s20, s12;
	[dreg:$0x8] =	wrdreg s22  }
0x16: {  	s19 =	sadd.s32 $0xAB600, s2;
	s20 =	smax.u32 s8, $0x1;
	[dreg:$0xc] =	wrdreg s0  }
0x17: {  	s23 =	sadd.s32 s12, s3;
	s24 =	sadd.s32 $0x2000, s10;
	[dreg:$0x15] =	wrdreg s19  }
0x18: {  	s25 =	sadd.s32 $0x4000, s10;
	s26 =	sadd.s32 $0x6000, s10;
	[dreg:$0x16] =	wrdreg s20  }
0x19: {  	s30 =	sadd.s32 $0x8000, s10;
	s12 =	simm.s32 $0x5;
	[dreg:$0x19] =	wrdreg s23  }
0x1a: {  	s8 =	simm.s32 $0x2;
	s0 =	sadd.s32 s6, s7;
	[dreg:$0x1a] =	wrdreg s24  }
0x1b: {  	s7 =	sshrl.u32 s15, $0x3;
	s18 =	sshrl.u32 s16, $0x3;
	[dreg:$0x1b] =	wrdreg s25  }
0x1c: {  	s21 =	sadd.s32 s13, s3;
	s22 =	sadd.s32 s14, s3;
	[dreg:$0x1c] =	wrdreg s26  }
0x1d: {  	[dreg:$0x1d] =	wrdreg s30;
	s24 =	simm.s32 $0x5C00;
	s15 =	simm.s32 $0x7C00  }
0x1e: {  	s23 =	simm.s32 $0x1;
	s25 =	simm.s32 $0xDC00;
	s13 =	simm.s32 $0x6  }
0x1f: {  	s19 =	simm.s32 $0x3;
	s20 =	simm.s32 $0x7;
	s14 =	simm.s32 $0x4  }
0x20: {  	s16 =	simm.s32 $0x8;
	s26 =	simm.s32 $0xC;
	[dreg:$0xe] =	wrdreg s0  }
0x21: {  	s0 =	sshrl.u32 s9, $0x3;
	s17 =	sadd.s32 s6, s7;
	[dreg:$0x17] =	wrdreg s21  }
.Ltmp0:
0x22: {  	[dreg:$0x18] =	wrdreg s22;
	s9 =	simm.s32 $0xE;
	(pc) =	sbr.rel .LBB2_1-.Ltmp0, $4  }
0x23: {  	s22 =	simm.s32 $0x3C00;
	s21 =	simm.s32 $0x9C00;
	s7 =	simm.s32 $0x9  }
0x24: {  	s0 =	sadd.s32 s6, s0;
	[dreg:$0x13] =	wrdreg s17;
	s17 =	simm.s32 $0x80  }
0x25: {  	[dreg:$0x12] =	wrdreg s0;
	s0 =	sadd.s32 s6, s18;
	s18 =	simm.s32 $0xA  }
0x26: {  	v0 =	vimm.f32 $0.0e+00;
	v1 =	vimm.f32 $1.000000000e+00;
	[dreg:$0x14] =	wrdreg s0;
	s0 =	smov.u32 s10;
	s10 =	simm.s32 $0xBC00  }
.LBB2_16:
0x27: {  	s29 =	rddreg [dreg:$0x1e]  }
0x28: {  	s2 =	rddreg [dreg:$0x16];
	s29 =	sadd.s32 $0x1, s29  }
0x29: {  	p0 =	sne.s32 s29, s2  }
.Ltmp1:
0x2a: {  	_ = 	snop;
	(pc) =	sbr.rel @!p0 .LBB2_17-.Ltmp1, $3  }
0x2b: {  	_ =	sdelay $0x1  }
0x2c: {  	[bflag:$0x0] =	sbarrier.arrive $0xFFFF  }
0x2d: {  	s31 =	rddreg [dreg:$0x9]  }
.LBB2_1:
0x2e: {  	[dreg:$0x1e] =	wrdreg s29;
	s2 =	simm.s32 $0xBC20;
	s29 =	simm.s32 $0x0  }
.LBB2_2:
0x2f: {  	p0 =	sne.s32 s29, $0x1FC0  }
.Ltmp2:
0x30: {  	[tilespmem:s2+$0xFFFFFFE0] =	vst v0;
	(pc) =	sbr.rel @p0 .LBB2_2-.Ltmp2, $4  }
0x31: {  	[tilespmem:s2+$0xFFFFFFF0] =	vst v0  }
0x32: {  	[tilespmem:s2+$0x0] =	vst v0  }
0x33: {  	[tilespmem:s2+$0x10] =	vst v0;
	s30 =	sshra.s32 s29, $0x2  }
0x34: {  	s2 =	sadd.s32 $0x40, s2;
	s29 =	sadd.s32 $0x40, s29;
	[tilespmem:s30+$0xDC00] =	vst v1  }
0x35: {  	s2 =	simm.s32 $0x40;
	s29 =	simm.s32 $0x0  }
.LBB2_4:
0x36: {  	p0 =	sne.s32 s2, $0x9FC0;
	[tilespmem:s29+$0xE400] =	vst v0;
	s29 =	smov.u32 s2;
	s2 =	sadd.s32 $0x40, s2  }
.Ltmp3:
0x37: {  	(pc) =	sbr.rel @p0 .LBB2_4-.Ltmp3, $2  }
0x38: {  	_ =	sdelay $0x2  }
0x39: {  	s29 =	sshra.s32 s29, $0x2  }
0x3a: {  	[tilespmem:s29+$0xE400] =	vst v0;
	s2 =	simm.s32 $0x0;
	s29 =	rddreg [dreg:$0x7]  }
0x3b: {  	[tilespmem:s2], [sflag:$0xE] =	stream.linear.gather [hbm4b:s29+s2], $0x1400, $0x38;
	[tilespmem:$0x1D400] =	vst v63  }
0x3c: {  	_ =	swait.ge [sflag:s9], $0x1400  }
0x3d: {  	[sflag:s9] =	ssyncset.done $0x0  }
0x3e: {  	s30 =	simm.s32 $0x2800;
	s29 =	rddreg [dreg:$0x8];
	[sflag:s9] =	ssyncadd.s32 $0xFFFFEC00  }
0x3f: {  	[tilespmem:s30], [sflag:$0xE] =	stream.linear.gather [hbm4b:s29+s2], $0x1400, $0x38;
	[tilespmem:$0x1D400] =	vst v63  }
0x40: {  	_ =	swait.ge [sflag:s9], $0x1400  }
0x41: {  	[sflag:s9] =	ssyncset.done $0x0  }
0x42: {  	[sflag:s9] =	ssyncadd.s32 $0xFFFFEC00  }
0x43: {  	[spmem:s0] =	stream.linear.scatter [tilespmem:s10], [sflag:$0xE], $0x2000, $0x38;
	[tilespmem:$0x1D400] =	vst v63  }
0x44: {  	_ =	swait.ge [sflag:s9], $0x2000  }
0x45: {  	[sflag:s9] =	ssyncset.done $0x0  }
0x46: {  	s2 =	rddreg [dreg:$0x1a];
	[sflag:s9] =	ssyncadd.s32 $0xFFFFE000  }
0x47: {  	[spmem:s2] =	stream.linear.scatter [tilespmem:s10], [sflag:$0xE], $0x2000, $0x38;
	[tilespmem:$0x1D400] =	vst v63  }
0x48: {  	_ =	swait.ge [sflag:s9], $0x2000  }
0x49: {  	[sflag:s9] =	ssyncset.done $0x0  }
0x4a: {  	s2 =	rddreg [dreg:$0x1b];
	[sflag:s9] =	ssyncadd.s32 $0xFFFFE000  }
0x4b: {  	[spmem:s2] =	stream.linear.scatter [tilespmem:s10], [sflag:$0xE], $0x2000, $0x38;
	[tilespmem:$0x1D400] =	vst v63  }
0x4c: {  	_ =	swait.ge [sflag:s9], $0x2000  }
0x4d: {  	[sflag:s9] =	ssyncset.done $0x0  }
0x4e: {  	s2 =	rddreg [dreg:$0x1c];
	[sflag:s9] =	ssyncadd.s32 $0xFFFFE000  }
0x4f: {  	[spmem:s2] =	stream.linear.scatter [tilespmem:s10], [sflag:$0xE], $0x2000, $0x38;
	[tilespmem:$0x1D400] =	vst v63  }
0x50: {  	_ =	swait.ge [sflag:s9], $0x2000  }
0x51: {  	[sflag:s9] =	ssyncset.done $0x0  }
0x52: {  	s2 =	rddreg [dreg:$0x1d];
	[sflag:s9] =	ssyncadd.s32 $0xFFFFE000  }
0x53: {  	[spmem:s2] =	stream.linear.scatter [tilespmem:s10], [sflag:$0xE], $0x2000, $0x38;
	[tilespmem:$0x1D400] =	vst v63  }
0x54: {  	_ =	swait.ge [sflag:s9], $0x2000  }
0x55: {  	[sflag:s9] =	ssyncset.done $0x0  }
0x56: {  	s2 =	simm.s32 $0xE400;
	[sflag:s9] =	ssyncadd.s32 $0xFFFFE000  }
0x57: {  	[spmem:s31] =	stream.linear.scatter [tilespmem:s2], [sflag:$0xE], $0x2800, $0x38;
	[tilespmem:$0x1D400] =	vst v63  }
0x58: {  	_ =	swait.ge [sflag:s9], $0x2800  }
0x59: {  	[sflag:s9] =	ssyncset.done $0x0  }
0x5a: {  	[sflag:s9] =	ssyncadd.s32 $0xFFFFD800  }
0x5b: {  	s30 =	simm.s32 $0x0;
	[bflag:$0x0] =	sbarrier.arrive $0xFFFF  }
0x5c: {  	v3 =	vld [tilespmem:s30+$0x70]  }
0x5d: {  	v6 =	vld [tilespmem:s30+$0x0]  }
0x5e: {  	v7 =	vld [tilespmem:s30+$0x10]  }
0x5f: {  	v5 =	vld [tilespmem:s30+$0x20]  }
0x60: {  	v4 =	vld [tilespmem:s30+$0x30]  }
0x61: {  	v2 =	vld [tilespmem:s30+$0x40];
	v8 =	vshll.u32 v3, $0x2  }
0x62: {  	v3 =	vld [tilespmem:s30+$0x50];
	v6 =	vshll.u32 v6, $0x2;
	[tilespmem:s30+$0x1470] =	vst v8  }
0x63: {  	s29 =	simm.s32 $0x80;
	s2 =	simm.s32 $0x400;
	v7 =	vshll.u32 v7, $0x2;
	[tilespmem:s30+$0x1400] =	vst v6;
	v6 =	vld [tilespmem:s30+$0x60]  }
.LBB2_6:
0x64: {  	p0 =	sne.s32 s2, $0x4E00;
	v8 =	vld [tilespmem:s29+$0x70];
	[tilespmem:s30+$0x1410] =	vst v7;
	v5 =	vshll.u32 v5, $0x2  }
0x65: {  	v7 =	vld [tilespmem:s29+$0x0];
	[tilespmem:s30+$0x1420] =	vst v5;
	v4 =	vshll.u32 v4, $0x2  }
0x66: {  	v9 =	vld [tilespmem:s29+$0x10];
	[tilespmem:s30+$0x1430] =	vst v4;
	v2 =	vshll.u32 v2, $0x2  }
.Ltmp4:
0x67: {  	v5 =	vld [tilespmem:s29+$0x20];
	[tilespmem:s30+$0x1440] =	vst v2;
	v2 =	vshll.u32 v3, $0x2;
	(pc) =	sbr.rel @p0 .LBB2_6-.Ltmp4, $4  }
0x68: {  	v4 =	vld [tilespmem:s29+$0x30];
	[tilespmem:s30+$0x1450] =	vst v2;
	v3 =	vshll.u32 v6, $0x2  }
0x69: {  	v2 =	vld [tilespmem:s29+$0x40];
	v6 =	vshll.u32 v8, $0x2;
	[tilespmem:s30+$0x1460] =	vst v3;
	s30 =	smov.u32 s29  }
0x6a: {  	v7 =	vshll.u32 v7, $0x2;
	v3 =	vld [tilespmem:s30+$0x50];
	[tilespmem:s30+$0x1470] =	vst v6  }
0x6b: {  	s29 =	sshra.s32 s2, $0x2;
	s2 =	sadd.s32 $0x200, s2;
	[tilespmem:s30+$0x1400] =	vst v7;
	v7 =	vshll.u32 v9, $0x2;
	v6 =	vld [tilespmem:s30+$0x60]  }
0x6c: {  	v8 =	vld [tilespmem:s29+$0x70];
	[tilespmem:s30+$0x1410] =	vst v7;
	v5 =	vshll.u32 v5, $0x2  }
0x6d: {  	v7 =	vld [tilespmem:s29+$0x0];
	[tilespmem:s30+$0x1420] =	vst v5;
	v4 =	vshll.u32 v4, $0x2  }
0x6e: {  	v5 =	vld [tilespmem:s29+$0x10];
	[tilespmem:s30+$0x1430] =	vst v4;
	v2 =	vshll.u32 v2, $0x2  }
0x6f: {  	v4 =	vld [tilespmem:s29+$0x20];
	[tilespmem:s30+$0x1440] =	vst v2;
	v2 =	vshll.u32 v3, $0x2  }
0x70: {  	v3 =	vld [tilespmem:s29+$0x30];
	[tilespmem:s30+$0x1450] =	vst v2;
	v2 =	vshll.u32 v6, $0x2  }
0x71: {  	v61 =	vld [tilespmem:s29+$0x40];
	[tilespmem:s30+$0x1460] =	vst v2;
	v2 =	vshll.u32 v8, $0x2  }
0x72: {  	v62 =	vld [tilespmem:s29+$0x50];
	v7 =	vshll.u32 v7, $0x2;
	[tilespmem:s29+$0x1470] =	vst v2  }
0x73: {  	v63 =	vld [tilespmem:s29+$0x60];
	[tilespmem:s29+$0x1400] =	vst v7;
	v2 =	vshll.u32 v5, $0x2  }
0x74: {  	[tilespmem:s29+$0x1410] =	vst v2;
	v2 =	vshll.u32 v4, $0x2  }
0x75: {  	[tilespmem:s29+$0x1420] =	vst v2;
	v2 =	vshll.u32 v3, $0x2  }
0x76: {  	[tilespmem:s29+$0x1430] =	vst v2;
	v2 =	vshll.u32 v61, $0x2  }
0x77: {  	[tilespmem:s29+$0x1440] =	vst v2;
	v2 =	vshll.u32 v62, $0x2  }
0x78: {  	[tilespmem:s29+$0x1450] =	vst v2;
	v2 =	vshll.u32 v63, $0x2  }
0x79: {  	s2 =	simm.s32 $0x1400;
	[tilespmem:s29+$0x1460] =	vst v2  }
0x7a: {  	[tilespmem:s22], [sflag:$0x1] =	stream.indirect.gather [hbm4b:s1+s17], $0x40, s2, s17, $0xb8;
	[tilespmem:$0x1D400] =	vst v63  }
0x7b: {  	s30 =	simm.s32 $0x1480  }
0x7c: {  	[tilespmem:s24], [sflag:$0x2] =	stream.indirect.gather [hbm4b:s1+s17], $0x40, s30, s17, $0xb8;
	[tilespmem:$0x1D400] =	vst v63  }
0x7d: {  	s30 =	simm.s32 $0x1500  }
0x7e: {  	[tilespmem:s15], [sflag:$0x3] =	stream.indirect.gather [hbm4b:s1+s17], $0x40, s30, s17, $0xb8;
	[tilespmem:$0x1D400] =	vst v63  }
0x7f: {  	s30 =	simm.s32 $0x1580  }
0x80: {  	[tilespmem:s21], [sflag:$0x4] =	stream.indirect.gather [hbm4b:s1+s17], $0x40, s30, s17, $0xb8;
	[tilespmem:$0x1D400] =	vst v63  }
0x81: {  	_ =	swait.ge [sflag:s23], $0x2000  }
0x82: {  	[sflag:s23] =	ssyncset.done $0x0  }
0x83: {  	s30 =	simm.s32 $0x2800;
	[sflag:s23] =	ssyncadd.s32 $0xFFFFE000  }
0x84: {  	[spmem:s3] =	stream.indirect.scatter.add.f32 [tilespmem:s22], [sflag:$0x5], $0x40, s30, s17, $0xb8;
	[tilespmem:$0x1D400] =	vst v63  }
0x85: {  	_ = 	snop  }
0x86: {  	[spmem:s4] =	stream.indirect.scatter.add.f32 [tilespmem:s25], [sflag:$0x9], $0x10, s30, s17, $0xb8;
	[tilespmem:$0x1D400] =	vst v63  }
0x87: {  	_ =	swait.ge [sflag:s12], $0x2000  }
0x88: {  	[sflag:s12] =	ssyncset.done $0x0  }
0x89: {  	[sflag:s12] =	ssyncadd.s32 $0xFFFFE000  }
0x8a: {  	_ =	swait.ge [sflag:s7], $0x800  }
0x8b: {  	[sflag:s7] =	ssyncset.done $0x0  }
0x8c: {  	s30 =	simm.s32 $0x1600;
	[sflag:s7] =	ssyncadd.s32 $0xFFFFF800  }
0x8d: {  	[tilespmem:s22], [sflag:$0x1] =	stream.indirect.gather [hbm4b:s1+s17], $0x40, s30, s17, $0xb8;
	[tilespmem:$0x1D400] =	vst v63  }
0x8e: {  	_ =	swait.ge [sflag:s8], $0x2000  }
0x8f: {  	[sflag:s8] =	ssyncset.done $0x0  }
0x90: {  	s30 =	simm.s32 $0x2880;
	[sflag:s8] =	ssyncadd.s32 $0xFFFFE000  }
0x91: {  	[spmem:s3] =	stream.indirect.scatter.add.f32 [tilespmem:s24], [sflag:$0x6], $0x40, s30, s17, $0xb8;
	[tilespmem:$0x1D400] =	vst v63  }
0x92: {  	_ = 	snop  }
0x93: {  	[spmem:s4] =	stream.indirect.scatter.add.f32 [tilespmem:s25], [sflag:$0xA], $0x10, s30, s17, $0xb8;
	[tilespmem:$0x1D400] =	vst v63  }
0x94: {  	_ =	swait.ge [sflag:s13], $0x2000  }
0x95: {  	[sflag:s13] =	ssyncset.done $0x0  }
0x96: {  	[sflag:s13] =	ssyncadd.s32 $0xFFFFE000  }
0x97: {  	_ =	swait.ge [sflag:s18], $0x800  }
0x98: {  	[sflag:s18] =	ssyncset.done $0x0  }
0x99: {  	s30 =	simm.s32 $0x1680;
	[sflag:s18] =	ssyncadd.s32 $0xFFFFF800  }
0x9a: {  	[tilespmem:s24], [sflag:$0x2] =	stream.indirect.gather [hbm4b:s1+s17], $0x40, s30, s17, $0xb8;
	[tilespmem:$0x1D400] =	vst v63  }
0x9b: {  	_ =	swait.ge [sflag:s19], $0x2000  }
0x9c: {  	[sflag:s19] =	ssyncset.done $0x0  }
0x9d: {  	s30 =	simm.s32 $0x2900;
	[sflag:s19] =	ssyncadd.s32 $0xFFFFE000  }
0x9e: {  	[spmem:s3] =	stream.indirect.scatter.add.f32 [tilespmem:s15], [sflag:$0x7], $0x40, s30, s17, $0xb8;
	[tilespmem:$0x1D400] =	vst v63  }
0x9f: {  	_ = 	snop  }
0xa0: {  	[spmem:s4] =	stream.indirect.scatter.add.f32 [tilespmem:s25], [sflag:$0xB], $0x10, s30, s17, $0xb8;
	[tilespmem:$0x1D400] =	vst v63  }
0xa1: {  	_ =	swait.ge [sflag:s20], $0x2000  }
0xa2: {  	[sflag:s20] =	ssyncset.done $0x0  }
0xa3: {  	[sflag:s20] =	ssyncadd.s32 $0xFFFFE000  }
0xa4: {  	_ =	swait.ge [sflag:s11], $0x800  }
0xa5: {  	[sflag:s11] =	ssyncset.done $0x0  }
0xa6: {  	s30 =	simm.s32 $0x1700;
	[sflag:s11] =	ssyncadd.s32 $0xFFFFF800  }
0xa7: {  	[tilespmem:s15], [sflag:$0x3] =	stream.indirect.gather [hbm4b:s1+s17], $0x40, s30, s17, $0xb8;
	[tilespmem:$0x1D400] =	vst v63  }
0xa8: {  	_ =	swait.ge [sflag:s14], $0x2000  }
0xa9: {  	[sflag:s14] =	ssyncset.done $0x0  }
0xaa: {  	s30 =	simm.s32 $0x2980;
	[sflag:s14] =	ssyncadd.s32 $0xFFFFE000  }
0xab: {  	[spmem:s3] =	stream.indirect.scatter.add.f32 [tilespmem:s21], [sflag:$0x8], $0x40, s30, s17, $0xb8;
	[tilespmem:$0x1D400] =	vst v63  }
0xac: {  	_ = 	snop  }
0xad: {  	[spmem:s4] =	stream.indirect.scatter.add.f32 [tilespmem:s25], [sflag:$0xC], $0x10, s30, s17, $0xb8;
	[tilespmem:$0x1D400] =	vst v63  }
0xae: {  	_ =	swait.ge [sflag:s16], $0x2000  }
0xaf: {  	[sflag:s16] =	ssyncset.done $0x0  }
0xb0: {  	[sflag:s16] =	ssyncadd.s32 $0xFFFFE000  }
0xb1: {  	_ =	swait.ge [sflag:s26], $0x800  }
0xb2: {  	[sflag:s26] =	ssyncset.done $0x0  }
0xb3: {  	s29 =	simm.s32 $0x800;
	s2 =	simm.s32 $0x1780;
	[sflag:s26] =	ssyncadd.s32 $0xFFFFF800  }
.LBB2_8:
0xb4: {  	[tilespmem:s21], [sflag:$0x4] =	stream.indirect.gather [hbm4b:s1+s17], $0x40, s2, s17, $0xb8;
	[tilespmem:$0x1D400] =	vst v63  }
0xb5: {  	s2 =	smov.u32 s29  }
0xb6: {  	p0 =	sne.s32 s29, $0x4000;
	s29 =	sadd.s32 $0x800, s29;
	_ =	swait.ge [sflag:s23], $0x2000  }
0xb7: {  	s30 =	sshra.s32 s2, $0x2;
	[sflag:s23] =	ssyncset.done $0x0  }
0xb8: {  	s2 =	sadd.s32 $0x2800, s30;
	[sflag:s23] =	ssyncadd.s32 $0xFFFFE000  }
0xb9: {  	[spmem:s3] =	stream.indirect.scatter.add.f32 [tilespmem:s22], [sflag:$0x5], $0x40, s2, s17, $0xb8;
	[tilespmem:$0x1D400] =	vst v63  }
0xba: {  	_ = 	snop  }
0xbb: {  	[spmem:s4] =	stream.indirect.scatter.add.f32 [tilespmem:s25], [sflag:$0x9], $0x10, s2, s17, $0xb8;
	[tilespmem:$0x1D400] =	vst v63  }
0xbc: {  	_ =	swait.ge [sflag:s12], $0x2000  }
0xbd: {  	[sflag:s12] =	ssyncset.done $0x0  }
0xbe: {  	[sflag:s12] =	ssyncadd.s32 $0xFFFFE000  }
0xbf: {  	_ =	swait.ge [sflag:s7], $0x800  }
0xc0: {  	[sflag:s7] =	ssyncset.done $0x0  }
0xc1: {  	s2 =	sadd.s32 $0x1600, s30;
	[sflag:s7] =	ssyncadd.s32 $0xFFFFF800  }
0xc2: {  	[tilespmem:s22], [sflag:$0x1] =	stream.indirect.gather [hbm4b:s1+s17], $0x40, s2, s17, $0xb8;
	[tilespmem:$0x1D400] =	vst v63  }
0xc3: {  	_ =	swait.ge [sflag:s8], $0x2000  }
0xc4: {  	[sflag:s8] =	ssyncset.done $0x0  }
0xc5: {  	s2 =	sadd.s32 $0x2880, s30;
	[sflag:s8] =	ssyncadd.s32 $0xFFFFE000  }
0xc6: {  	[spmem:s3] =	stream.indirect.scatter.add.f32 [tilespmem:s24], [sflag:$0x6], $0x40, s2, s17, $0xb8;
	[tilespmem:$0x1D400] =	vst v63  }
0xc7: {  	_ = 	snop  }
0xc8: {  	[spmem:s4] =	stream.indirect.scatter.add.f32 [tilespmem:s25], [sflag:$0xA], $0x10, s2, s17, $0xb8;
	[tilespmem:$0x1D400] =	vst v63  }
0xc9: {  	_ =	swait.ge [sflag:s13], $0x2000  }
0xca: {  	[sflag:s13] =	ssyncset.done $0x0  }
0xcb: {  	[sflag:s13] =	ssyncadd.s32 $0xFFFFE000  }
0xcc: {  	_ =	swait.ge [sflag:s18], $0x800  }
0xcd: {  	[sflag:s18] =	ssyncset.done $0x0  }
0xce: {  	s2 =	sadd.s32 $0x1680, s30;
	[sflag:s18] =	ssyncadd.s32 $0xFFFFF800  }
0xcf: {  	[tilespmem:s24], [sflag:$0x2] =	stream.indirect.gather [hbm4b:s1+s17], $0x40, s2, s17, $0xb8;
	[tilespmem:$0x1D400] =	vst v63  }
0xd0: {  	_ =	swait.ge [sflag:s19], $0x2000  }
0xd1: {  	[sflag:s19] =	ssyncset.done $0x0  }
0xd2: {  	s2 =	sadd.s32 $0x2900, s30;
	[sflag:s19] =	ssyncadd.s32 $0xFFFFE000  }
0xd3: {  	[spmem:s3] =	stream.indirect.scatter.add.f32 [tilespmem:s15], [sflag:$0x7], $0x40, s2, s17, $0xb8;
	[tilespmem:$0x1D400] =	vst v63  }
0xd4: {  	_ = 	snop  }
0xd5: {  	[spmem:s4] =	stream.indirect.scatter.add.f32 [tilespmem:s25], [sflag:$0xB], $0x10, s2, s17, $0xb8;
	[tilespmem:$0x1D400] =	vst v63  }
0xd6: {  	_ =	swait.ge [sflag:s20], $0x2000  }
0xd7: {  	[sflag:s20] =	ssyncset.done $0x0  }
0xd8: {  	[sflag:s20] =	ssyncadd.s32 $0xFFFFE000  }
0xd9: {  	_ =	swait.ge [sflag:s11], $0x800  }
0xda: {  	[sflag:s11] =	ssyncset.done $0x0  }
0xdb: {  	s2 =	sadd.s32 $0x1700, s30;
	[sflag:s11] =	ssyncadd.s32 $0xFFFFF800  }
0xdc: {  	[tilespmem:s15], [sflag:$0x3] =	stream.indirect.gather [hbm4b:s1+s17], $0x40, s2, s17, $0xb8;
	[tilespmem:$0x1D400] =	vst v63  }
0xdd: {  	_ =	swait.ge [sflag:s14], $0x2000  }
0xde: {  	[sflag:s14] =	ssyncset.done $0x0  }
0xdf: {  	s2 =	sadd.s32 $0x2980, s30;
	[sflag:s14] =	ssyncadd.s32 $0xFFFFE000  }
0xe0: {  	[spmem:s3] =	stream.indirect.scatter.add.f32 [tilespmem:s21], [sflag:$0x8], $0x40, s2, s17, $0xb8;
	[tilespmem:$0x1D400] =	vst v63  }
0xe1: {  	_ = 	snop  }
0xe2: {  	[spmem:s4] =	stream.indirect.scatter.add.f32 [tilespmem:s25], [sflag:$0xC], $0x10, s2, s17, $0xb8;
	[tilespmem:$0x1D400] =	vst v63  }
0xe3: {  	_ =	swait.ge [sflag:s16], $0x2000  }
.Ltmp5:
0xe4: {  	[sflag:s16] =	ssyncset.done $0x0;
	(pc) =	sbr.rel @p0 .LBB2_8-.Ltmp5, $4  }
0xe5: {  	[sflag:s16] =	ssyncadd.s32 $0xFFFFE000  }
0xe6: {  	_ =	swait.ge [sflag:s26], $0x800  }
0xe7: {  	[sflag:s26] =	ssyncset.done $0x0  }
0xe8: {  	s2 =	sadd.s32 $0x1780, s30;
	[sflag:s26] =	ssyncadd.s32 $0xFFFFF800  }
0xe9: {  	[tilespmem:s21], [sflag:$0x4] =	stream.indirect.gather [hbm4b:s1+s17], $0x40, s2, s17, $0xb8;
	[tilespmem:$0x1D400] =	vst v63  }
0xea: {  	s29 =	simm.s32 $0x1  }
0xeb: {  	_ =	swait.ge [sflag:s29], $0x2000  }
0xec: {  	[sflag:s29] =	ssyncset.done $0x0  }
0xed: {  	s30 =	simm.s32 $0x3A00;
	[sflag:s29] =	ssyncadd.s32 $0xFFFFE000  }
0xee: {  	[spmem:s3] =	stream.indirect.scatter.add.f32 [tilespmem:s22], [sflag:$0x5], $0x40, s30, s17, $0xb8;
	[tilespmem:$0x1D400] =	vst v63  }
0xef: {  	_ = 	snop  }
0xf0: {  	[spmem:s4] =	stream.indirect.scatter.add.f32 [tilespmem:s25], [sflag:$0x9], $0x10, s30, s17, $0xb8;
	[tilespmem:$0x1D400] =	vst v63  }
0xf1: {  	_ =	swait.ge [sflag:s12], $0x2000  }
0xf2: {  	[sflag:s12] =	ssyncset.done $0x0  }
0xf3: {  	[sflag:s12] =	ssyncadd.s32 $0xFFFFE000  }
0xf4: {  	_ =	swait.ge [sflag:s7], $0x800  }
0xf5: {  	[sflag:s7] =	ssyncset.done $0x0  }
0xf6: {  	[sflag:s7] =	ssyncadd.s32 $0xFFFFF800  }
0xf7: {  	_ =	swait.ge [sflag:s8], $0x2000  }
0xf8: {  	[sflag:s8] =	ssyncset.done $0x0  }
0xf9: {  	s30 =	simm.s32 $0x3A80;
	[sflag:s8] =	ssyncadd.s32 $0xFFFFE000  }
0xfa: {  	[spmem:s3] =	stream.indirect.scatter.add.f32 [tilespmem:s24], [sflag:$0x6], $0x40, s30, s17, $0xb8;
	[tilespmem:$0x1D400] =	vst v63  }
0xfb: {  	_ = 	snop  }
0xfc: {  	[spmem:s4] =	stream.indirect.scatter.add.f32 [tilespmem:s25], [sflag:$0xA], $0x10, s30, s17, $0xb8;
	[tilespmem:$0x1D400] =	vst v63  }
0xfd: {  	_ =	swait.ge [sflag:s13], $0x2000  }
0xfe: {  	[sflag:s13] =	ssyncset.done $0x0  }
0xff: {  	[sflag:s13] =	ssyncadd.s32 $0xFFFFE000  }
0x100: {  	_ =	swait.ge [sflag:s18], $0x800  }
0x101: {  	[sflag:s18] =	ssyncset.done $0x0  }
0x102: {  	[sflag:s18] =	ssyncadd.s32 $0xFFFFF800  }
0x103: {  	_ =	swait.ge [sflag:s19], $0x2000  }
0x104: {  	[sflag:s19] =	ssyncset.done $0x0  }
0x105: {  	s30 =	simm.s32 $0x3B00;
	[sflag:s19] =	ssyncadd.s32 $0xFFFFE000  }
0x106: {  	[spmem:s3] =	stream.indirect.scatter.add.f32 [tilespmem:s15], [sflag:$0x7], $0x40, s30, s17, $0xb8;
	[tilespmem:$0x1D400] =	vst v63  }
0x107: {  	_ = 	snop  }
0x108: {  	[spmem:s4] =	stream.indirect.scatter.add.f32 [tilespmem:s25], [sflag:$0xB], $0x10, s30, s17, $0xb8;
	[tilespmem:$0x1D400] =	vst v63  }
0x109: {  	_ =	swait.ge [sflag:s20], $0x2000  }
0x10a: {  	[sflag:s20] =	ssyncset.done $0x0  }
0x10b: {  	[sflag:s20] =	ssyncadd.s32 $0xFFFFE000  }
0x10c: {  	_ =	swait.ge [sflag:s11], $0x800  }
0x10d: {  	[sflag:s11] =	ssyncset.done $0x0  }
0x10e: {  	[sflag:s11] =	ssyncadd.s32 $0xFFFFF800  }
0x10f: {  	_ =	swait.ge [sflag:s14], $0x2000  }
0x110: {  	[sflag:s14] =	ssyncset.done $0x0  }
0x111: {  	s30 =	simm.s32 $0x3B80;
	[sflag:s14] =	ssyncadd.s32 $0xFFFFE000  }
0x112: {  	[spmem:s3] =	stream.indirect.scatter.add.f32 [tilespmem:s21], [sflag:$0x8], $0x40, s30, s17, $0xb8;
	[tilespmem:$0x1D400] =	vst v63  }
0x113: {  	_ = 	snop  }
0x114: {  	[spmem:s4] =	stream.indirect.scatter.add.f32 [tilespmem:s25], [sflag:$0xC], $0x10, s30, s17, $0xb8;
	[tilespmem:$0x1D400] =	vst v63  }
0x115: {  	_ =	swait.ge [sflag:s16], $0x2000  }
0x116: {  	[sflag:s16] =	ssyncset.done $0x0  }
0x117: {  	[sflag:s16] =	ssyncadd.s32 $0xFFFFE000  }
0x118: {  	_ =	swait.ge [sflag:s26], $0x800  }
0x119: {  	[sflag:s26] =	ssyncset.done $0x0  }
0x11a: {  	[sflag:s26] =	ssyncadd.s32 $0xFFFFF800  }
0x11b: {  	[bflag:$0x0] =	sbarrier.arrive $0xFFFF  }
0x11c: {  	s30 =	rddreg [dreg:$0xb]  }
0x11d: {  	[tilespmem:s22], [sflag:$0xE] =	stream.linear.gather [spmem:s30], $0x2000, $0x38;
	[tilespmem:$0x1D400] =	vst v63  }
0x11e: {  	_ =	swait.ge [sflag:s9], $0x2000  }
0x11f: {  	[sflag:s9] =	ssyncset.done $0x0  }
0x120: {  	s30 =	rddreg [dreg:$0xc];
	[sflag:s9] =	ssyncadd.s32 $0xFFFFE000  }
0x121: {  	[hbm4b:s30+s5] =	stream.linear.scatter [tilespmem:s22], [sflag:$0xD], $0x2000, $0x38;
	[tilespmem:$0x1D400] =	vst v63  }
0x122: {  	s30 =	rddreg [dreg:$0xd]  }
0x123: {  	[tilespmem:s24], [sflag:$0xE] =	stream.linear.gather [spmem:s30], $0x2000, $0x38;
	[tilespmem:$0x1D400] =	vst v63  }
0x124: {  	_ =	swait.ge [sflag:s9], $0x2000  }
0x125: {  	[sflag:s9] =	ssyncset.done $0x0  }
0x126: {  	s30 =	rddreg [dreg:$0xe];
	[sflag:s9] =	ssyncadd.s32 $0xFFFFE000  }
0x127: {  	[hbm4b:s30+s5] =	stream.linear.scatter [tilespmem:s24], [sflag:$0xD], $0x2000, $0x38;
	[tilespmem:$0x1D400] =	vst v63  }
0x128: {  	_ =	swait.ge [sflag:s28], $0x2000  }
0x129: {  	[sflag:s28] =	ssyncset.done $0x0  }
0x12a: {  	s30 =	rddreg [dreg:$0x17];
	[sflag:s28] =	ssyncadd.s32 $0xFFFFE000  }
0x12b: {  	[tilespmem:s22], [sflag:$0xE] =	stream.linear.gather [spmem:s30], $0x2000, $0x38;
	[tilespmem:$0x1D400] =	vst v63  }
0x12c: {  	_ =	swait.ge [sflag:s9], $0x2000  }
0x12d: {  	[sflag:s9] =	ssyncset.done $0x0  }
0x12e: {  	s30 =	rddreg [dreg:$0x12];
	[sflag:s9] =	ssyncadd.s32 $0xFFFFE000  }
0x12f: {  	[hbm4b:s30+s5] =	stream.linear.scatter [tilespmem:s22], [sflag:$0xD], $0x2000, $0x38;
	[tilespmem:$0x1D400] =	vst v63  }
0x130: {  	_ =	swait.ge [sflag:s28], $0x2000  }
0x131: {  	[sflag:s28] =	ssyncset.done $0x0  }
0x132: {  	s30 =	rddreg [dreg:$0x18];
	[sflag:s28] =	ssyncadd.s32 $0xFFFFE000  }
0x133: {  	[tilespmem:s24], [sflag:$0xE] =	stream.linear.gather [spmem:s30], $0x2000, $0x38;
	[tilespmem:$0x1D400] =	vst v63  }
0x134: {  	_ =	swait.ge [sflag:s9], $0x2000  }
0x135: {  	[sflag:s9] =	ssyncset.done $0x0  }
0x136: {  	s30 =	rddreg [dreg:$0x13];
	[sflag:s9] =	ssyncadd.s32 $0xFFFFE000  }
0x137: {  	[hbm4b:s30+s5] =	stream.linear.scatter [tilespmem:s24], [sflag:$0xD], $0x2000, $0x38;
	[tilespmem:$0x1D400] =	vst v63  }
0x138: {  	_ =	swait.ge [sflag:s28], $0x2000  }
0x139: {  	[sflag:s28] =	ssyncset.done $0x0  }
0x13a: {  	s30 =	rddreg [dreg:$0x19];
	[sflag:s28] =	ssyncadd.s32 $0xFFFFE000  }
0x13b: {  	[tilespmem:s22], [sflag:$0xE] =	stream.linear.gather [spmem:s30], $0x2000, $0x38;
	[tilespmem:$0x1D400] =	vst v63  }
0x13c: {  	_ =	swait.ge [sflag:s9], $0x2000  }
0x13d: {  	[sflag:s9] =	ssyncset.done $0x0  }
0x13e: {  	s30 =	rddreg [dreg:$0x14];
	[sflag:s9] =	ssyncadd.s32 $0xFFFFE000  }
0x13f: {  	[hbm4b:s30+s5] =	stream.linear.scatter [tilespmem:s22], [sflag:$0xD], $0x2000, $0x38;
	[tilespmem:$0x1D400] =	vst v63  }
0x140: {  	_ =	swait.ge [sflag:s28], $0x2000  }
0x141: {  	[sflag:s28] =	ssyncset.done $0x0  }
0x142: {  	[sflag:s28] =	ssyncadd.s32 $0xFFFFE000  }
0x143: {  	_ =	swait.ge [sflag:s28], $0x2000  }
0x144: {  	[sflag:s28] =	ssyncset.done $0x0  }
0x145: {  	s30 =	simm.s32 $0xE400;
	[sflag:s28] =	ssyncadd.s32 $0xFFFFE000  }
0x146: {  	[tilespmem:s30], [sflag:$0xE] =	stream.linear.gather [spmem:s31], $0x2800, $0x38;
	[tilespmem:$0x1D400] =	vst v63  }
0x147: {  	_ =	swait.ge [sflag:s9], $0x2800  }
0x148: {  	[sflag:s9] =	ssyncset.done $0x0  }
0x149: {  	s31 =	rddreg [dreg:$0x15];
	[sflag:s9] =	ssyncadd.s32 $0xFFFFD800  }
0x14a: {  	[hbm4b:s31+s5] =	stream.linear.scatter [tilespmem:s30], [sflag:$0xE], $0x2800, $0x38;
	[tilespmem:$0x1D400] =	vst v63  }
0x14b: {  	_ =	swait.ge [sflag:s9], $0x2800  }
0x14c: {  	[sflag:s9] =	ssyncset.done $0x0  }
0x14d: {  	[sflag:s9] =	ssyncadd.s32 $0xFFFFD800  }
0x14e: {  	[spmem:s0] =	stream.linear.scatter [tilespmem:s10], [sflag:$0xE], $0x2000, $0x38;
	[tilespmem:$0x1D400] =	vst v63  }
0x14f: {  	_ =	swait.ge [sflag:s9], $0x2000  }
0x150: {  	[sflag:s9] =	ssyncset.done $0x0  }
0x151: {  	s30 =	rddreg [dreg:$0x1a];
	[sflag:s9] =	ssyncadd.s32 $0xFFFFE000  }
0x152: {  	[spmem:s30] =	stream.linear.scatter [tilespmem:s10], [sflag:$0xE], $0x2000, $0x38;
	[tilespmem:$0x1D400] =	vst v63  }
0x153: {  	_ =	swait.ge [sflag:s9], $0x2000  }
0x154: {  	[sflag:s9] =	ssyncset.done $0x0  }
0x155: {  	s31 =	rddreg [dreg:$0x1b];
	[sflag:s9] =	ssyncadd.s32 $0xFFFFE000  }
0x156: {  	[spmem:s31] =	stream.linear.scatter [tilespmem:s10], [sflag:$0xE], $0x2000, $0x38;
	[tilespmem:$0x1D400] =	vst v63  }
0x157: {  	_ =	swait.ge [sflag:s9], $0x2000  }
0x158: {  	[sflag:s9] =	ssyncset.done $0x0  }
0x159: {  	s30 =	rddreg [dreg:$0x1c];
	[sflag:s9] =	ssyncadd.s32 $0xFFFFE000  }
0x15a: {  	[spmem:s30] =	stream.linear.scatter [tilespmem:s10], [sflag:$0xE], $0x2000, $0x38;
	[tilespmem:$0x1D400] =	vst v63  }
0x15b: {  	_ =	swait.ge [sflag:s9], $0x2000  }
0x15c: {  	[sflag:s9] =	ssyncset.done $0x0  }
0x15d: {  	s31 =	rddreg [dreg:$0x1d];
	[sflag:s9] =	ssyncadd.s32 $0xFFFFE000  }
0x15e: {  	[spmem:s31] =	stream.linear.scatter [tilespmem:s10], [sflag:$0xE], $0x2000, $0x38;
	[tilespmem:$0x1D400] =	vst v63  }
0x15f: {  	_ =	swait.ge [sflag:s9], $0x2000  }
0x160: {  	[sflag:s9] =	ssyncset.done $0x0  }
0x161: {  	[sflag:s9] =	ssyncadd.s32 $0xFFFFE000  }
0x162: {  	[bflag:$0x0] =	sbarrier.arrive $0xFFFF  }
.LBB2_10:
0x163: {  	s31 =	simm.s32 $0x0  }
0x164: {  	v4 =	vld [tilespmem:s31+$0x70]  }
0x165: {  	v6 =	vld [tilespmem:s31+$0x0]  }
0x166: {  	v9 =	vld [tilespmem:s31+$0x10]  }
0x167: {  	v7 =	vld [tilespmem:s31+$0x20]  }
0x168: {  	v5 =	vld [tilespmem:s31+$0x30]  }
0x169: {  	v2 =	vmov s29;
	v3 =	vld [tilespmem:s31+$0x40];
	v8 =	vshll.u32 v4, $0x2  }
0x16a: {  	v4 =	vld [tilespmem:s31+$0x50];
	v10 =	vshll.u32 v6, $0x2;
	v11 =	vadd.s32 v2, v8  }
0x16b: {  	s30 =	simm.s32 $0x80;
	s2 =	simm.s32 $0x400;
	v6 =	vld [tilespmem:s31+$0x60];
	v9 =	vshll.u32 v9, $0x2;
	v8 =	vadd.s32 v2, v10;
	[tilespmem:s31+$0x1470] =	vst v11  }
.LBB2_11:
0x16c: {  	p0 =	sne.s32 s2, $0x4E00;
	v10 =	vld [tilespmem:s30+$0x70];
	[tilespmem:s31+$0x1400] =	vst v8;
	v8 =	vadd.s32 v2, v9;
	v7 =	vshll.u32 v7, $0x2  }
0x16d: {  	v9 =	vld [tilespmem:s30+$0x0];
	[tilespmem:s31+$0x1410] =	vst v8;
	v7 =	vadd.s32 v2, v7;
	v5 =	vshll.u32 v5, $0x2  }
0x16e: {  	v11 =	vld [tilespmem:s30+$0x10];
	[tilespmem:s31+$0x1420] =	vst v7;
	v5 =	vadd.s32 v2, v5;
	v3 =	vshll.u32 v3, $0x2  }
.Ltmp6:
0x16f: {  	v7 =	vld [tilespmem:s30+$0x20];
	[tilespmem:s31+$0x1430] =	vst v5;
	v3 =	vadd.s32 v2, v3;
	v4 =	vshll.u32 v4, $0x2;
	(pc) =	sbr.rel @p0 .LBB2_11-.Ltmp6, $4  }
0x170: {  	v5 =	vld [tilespmem:s30+$0x30];
	[tilespmem:s31+$0x1440] =	vst v3;
	v4 =	vadd.s32 v2, v4;
	v6 =	vshll.u32 v6, $0x2  }
0x171: {  	v3 =	vld [tilespmem:s30+$0x40];
	v8 =	vshll.u32 v10, $0x2;
	[tilespmem:s31+$0x1450] =	vst v4;
	v6 =	vadd.s32 v2, v6  }
0x172: {  	v9 =	vshll.u32 v9, $0x2;
	v4 =	vld [tilespmem:s30+$0x50];
	v10 =	vadd.s32 v2, v8;
	[tilespmem:s31+$0x1460] =	vst v6;
	s31 =	smov.u32 s30  }
0x173: {  	s30 =	sshra.s32 s2, $0x2;
	s2 =	sadd.s32 $0x200, s2;
	v8 =	vadd.s32 v2, v9;
	v9 =	vshll.u32 v11, $0x2;
	v6 =	vld [tilespmem:s31+$0x60];
	[tilespmem:s31+$0x1470] =	vst v10  }
0x174: {  	v10 =	vld [tilespmem:s30+$0x70];
	[tilespmem:s31+$0x1400] =	vst v8;
	v56 =	vadd.s32 v2, v9;
	v7 =	vshll.u32 v7, $0x2  }
0x175: {  	v57 =	vld [tilespmem:s30+$0x0];
	[tilespmem:s31+$0x1410] =	vst v56;
	v7 =	vadd.s32 v2, v7;
	v5 =	vshll.u32 v5, $0x2  }
0x176: {  	v8 =	vld [tilespmem:s30+$0x10];
	[tilespmem:s31+$0x1420] =	vst v7;
	v5 =	vadd.s32 v2, v5;
	v3 =	vshll.u32 v3, $0x2  }
0x177: {  	v7 =	vld [tilespmem:s30+$0x20];
	[tilespmem:s31+$0x1430] =	vst v5;
	v3 =	vadd.s32 v2, v3;
	v4 =	vshll.u32 v4, $0x2  }
0x178: {  	v5 =	vld [tilespmem:s30+$0x30];
	[tilespmem:s31+$0x1440] =	vst v3;
	v3 =	vadd.s32 v2, v4;
	v6 =	vshll.u32 v6, $0x2  }
0x179: {  	v58 =	vld [tilespmem:s30+$0x40];
	[tilespmem:s31+$0x1450] =	vst v3;
	v3 =	vadd.s32 v2, v6;
	v10 =	vshll.u32 v10, $0x2  }
0x17a: {  	v59 =	vld [tilespmem:s30+$0x50];
	[tilespmem:s31+$0x1460] =	vst v3;
	v3 =	vshll.u32 v57, $0x2;
	v60 =	vadd.s32 v2, v10  }
0x17b: {  	v61 =	vld [tilespmem:s30+$0x60];
	v3 =	vadd.s32 v2, v3;
	v8 =	vshll.u32 v8, $0x2;
	[tilespmem:s30+$0x1470] =	vst v60  }
0x17c: {  	[tilespmem:s30+$0x1400] =	vst v3;
	v3 =	vadd.s32 v2, v8;
	v7 =	vshll.u32 v7, $0x2  }
0x17d: {  	[tilespmem:s30+$0x1410] =	vst v3;
	v3 =	vadd.s32 v2, v7;
	v5 =	vshll.u32 v5, $0x2  }
0x17e: {  	[tilespmem:s30+$0x1420] =	vst v3;
	v3 =	vadd.s32 v2, v5;
	v4 =	vshll.u32 v58, $0x2  }
0x17f: {  	[tilespmem:s30+$0x1430] =	vst v3;
	v3 =	vadd.s32 v2, v4;
	v62 =	vshll.u32 v59, $0x2  }
0x180: {  	[tilespmem:s30+$0x1440] =	vst v3;
	v3 =	vadd.s32 v2, v62;
	v63 =	vshll.u32 v61, $0x2  }
0x181: {  	[tilespmem:s30+$0x1450] =	vst v3;
	v2 =	vadd.s32 v2, v63  }
0x182: {  	s2 =	simm.s32 $0x1400;
	[tilespmem:s30+$0x1460] =	vst v2  }
0x183: {  	[tilespmem:s22], [sflag:$0x1] =	stream.indirect.gather [hbm4b:s1+s17], $0x40, s2, s17, $0xb8;
	[tilespmem:$0x1D400] =	vst v63  }
0x184: {  	s31 =	simm.s32 $0x1480  }
0x185: {  	[tilespmem:s24], [sflag:$0x2] =	stream.indirect.gather [hbm4b:s1+s17], $0x40, s31, s17, $0xb8;
	[tilespmem:$0x1D400] =	vst v63  }
0x186: {  	s31 =	simm.s32 $0x1500  }
0x187: {  	[tilespmem:s15], [sflag:$0x3] =	stream.indirect.gather [hbm4b:s1+s17], $0x40, s31, s17, $0xb8;
	[tilespmem:$0x1D400] =	vst v63  }
0x188: {  	s31 =	simm.s32 $0x1580  }
0x189: {  	[tilespmem:s21], [sflag:$0x4] =	stream.indirect.gather [hbm4b:s1+s17], $0x40, s31, s17, $0xb8;
	[tilespmem:$0x1D400] =	vst v63  }
0x18a: {  	_ =	swait.ge [sflag:s23], $0x2000  }
0x18b: {  	[sflag:s23] =	ssyncset.done $0x0  }
0x18c: {  	s31 =	simm.s32 $0x2800;
	[sflag:s23] =	ssyncadd.s32 $0xFFFFE000  }
0x18d: {  	[spmem:s3] =	stream.indirect.scatter.add.f32 [tilespmem:s22], [sflag:$0x5], $0x40, s31, s17, $0xb8;
	[tilespmem:$0x1D400] =	vst v63  }
0x18e: {  	_ =	swait.ge [sflag:s12], $0x2000  }
0x18f: {  	[sflag:s12] =	ssyncset.done $0x0  }
0x190: {  	s31 =	simm.s32 $0x1600;
	[sflag:s12] =	ssyncadd.s32 $0xFFFFE000  }
0x191: {  	[tilespmem:s22], [sflag:$0x1] =	stream.indirect.gather [hbm4b:s1+s17], $0x40, s31, s17, $0xb8;
	[tilespmem:$0x1D400] =	vst v63  }
0x192: {  	_ =	swait.ge [sflag:s8], $0x2000  }
0x193: {  	[sflag:s8] =	ssyncset.done $0x0  }
0x194: {  	s31 =	simm.s32 $0x2880;
	[sflag:s8] =	ssyncadd.s32 $0xFFFFE000  }
0x195: {  	[spmem:s3] =	stream.indirect.scatter.add.f32 [tilespmem:s24], [sflag:$0x6], $0x40, s31, s17, $0xb8;
	[tilespmem:$0x1D400] =	vst v63  }
0x196: {  	_ =	swait.ge [sflag:s13], $0x2000  }
0x197: {  	[sflag:s13] =	ssyncset.done $0x0  }
0x198: {  	s31 =	simm.s32 $0x1680;
	[sflag:s13] =	ssyncadd.s32 $0xFFFFE000  }
0x199: {  	[tilespmem:s24], [sflag:$0x2] =	stream.indirect.gather [hbm4b:s1+s17], $0x40, s31, s17, $0xb8;
	[tilespmem:$0x1D400] =	vst v63  }
0x19a: {  	_ =	swait.ge [sflag:s19], $0x2000  }
0x19b: {  	[sflag:s19] =	ssyncset.done $0x0  }
0x19c: {  	s31 =	simm.s32 $0x2900;
	[sflag:s19] =	ssyncadd.s32 $0xFFFFE000  }
0x19d: {  	[spmem:s3] =	stream.indirect.scatter.add.f32 [tilespmem:s15], [sflag:$0x7], $0x40, s31, s17, $0xb8;
	[tilespmem:$0x1D400] =	vst v63  }
0x19e: {  	_ =	swait.ge [sflag:s20], $0x2000  }
0x19f: {  	[sflag:s20] =	ssyncset.done $0x0  }
0x1a0: {  	s31 =	simm.s32 $0x1700;
	[sflag:s20] =	ssyncadd.s32 $0xFFFFE000  }
0x1a1: {  	[tilespmem:s15], [sflag:$0x3] =	stream.indirect.gather [hbm4b:s1+s17], $0x40, s31, s17, $0xb8;
	[tilespmem:$0x1D400] =	vst v63  }
0x1a2: {  	_ =	swait.ge [sflag:s14], $0x2000  }
0x1a3: {  	[sflag:s14] =	ssyncset.done $0x0  }
0x1a4: {  	s31 =	simm.s32 $0x2980;
	[sflag:s14] =	ssyncadd.s32 $0xFFFFE000  }
0x1a5: {  	[spmem:s3] =	stream.indirect.scatter.add.f32 [tilespmem:s21], [sflag:$0x8], $0x40, s31, s17, $0xb8;
	[tilespmem:$0x1D400] =	vst v63  }
0x1a6: {  	_ =	swait.ge [sflag:s16], $0x2000  }
0x1a7: {  	[sflag:s16] =	ssyncset.done $0x0  }
0x1a8: {  	s30 =	simm.s32 $0x800;
	s2 =	simm.s32 $0x1780;
	[sflag:s16] =	ssyncadd.s32 $0xFFFFE000  }
.LBB2_13:
0x1a9: {  	[tilespmem:s21], [sflag:$0x4] =	stream.indirect.gather [hbm4b:s1+s17], $0x40, s2, s17, $0xb8;
	[tilespmem:$0x1D400] =	vst v63  }
0x1aa: {  	s2 =	smov.u32 s30  }
0x1ab: {  	p0 =	sne.s32 s30, $0x4000;
	s30 =	sadd.s32 $0x800, s30;
	_ =	swait.ge [sflag:s23], $0x2000  }
0x1ac: {  	s31 =	sshra.s32 s2, $0x2;
	[sflag:s23] =	ssyncset.done $0x0  }
0x1ad: {  	s2 =	sadd.s32 $0x2800, s31;
	[sflag:s23] =	ssyncadd.s32 $0xFFFFE000  }
0x1ae: {  	[spmem:s3] =	stream.indirect.scatter.add.f32 [tilespmem:s22], [sflag:$0x5], $0x40, s2, s17, $0xb8;
	[tilespmem:$0x1D400] =	vst v63  }
0x1af: {  	_ =	swait.ge [sflag:s12], $0x2000  }
0x1b0: {  	[sflag:s12] =	ssyncset.done $0x0  }
0x1b1: {  	s2 =	sadd.s32 $0x1600, s31;
	[sflag:s12] =	ssyncadd.s32 $0xFFFFE000  }
0x1b2: {  	[tilespmem:s22], [sflag:$0x1] =	stream.indirect.gather [hbm4b:s1+s17], $0x40, s2, s17, $0xb8;
	[tilespmem:$0x1D400] =	vst v63  }
0x1b3: {  	_ =	swait.ge [sflag:s8], $0x2000  }
0x1b4: {  	[sflag:s8] =	ssyncset.done $0x0  }
0x1b5: {  	s2 =	sadd.s32 $0x2880, s31;
	[sflag:s8] =	ssyncadd.s32 $0xFFFFE000  }
0x1b6: {  	[spmem:s3] =	stream.indirect.scatter.add.f32 [tilespmem:s24], [sflag:$0x6], $0x40, s2, s17, $0xb8;
	[tilespmem:$0x1D400] =	vst v63  }
0x1b7: {  	_ =	swait.ge [sflag:s13], $0x2000  }
0x1b8: {  	[sflag:s13] =	ssyncset.done $0x0  }
0x1b9: {  	s2 =	sadd.s32 $0x1680, s31;
	[sflag:s13] =	ssyncadd.s32 $0xFFFFE000  }
0x1ba: {  	[tilespmem:s24], [sflag:$0x2] =	stream.indirect.gather [hbm4b:s1+s17], $0x40, s2, s17, $0xb8;
	[tilespmem:$0x1D400] =	vst v63  }
0x1bb: {  	_ =	swait.ge [sflag:s19], $0x2000  }
0x1bc: {  	[sflag:s19] =	ssyncset.done $0x0  }
0x1bd: {  	s2 =	sadd.s32 $0x2900, s31;
	[sflag:s19] =	ssyncadd.s32 $0xFFFFE000  }
0x1be: {  	[spmem:s3] =	stream.indirect.scatter.add.f32 [tilespmem:s15], [sflag:$0x7], $0x40, s2, s17, $0xb8;
	[tilespmem:$0x1D400] =	vst v63  }
0x1bf: {  	_ =	swait.ge [sflag:s20], $0x2000  }
0x1c0: {  	[sflag:s20] =	ssyncset.done $0x0  }
0x1c1: {  	s2 =	sadd.s32 $0x1700, s31;
	[sflag:s20] =	ssyncadd.s32 $0xFFFFE000  }
0x1c2: {  	[tilespmem:s15], [sflag:$0x3] =	stream.indirect.gather [hbm4b:s1+s17], $0x40, s2, s17, $0xb8;
	[tilespmem:$0x1D400] =	vst v63  }
0x1c3: {  	_ =	swait.ge [sflag:s14], $0x2000  }
0x1c4: {  	[sflag:s14] =	ssyncset.done $0x0  }
.Ltmp7:
0x1c5: {  	s2 =	sadd.s32 $0x2980, s31;
	[sflag:s14] =	ssyncadd.s32 $0xFFFFE000;
	(pc) =	sbr.rel @p0 .LBB2_13-.Ltmp7, $4  }
0x1c6: {  	[spmem:s3] =	stream.indirect.scatter.add.f32 [tilespmem:s21], [sflag:$0x8], $0x40, s2, s17, $0xb8;
	[tilespmem:$0x1D400] =	vst v63  }
0x1c7: {  	_ =	swait.ge [sflag:s16], $0x2000  }
0x1c8: {  	[sflag:s16] =	ssyncset.done $0x0  }
0x1c9: {  	s2 =	sadd.s32 $0x1780, s31;
	[sflag:s16] =	ssyncadd.s32 $0xFFFFE000  }
0x1ca: {  	[tilespmem:s21], [sflag:$0x4] =	stream.indirect.gather [hbm4b:s1+s17], $0x40, s2, s17, $0xb8;
	[tilespmem:$0x1D400] =	vst v63  }
0x1cb: {  	_ =	swait.ge [sflag:s23], $0x2000  }
0x1cc: {  	[sflag:s23] =	ssyncset.done $0x0  }
0x1cd: {  	s31 =	simm.s32 $0x3A00;
	[sflag:s23] =	ssyncadd.s32 $0xFFFFE000  }
0x1ce: {  	[spmem:s3] =	stream.indirect.scatter.add.f32 [tilespmem:s22], [sflag:$0x5], $0x40, s31, s17, $0xb8;
	[tilespmem:$0x1D400] =	vst v63  }
0x1cf: {  	_ =	swait.ge [sflag:s12], $0x2000  }
0x1d0: {  	[sflag:s12] =	ssyncset.done $0x0  }
0x1d1: {  	[sflag:s12] =	ssyncadd.s32 $0xFFFFE000  }
0x1d2: {  	_ =	swait.ge [sflag:s8], $0x2000  }
0x1d3: {  	[sflag:s8] =	ssyncset.done $0x0  }
0x1d4: {  	s30 =	simm.s32 $0x3A80;
	[sflag:s8] =	ssyncadd.s32 $0xFFFFE000  }
0x1d5: {  	[spmem:s3] =	stream.indirect.scatter.add.f32 [tilespmem:s24], [sflag:$0x6], $0x40, s30, s17, $0xb8;
	[tilespmem:$0x1D400] =	vst v63  }
0x1d6: {  	_ =	swait.ge [sflag:s13], $0x2000  }
0x1d7: {  	[sflag:s13] =	ssyncset.done $0x0  }
0x1d8: {  	[sflag:s13] =	ssyncadd.s32 $0xFFFFE000  }
0x1d9: {  	_ =	swait.ge [sflag:s19], $0x2000  }
0x1da: {  	[sflag:s19] =	ssyncset.done $0x0  }
0x1db: {  	s31 =	simm.s32 $0x3B00;
	[sflag:s19] =	ssyncadd.s32 $0xFFFFE000  }
0x1dc: {  	[spmem:s3] =	stream.indirect.scatter.add.f32 [tilespmem:s15], [sflag:$0x7], $0x40, s31, s17, $0xb8;
	[tilespmem:$0x1D400] =	vst v63  }
0x1dd: {  	_ =	swait.ge [sflag:s20], $0x2000  }
0x1de: {  	[sflag:s20] =	ssyncset.done $0x0  }
0x1df: {  	[sflag:s20] =	ssyncadd.s32 $0xFFFFE000  }
0x1e0: {  	_ =	swait.ge [sflag:s14], $0x2000  }
0x1e1: {  	[sflag:s14] =	ssyncset.done $0x0  }
0x1e2: {  	s30 =	simm.s32 $0x3B80;
	[sflag:s14] =	ssyncadd.s32 $0xFFFFE000  }
0x1e3: {  	[spmem:s3] =	stream.indirect.scatter.add.f32 [tilespmem:s21], [sflag:$0x8], $0x40, s30, s17, $0xb8;
	[tilespmem:$0x1D400] =	vst v63  }
0x1e4: {  	_ =	swait.ge [sflag:s16], $0x2000  }
0x1e5: {  	[sflag:s16] =	ssyncset.done $0x0  }
0x1e6: {  	[sflag:s16] =	ssyncadd.s32 $0xFFFFE000  }
0x1e7: {  	[bflag:$0x0] =	sbarrier.arrive $0xFFFF  }
0x1e8: {  	s2 =	smul.u32 $0xA0000, s29;
	s30 =	rddreg [dreg:$0xb]  }
0x1e9: {  	[tilespmem:s22], [sflag:$0xE] =	stream.linear.gather [spmem:s30], $0x2000, $0x38;
	[tilespmem:$0x1D400] =	vst v63  }
0x1ea: {  	s31 =	rddreg [dreg:$0x6];
	_ =	swait.ge [sflag:s9], $0x2000  }
0x1eb: {  	s2 =	sadd.s32 s31, s2;
	s31 =	rddreg [dreg:$0x5]  }
0x1ec: {  	s30 =	sadd.s32 s31, s2  }
0x1ed: {  	[sflag:s9] =	ssyncset.done $0x0;
	s30 =	sshrl.u32 s30, $0x3  }
0x1ee: {  	[sflag:s9] =	ssyncadd.s32 $0xFFFFE000;
	s30 =	sadd.s32 s6, s30  }
0x1ef: {  	[hbm4b:s30+s5] =	stream.linear.scatter [tilespmem:s22], [sflag:$0xD], $0x2000, $0x38;
	[tilespmem:$0x1D400] =	vst v63  }
0x1f0: {  	s31 =	rddreg [dreg:$0xd]  }
0x1f1: {  	[tilespmem:s24], [sflag:$0xE] =	stream.linear.gather [spmem:s31], $0x2000, $0x38;
	[tilespmem:$0x1D400] =	vst v63  }
0x1f2: {  	_ =	swait.ge [sflag:s9], $0x2000  }
0x1f3: {  	s31 =	rddreg [dreg:$0xa]  }
0x1f4: {  	s30 =	sadd.s32 s31, s2  }
0x1f5: {  	[sflag:s9] =	ssyncset.done $0x0;
	s30 =	sshrl.u32 s30, $0x3  }
0x1f6: {  	[sflag:s9] =	ssyncadd.s32 $0xFFFFE000;
	s30 =	sadd.s32 s6, s30  }
0x1f7: {  	[hbm4b:s30+s5] =	stream.linear.scatter [tilespmem:s24], [sflag:$0xD], $0x2000, $0x38;
	[tilespmem:$0x1D400] =	vst v63  }
0x1f8: {  	_ =	swait.ge [sflag:s28], $0x2000  }
0x1f9: {  	[sflag:s28] =	ssyncset.done $0x0  }
0x1fa: {  	s31 =	rddreg [dreg:$0x17];
	[sflag:s28] =	ssyncadd.s32 $0xFFFFE000  }
0x1fb: {  	[tilespmem:s22], [sflag:$0xE] =	stream.linear.gather [spmem:s31], $0x2000, $0x38;
	[tilespmem:$0x1D400] =	vst v63  }
0x1fc: {  	_ =	swait.ge [sflag:s9], $0x2000  }
0x1fd: {  	s31 =	rddreg [dreg:$0xf]  }
0x1fe: {  	s30 =	sadd.s32 s31, s2  }
0x1ff: {  	[sflag:s9] =	ssyncset.done $0x0;
	s30 =	sshrl.u32 s30, $0x3  }
0x200: {  	[sflag:s9] =	ssyncadd.s32 $0xFFFFE000;
	s30 =	sadd.s32 s6, s30  }
0x201: {  	[hbm4b:s30+s5] =	stream.linear.scatter [tilespmem:s22], [sflag:$0xD], $0x2000, $0x38;
	[tilespmem:$0x1D400] =	vst v63  }
0x202: {  	_ =	swait.ge [sflag:s28], $0x2000  }
0x203: {  	[sflag:s28] =	ssyncset.done $0x0  }
0x204: {  	s31 =	rddreg [dreg:$0x18];
	[sflag:s28] =	ssyncadd.s32 $0xFFFFE000  }
0x205: {  	[tilespmem:s24], [sflag:$0xE] =	stream.linear.gather [spmem:s31], $0x2000, $0x38;
	[tilespmem:$0x1D400] =	vst v63  }
0x206: {  	_ =	swait.ge [sflag:s9], $0x2000  }
0x207: {  	s31 =	rddreg [dreg:$0x10]  }
0x208: {  	s30 =	sadd.s32 s31, s2  }
0x209: {  	[sflag:s9] =	ssyncset.done $0x0;
	s30 =	sshrl.u32 s30, $0x3  }
0x20a: {  	[sflag:s9] =	ssyncadd.s32 $0xFFFFE000;
	s30 =	sadd.s32 s6, s30  }
0x20b: {  	[hbm4b:s30+s5] =	stream.linear.scatter [tilespmem:s24], [sflag:$0xD], $0x2000, $0x38;
	[tilespmem:$0x1D400] =	vst v63  }
0x20c: {  	_ =	swait.ge [sflag:s28], $0x2000  }
0x20d: {  	[sflag:s28] =	ssyncset.done $0x0  }
0x20e: {  	s31 =	rddreg [dreg:$0x19];
	[sflag:s28] =	ssyncadd.s32 $0xFFFFE000  }
0x20f: {  	[tilespmem:s22], [sflag:$0xE] =	stream.linear.gather [spmem:s31], $0x2000, $0x38;
	[tilespmem:$0x1D400] =	vst v63  }
0x210: {  	_ =	swait.ge [sflag:s9], $0x2000  }
0x211: {  	s31 =	rddreg [dreg:$0x11]  }
0x212: {  	s2 =	sadd.s32 s31, s2  }
0x213: {  	[sflag:s9] =	ssyncset.done $0x0;
	s2 =	sshrl.u32 s2, $0x3  }
0x214: {  	[sflag:s9] =	ssyncadd.s32 $0xFFFFE000;
	s2 =	sadd.s32 s6, s2  }
0x215: {  	[hbm4b:s2+s5] =	stream.linear.scatter [tilespmem:s22], [sflag:$0xD], $0x2000, $0x38;
	[tilespmem:$0x1D400] =	vst v63  }
0x216: {  	p0 =	seq.s32 s29, $0x3;
	_ =	swait.ge [sflag:s28], $0x2000  }
.Ltmp8:
0x217: {  	[sflag:s28] =	ssyncset.done $0x0;
	(pc) =	sbr.rel @p0 .LBB2_16-.Ltmp8, $4  }
0x218: {  	[sflag:s28] =	ssyncadd.s32 $0xFFFFE000  }
0x219: {  	_ =	swait.ge [sflag:s28], $0x2000  }
0x21a: {  	[sflag:s28] =	ssyncset.done $0x0  }
0x21b: {  	[sflag:s28] =	ssyncadd.s32 $0xFFFFE000  }
0x21c: {  	[spmem:s0] =	stream.linear.scatter [tilespmem:s10], [sflag:$0xE], $0x2000, $0x38;
	[tilespmem:$0x1D400] =	vst v63  }
0x21d: {  	_ =	swait.ge [sflag:s9], $0x2000  }
0x21e: {  	[sflag:s9] =	ssyncset.done $0x0  }
0x21f: {  	s2 =	rddreg [dreg:$0x1a];
	[sflag:s9] =	ssyncadd.s32 $0xFFFFE000  }
0x220: {  	[spmem:s2] =	stream.linear.scatter [tilespmem:s10], [sflag:$0xE], $0x2000, $0x38;
	[tilespmem:$0x1D400] =	vst v63  }
0x221: {  	_ =	swait.ge [sflag:s9], $0x2000  }
0x222: {  	[sflag:s9] =	ssyncset.done $0x0  }
0x223: {  	s31 =	rddreg [dreg:$0x1b];
	[sflag:s9] =	ssyncadd.s32 $0xFFFFE000  }
0x224: {  	[spmem:s31] =	stream.linear.scatter [tilespmem:s10], [sflag:$0xE], $0x2000, $0x38;
	[tilespmem:$0x1D400] =	vst v63  }
0x225: {  	_ =	swait.ge [sflag:s9], $0x2000  }
0x226: {  	[sflag:s9] =	ssyncset.done $0x0  }
0x227: {  	s30 =	rddreg [dreg:$0x1c];
	[sflag:s9] =	ssyncadd.s32 $0xFFFFE000  }
0x228: {  	[spmem:s30] =	stream.linear.scatter [tilespmem:s10], [sflag:$0xE], $0x2000, $0x38;
	[tilespmem:$0x1D400] =	vst v63  }
0x229: {  	_ =	swait.ge [sflag:s9], $0x2000  }
0x22a: {  	[sflag:s9] =	ssyncset.done $0x0  }
0x22b: {  	s31 =	rddreg [dreg:$0x1d];
	[sflag:s9] =	ssyncadd.s32 $0xFFFFE000  }
0x22c: {  	[spmem:s31] =	stream.linear.scatter [tilespmem:s10], [sflag:$0xE], $0x2000, $0x38;
	[tilespmem:$0x1D400] =	vst v63  }
.Ltmp9:
0x22d: {  	_ =	swait.ge [sflag:s9], $0x2000;
	(pc) =	sbr.rel .LBB2_10-.Ltmp9, $4  }
0x22e: {  	[sflag:s9] =	ssyncset.done $0x0  }
0x22f: {  	[sflag:s9] =	ssyncadd.s32 $0xFFFFE000  }
0x230: {  	[bflag:$0x0] =	sbarrier.arrive $0xFFFF  }
0x231: {  	s29 =	sadd.s32 $0x1, s29  }
.LBB2_17:
0x232: {  	_ =	sfence.sel $0x180000  }
0x233: {  	[bflag:$0x0] =	sbarrier.arrive $0xFFFF  }
0x234: {  	_ =	strace $0x90000047  }
0x235: {  	s0 =	stileid.u32;
	[bflag:$0x2] =	sbarrier.arrive $0xFFFF  }
0x236: {  	p0 =	sne.s32 s0, $0x0;
	s0 =	rddreg [dreg:$0x4]  }
0x237: {  	s0 =	sadd.s32 @!p0 $0x100000, s0  }
0x238: {  	[sflag:s0] =	ssyncadd.tile.s32 @!p0 $0x1;
	_ =	shalt  }
.Lfunc_end2:
_tile_overlayer_lowered:
.L_overlay_start_2:
0x239: {  	(tag) =	ssettag $0x2  }
0x23a: {  	s0 =	rddreg [dreg:$0x0];
	s2 =	stileid.u32  }
0x23b: {  	s1 =	rddreg [dreg:$0x1];
	p0 =	sne.s32 s2, $0x0  }
0x23c: {  	s3 =	rddreg [dreg:$0x2];
	[bflag:$0x3] =	sbarrier.arrive $0xFFFF;
	s2 =	simm.s32 @!p0 $0x1C0E  }
0x23d: {  	[timem:s3], [sflag:s2] =	dma.local @!p0 [hbm:s0], s1  }
0x23e: {  	s0 =	simm.s32 @!p0 $0xE  }
0x23f: {  	_ =	swait.ge @!p0 [sflag:s0], s1  }
0x240: {  	s1 =	ssub.s32 @!p0 $0x0, s1;
	[sflag:s0] =	ssyncset.done @!p0 $0x0  }
0x241: {  	[sflag:s0] =	ssyncadd.s32 @!p0 s1  }
0x242: {  	[bflag:$0x3] =	sbarrier.arrive $0xFFFF  }
0x243: {  	_ =	shalt  }

</sc_bundles>
